<compile_context>
chip_gen: v7x
topology: tpu7x:2x2x1
jax: 0.10.2.dev20260603
libtpu: 0.0.44.dev20260713+nightly
codegen_flags: <defaults>
</compile_context>

<pallas_src>
import functools

import jax
import jax.numpy as jnp
from jax import lax
from jax.experimental import pallas as pl
from jax.experimental.pallas import tpu as pltpu
from jax.experimental.pallas import tpu_sc as plsc

B = 16384
S = 50
D = 64
TAB = 64
NC = 2
NS = 16
NW = NC * NS
RPW = B // NW
G = 16
NG = RPW // G
GP = G * S
GE = GP * D


def _build():
    mesh = plsc.VectorSubcoreMesh(core_axis_name="c", subcore_axis_name="s")

    @functools.partial(
        pl.kernel,
        mesh=mesh,
        compiler_params=pltpu.CompilerParams(
            needs_layout_passes=False, use_tc_tiling_on_sc=False,
            disable_bounds_checks=True),
        out_type=jax.ShapeDtypeStruct((B * S * D,), jnp.float32),
        scratch_types=[
            pltpu.VMEM((TAB * D,), jnp.float32),
            pltpu.VMEM((2, GP), jnp.int32),
            pltpu.VMEM((2, GE), jnp.float32),
            pltpu.SemaphoreType.DMA,
            pltpu.SemaphoreType.DMA,
            pltpu.SemaphoreType.DMA,
            pltpu.SemaphoreType.DMA,
        ],
    )
    def emb_kernel(in_hbm, w_hbm, out_hbm, tab_ref, tok_ref, out_ref,
                   tsem0, tsem1, wsem0, wsem1):
        wid = lax.axis_index("s") * NC + lax.axis_index("c")
        flat0 = wid * RPW * S

        pltpu.sync_copy(w_hbm.at[pl.ds(0, TAB * D)], tab_ref)

        iota = lax.iota(jnp.int32, 16)
        lane_tok = iota * S
        lane_out = iota * (S * D)

        tsems = (tsem0, tsem1)
        wsems = (wsem0, wsem1)

        def tok_fetch(g, slot):
            return pltpu.make_async_copy(
                in_hbm.at[pl.ds(flat0 + g * GP, GP)], tok_ref.at[slot],
                tsems[slot])

        def out_write(g, slot):
            return pltpu.make_async_copy(
                out_ref.at[slot],
                out_hbm.at[pl.ds((flat0 + g * GP) * D, GE)], wsems[slot])

        tok_fetch(0, 0).start()

        def group_body(i, carry):
            for b in range(2):
                g = 2 * i + b
                ob = 1 - b
                @pl.when(g + 1 < NG)
                def _():
                    tok_fetch(g + 1, ob).start()
                tok_fetch(g, b).wait()
                @pl.when(g >= 2)
                def _():
                    out_write(g - 2, b).wait()

                def step(s, running):
                    tok = plsc.load_gather(tok_ref.at[b], [lane_tok + s])
                    m = tok != 0
                    running = running + m.astype(jnp.int32)
                    pos = jnp.where(m, running, 0)
                    src = pos * D + iota
                    dst = lane_out + s * D + iota
                    lag = 8
                    vals = {}
                    for j in range(D + lag):
                        if j < D:
                            vals[j] = (dst, plsc.load_gather(tab_ref, [src]))
                            if j + 1 < D:
                                bit = (j + 1) & -(j + 1)
                                src = jnp.bitwise_xor(src, bit)
                                dst = jnp.bitwise_xor(dst, bit)
                        if j >= lag:
                            d, v = vals.pop(j - lag)
                            plsc.store_scatter(out_ref.at[b], [d], v)
                    return running

                lax.fori_loop(0, S, step, jnp.zeros((16,), jnp.int32))
                out_write(g, b).start()
            return carry

        lax.fori_loop(0, NG // 2, group_body, 0)

        out_write(NG - 2, 0).wait()
        out_write(NG - 1, 1).wait()

    return emb_kernel


_EMB = _build()


@jax.jit
def kernel(input, weights):
    out = _EMB(input.reshape(B * S), weights.reshape(1024 * D))
    return out.reshape(B, S, D)

# --- scband reference (transcript-rebuilt; emitter-appended) ---
"""Pipeline reference for scband-sinusoidal-positional-embedding-85950885528457 (READ-ONLY COPY).

The authoritative reference and input builder live on the scoring server;
editing this copy changes nothing except your own understanding.
"""

import math
import jax, jax.numpy as jnp
import numpy as np

PAD_IDX = 0
EMBED_DIM = 64
INIT_SIZE = 1024
BSZ = 16384
SEQ_LEN = 50


def get_embedding(num_embed, embed_dim, pad_idx=None):
    half_dim = embed_dim // 2
    scale = math.log(10000) / (half_dim - 1)
    emb = jnp.exp(jnp.arange(half_dim, dtype=jnp.float32) * -scale)
    emb = jnp.arange(num_embed, dtype=jnp.float32)[:, None] * emb[None, :]
    emb = jnp.concatenate([jnp.sin(emb), jnp.cos(emb)], axis=1).reshape(num_embed, -1)
    if embed_dim % 2 == 1:
        emb = jnp.concatenate([emb, jnp.zeros((num_embed, 1), dtype=jnp.float32)], axis=1)
    if pad_idx is not None:
        emb = emb.at[pad_idx, :].set(0.0)
    return emb


def setup_inputs(seed: int = 0) -> dict:
    key = jax.random.key(seed)
    k1, _ = jax.random.split(key)
    inp = jax.random.randint(k1, (BSZ, SEQ_LEN), 0, 1000, dtype=jnp.int32)
    weights = get_embedding(INIT_SIZE, EMBED_DIM, PAD_IDX)
    return {"input": inp, "weights": weights}


def make_positions(tokens, pad_idx):
    # fairseq utils.make_positions: non-pad tokens get positions
    # pad_idx+1, pad_idx+2, ...; pad tokens get pad_idx.
    mask = (tokens != pad_idx)
    positions = jnp.cumsum(mask.astype(jnp.int32), axis=1) * mask.astype(jnp.int32) + pad_idx
    return positions


def reference(input, weights):
    bsz, seq_len = input.shape
    positions = make_positions(input, PAD_IDX)
    flat = positions.reshape(-1)
    out = jnp.take(weights, flat, axis=0).reshape(bsz, seq_len, -1)
    return out

if __name__ == "__main__":
    import jax
    _d = setup_inputs()
    print(jax.jit(kernel)(*tuple(_d.values())))

</pallas_src>

<mosaic_0001>
#map = affine_map<(d0, d1) -> (0)>
module attributes {stable_mosaic.version = 14 : i64} {
  func.func @emb_kernel(%arg0: i32, %arg1: i32, %arg2: memref<819200xi32, #tpu.memory_space<hbm>>, %arg3: memref<65536xf32, #tpu.memory_space<hbm>>, %arg4: memref<52428800xf32, #tpu.memory_space<hbm>>, %arg5: memref<4096xf32, #tpu.memory_space<vmem>>, %arg6: memref<2x800xi32, #tpu.memory_space<vmem>>, %arg7: memref<2x51200xf32, #tpu.memory_space<vmem>>, %arg8: memref<!tpu.dma_semaphore, #tpu.memory_space<semaphore_mem>>, %arg9: memref<!tpu.dma_semaphore, #tpu.memory_space<semaphore_mem>>, %arg10: memref<!tpu.dma_semaphore, #tpu.memory_space<semaphore_mem>>, %arg11: memref<!tpu.dma_semaphore, #tpu.memory_space<semaphore_mem>>) attributes {dimension_semantics = [#tpu.dimension_semantics<core_parallel>, #tpu.dimension_semantics<subcore_parallel>], iteration_bounds = array<i64: 2, 16>, scalar_prefetch = 0 : i64, scratch_operands = 7 : i64, tpu.core_type = #tpu.core_type<sc_vector_subcore>, window_params = [{transform_indices = #map}, {transform_indices = #map}, {transform_indices = #map}]} {
    %mul3A = arith.constant 2 : i32
    %mul3A_0 = arith.muli %arg1, %mul3A : i32
    %add3A = arith.addi %mul3A_0, %arg0 : i32
    %mul3A_1 = arith.constant 512 : i32
    %mul3A_2 = arith.muli %add3A, %mul3A_1 : i32
    %mul3A_3 = arith.constant 50 : i32
    %mul3A_4 = arith.muli %mul3A_2, %mul3A_3 : i32
    "tpu.region"() ({
      %run_scoped3A = tpu.sem_alloc : memref<!tpu.dma_semaphore, #tpu.memory_space<semaphore_mem>>
      %dma_start3A_51 = arith.constant 0 : i32
      %dma_start3A_52 = tpu.memref_slice %arg3[%dma_start3A_51] : memref<65536xf32, #tpu.memory_space<hbm>> -> memref<4096xf32, #tpu.memory_space<hbm>>
      %dma_start3A_53 = arith.constant 0 : i32
      %dma_start3A_54 = tpu.memref_slice %arg3[%dma_start3A_53] : memref<65536xf32, #tpu.memory_space<hbm>> -> memref<4096xf32, #tpu.memory_space<hbm>>
      tpu.enqueue_dma source(%dma_start3A_54 : memref<4096xf32, #tpu.memory_space<hbm>>) target(%arg5 : memref<4096xf32, #tpu.memory_space<vmem>>) target_semaphore(%run_scoped3A : memref<!tpu.dma_semaphore, #tpu.memory_space<semaphore_mem>>)
      %dma_wait3A_55 = arith.constant 0 : i32
      %dma_wait3A_56 = tpu.memref_slice %arg3[%dma_wait3A_55] : memref<65536xf32, #tpu.memory_space<hbm>> -> memref<4096xf32, #tpu.memory_space<hbm>>
      %dma_wait3A_57 = arith.constant 0 : i32
      %dma_wait3A_58 = tpu.memref_slice %arg3[%dma_wait3A_57] : memref<65536xf32, #tpu.memory_space<hbm>> -> memref<4096xf32, #tpu.memory_space<hbm>>
      tpu.wait_dma2 semaphore(%run_scoped3A : memref<!tpu.dma_semaphore, #tpu.memory_space<semaphore_mem>>) src(%dma_wait3A_58 : memref<4096xf32, #tpu.memory_space<hbm>>) dst(%arg5 : memref<4096xf32, #tpu.memory_space<vmem>>)
      tpu.yield
    }) : () -> ()
    %iota3A = tpu.iota {dimensions = array<i32: 0>} : vector<16xi32>
    %mul3A_5 = arith.constant 50 : i32
    %mul3A_6 = vector.broadcast %mul3A_5 : i32 to vector<16xi32>
    %mul3A_7 = arith.muli %iota3A, %mul3A_6 : vector<16xi32>
    %mul3A_8 = arith.constant 3200 : i32
    %mul3A_9 = vector.broadcast %mul3A_8 : i32 to vector<16xi32>
    %mul3A_10 = arith.muli %iota3A, %mul3A_9 : vector<16xi32>
    %add3A_11 = arith.constant 0 : i32
    %add3A_12 = arith.addi %mul3A_4, %add3A_11 : i32
    %dma_start3A = arith.constant 0 : i32
    %dma_start3A_13 = arith.constant 0 : i32
    %dma_start3A_14 = tpu.memref_slice %arg6[%dma_start3A, %dma_start3A_13] : memref<2x800xi32, #tpu.memory_space<vmem>> -> memref<1x800xi32, #tpu.memory_space<vmem>>
    %dma_start3A_15 = tpu.memref_squeeze %dma_start3A_14 : memref<1x800xi32, #tpu.memory_space<vmem>> -> memref<800xi32, #tpu.memory_space<vmem>>
    %dma_start3A_16 = tpu.memref_slice %arg2[%add3A_12] : memref<819200xi32, #tpu.memory_space<hbm>> -> memref<800xi32, #tpu.memory_space<hbm>>
    %dma_start3A_17 = arith.constant 0 : i32
    %dma_start3A_18 = tpu.memref_slice %arg6[%dma_start3A, %dma_start3A_17] : memref<2x800xi32, #tpu.memory_space<vmem>> -> memref<1x800xi32, #tpu.memory_space<vmem>>
    %dma_start3A_19 = tpu.memref_squeeze %dma_start3A_18 : memref<1x800xi32, #tpu.memory_space<vmem>> -> memref<800xi32, #tpu.memory_space<vmem>>
    %dma_start3A_20 = tpu.memref_slice %arg2[%add3A_12] : memref<819200xi32, #tpu.memory_space<hbm>> -> memref<800xi32, #tpu.memory_space<hbm>>
    tpu.enqueue_dma source(%dma_start3A_20 : memref<800xi32, #tpu.memory_space<hbm>>) target(%dma_start3A_19 : memref<800xi32, #tpu.memory_space<vmem>>) target_semaphore(%arg8 : memref<!tpu.dma_semaphore, #tpu.memory_space<semaphore_mem>>)
    %scan3A = arith.constant 0 : i32
    %scan3A_21 = arith.constant 0 : i32
    %scan3A_22 = arith.constant 16 : i32
    %scan3A_23 = arith.addi %scan3A_21, %scan3A_22 : i32
    %scan3A_24 = arith.constant 1 : i32
    scf.for %scan3A_51 = %scan3A_21 to %scan3A_23 step %scan3A_24  : i32 {
      %mul3A_52 = arith.constant 2 : i32
      %mul3A_53 = arith.muli %mul3A_52, %scan3A_51 : i32
      %add3A_54 = arith.constant 0 : i32
      %add3A_55 = arith.addi %mul3A_53, %add3A_54 : i32
      %add3A_56 = arith.constant 1 : i32
      %add3A_57 = arith.addi %add3A_55, %add3A_56 : i32
      %lt3A = arith.constant 32 : i32
      %lt3A_58 = arith.cmpi slt, %add3A_57, %lt3A : i32
      %convert_element_type3A = arith.extui %lt3A_58 : i1 to i32
      %cond3A = arith.constant 0 : i32
      %cond3A_59 = arith.cmpi ne, %convert_element_type3A, %cond3A : i32
      scf.if %cond3A_59 {
        %add3A_147 = arith.constant 1 : i32
        %add3A_148 = arith.addi %add3A_55, %add3A_147 : i32
        %mul3A_149 = arith.constant 800 : i32
        %mul3A_150 = arith.muli %add3A_148, %mul3A_149 : i32
        %add3A_151 = arith.addi %mul3A_4, %mul3A_150 : i32
        %dma_start3A_152 = arith.constant 1 : i32
        %dma_start3A_153 = arith.constant 0 : i32
        %dma_start3A_154 = tpu.memref_slice %arg6[%dma_start3A_152, %dma_start3A_153] : memref<2x800xi32, #tpu.memory_space<vmem>> -> memref<1x800xi32, #tpu.memory_space<vmem>>
        %dma_start3A_155 = tpu.memref_squeeze %dma_start3A_154 : memref<1x800xi32, #tpu.memory_space<vmem>> -> memref<800xi32, #tpu.memory_space<vmem>>
        %dma_start3A_156 = tpu.memref_slice %arg2[%add3A_151] : memref<819200xi32, #tpu.memory_space<hbm>> -> memref<800xi32, #tpu.memory_space<hbm>>
        %dma_start3A_157 = arith.constant 0 : i32
        %dma_start3A_158 = tpu.memref_slice %arg6[%dma_start3A_152, %dma_start3A_157] : memref<2x800xi32, #tpu.memory_space<vmem>> -> memref<1x800xi32, #tpu.memory_space<vmem>>
        %dma_start3A_159 = tpu.memref_squeeze %dma_start3A_158 : memref<1x800xi32, #tpu.memory_space<vmem>> -> memref<800xi32, #tpu.memory_space<vmem>>
        %dma_start3A_160 = tpu.memref_slice %arg2[%add3A_151] : memref<819200xi32, #tpu.memory_space<hbm>> -> memref<800xi32, #tpu.memory_space<hbm>>
        tpu.enqueue_dma source(%dma_start3A_160 : memref<800xi32, #tpu.memory_space<hbm>>) target(%dma_start3A_159 : memref<800xi32, #tpu.memory_space<vmem>>) target_semaphore(%arg9 : memref<!tpu.dma_semaphore, #tpu.memory_space<semaphore_mem>>)
      } else {
      }
      %mul3A_60 = arith.constant 800 : i32
      %mul3A_61 = arith.muli %add3A_55, %mul3A_60 : i32
      %add3A_62 = arith.addi %mul3A_4, %mul3A_61 : i32
      %dma_wait3A_63 = arith.constant 0 : i32
      %dma_wait3A_64 = arith.constant 0 : i32
      %dma_wait3A_65 = tpu.memref_slice %arg6[%dma_wait3A_63, %dma_wait3A_64] : memref<2x800xi32, #tpu.memory_space<vmem>> -> memref<1x800xi32, #tpu.memory_space<vmem>>
      %dma_wait3A_66 = tpu.memref_squeeze %dma_wait3A_65 : memref<1x800xi32, #tpu.memory_space<vmem>> -> memref<800xi32, #tpu.memory_space<vmem>>
      %dma_wait3A_67 = tpu.memref_slice %arg2[%add3A_62] : memref<819200xi32, #tpu.memory_space<hbm>> -> memref<800xi32, #tpu.memory_space<hbm>>
      %dma_wait3A_68 = arith.constant 0 : i32
      %dma_wait3A_69 = tpu.memref_slice %arg6[%dma_wait3A_63, %dma_wait3A_68] : memref<2x800xi32, #tpu.memory_space<vmem>> -> memref<1x800xi32, #tpu.memory_space<vmem>>
      %dma_wait3A_70 = tpu.memref_squeeze %dma_wait3A_69 : memref<1x800xi32, #tpu.memory_space<vmem>> -> memref<800xi32, #tpu.memory_space<vmem>>
      %dma_wait3A_71 = tpu.memref_slice %arg2[%add3A_62] : memref<819200xi32, #tpu.memory_space<hbm>> -> memref<800xi32, #tpu.memory_space<hbm>>
      tpu.wait_dma2 semaphore(%arg8 : memref<!tpu.dma_semaphore, #tpu.memory_space<semaphore_mem>>) src(%dma_wait3A_71 : memref<800xi32, #tpu.memory_space<hbm>>) dst(%dma_wait3A_70 : memref<800xi32, #tpu.memory_space<vmem>>)
      %ge3A = arith.constant 2 : i32
      %ge3A_72 = arith.cmpi sge, %add3A_55, %ge3A : i32
      %convert_element_type3A_73 = arith.extui %ge3A_72 : i1 to i32
      %cond3A_74 = arith.constant 0 : i32
      %cond3A_75 = arith.cmpi ne, %convert_element_type3A_73, %cond3A_74 : i32
      scf.if %cond3A_75 {
        %sub3A = arith.constant 2 : i32
        %sub3A_147 = arith.subi %add3A_55, %sub3A : i32
        %mul3A_148 = arith.constant 800 : i32
        %mul3A_149 = arith.muli %sub3A_147, %mul3A_148 : i32
        %add3A_150 = arith.addi %mul3A_4, %mul3A_149 : i32
        %mul3A_151 = arith.constant 64 : i32
        %mul3A_152 = arith.muli %add3A_150, %mul3A_151 : i32
        %dma_wait3A_153 = arith.constant 0 : i32
        %dma_wait3A_154 = arith.constant 0 : i32
        %dma_wait3A_155 = tpu.memref_slice %arg7[%dma_wait3A_153, %dma_wait3A_154] : memref<2x51200xf32, #tpu.memory_space<vmem>> -> memref<1x51200xf32, #tpu.memory_space<vmem>>
        %dma_wait3A_156 = tpu.memref_squeeze %dma_wait3A_155 : memref<1x51200xf32, #tpu.memory_space<vmem>> -> memref<51200xf32, #tpu.memory_space<vmem>>
        %dma_wait3A_157 = tpu.memref_slice %arg4[%mul3A_152] : memref<52428800xf32, #tpu.memory_space<hbm>> -> memref<51200xf32, #tpu.memory_space<hbm>>
        %dma_wait3A_158 = tpu.memref_slice %arg4[%mul3A_152] : memref<52428800xf32, #tpu.memory_space<hbm>> -> memref<51200xf32, #tpu.memory_space<hbm>>
        %dma_wait3A_159 = arith.constant 0 : i32
        %dma_wait3A_160 = tpu.memref_slice %arg7[%dma_wait3A_153, %dma_wait3A_159] : memref<2x51200xf32, #tpu.memory_space<vmem>> -> memref<1x51200xf32, #tpu.memory_space<vmem>>
        %dma_wait3A_161 = tpu.memref_squeeze %dma_wait3A_160 : memref<1x51200xf32, #tpu.memory_space<vmem>> -> memref<51200xf32, #tpu.memory_space<vmem>>
        tpu.wait_dma2 semaphore(%arg10 : memref<!tpu.dma_semaphore, #tpu.memory_space<semaphore_mem>>) src(%dma_wait3A_161 : memref<51200xf32, #tpu.memory_space<vmem>>) dst(%dma_wait3A_158 : memref<51200xf32, #tpu.memory_space<hbm>>)
      } else {
      }
      %broadcast_in_dim3A = arith.constant 0 : i32
      %broadcast_in_dim3A_76 = vector.broadcast %broadcast_in_dim3A : i32 to vector<16xi32>
      %scan3A_77 = arith.constant 0 : i32
      %scan3A_78 = arith.constant 50 : i32
      %scan3A_79 = arith.addi %scan3A_77, %scan3A_78 : i32
      %scan3A_80 = arith.constant 1 : i32
      %scan3A_81 = scf.for %scan3A_147 = %scan3A_77 to %scan3A_79 step %scan3A_80 iter_args(%scan3A_148 = %broadcast_in_dim3A_76) -> (vector<16xi32>)  : i32 {
        %add3A_149 = vector.broadcast %scan3A_147 : i32 to vector<16xi32>
        %add3A_150 = arith.addi %mul3A_7, %add3A_149 : vector<16xi32>
        %gather3A = arith.constant 0 : i32
        %gather3A_151 = arith.constant 0 : i32
        %gather3A_152 = tpu.memref_slice %arg6[%gather3A, %gather3A_151] : memref<2x800xi32, #tpu.memory_space<vmem>> -> memref<1x800xi32, #tpu.memory_space<vmem>>
        %gather3A_153 = tpu.memref_squeeze %gather3A_152 : memref<1x800xi32, #tpu.memory_space<vmem>> -> memref<800xi32, #tpu.memory_space<vmem>>
        %gather3A_154 = tpu.vector_load_idx %gather3A_153[%add3A_150] : memref<800xi32, #tpu.memory_space<vmem>>[vector<16xi32>], vector<16xi32>,
        %ne3A = arith.constant 0 : i32
        %ne3A_155 = vector.broadcast %ne3A : i32 to vector<16xi32>
        %ne3A_156 = arith.cmpi ne, %gather3A_154, %ne3A_155 : vector<16xi32>
        %convert_element_type3A_157 = arith.extui %ne3A_156 : vector<16xi1> to vector<16xi32>
        %add3A_158 = arith.addi %scan3A_148, %convert_element_type3A_157 : vector<16xi32>
        %jit3A = arith.constant 0 : i32
        %broadcast_in_dim3A_159 = vector.broadcast %jit3A : i32 to vector<16xi32>
        %select_n3A = arith.select %ne3A_156, %add3A_158, %broadcast_in_dim3A_159 : vector<16xi1>, vector<16xi32>
        %mul3A_160 = arith.constant 64 : i32
        %mul3A_161 = vector.broadcast %mul3A_160 : i32 to vector<16xi32>
        %mul3A_162 = arith.muli %select_n3A, %mul3A_161 : vector<16xi32>
        %add3A_163 = arith.addi %mul3A_162, %iota3A : vector<16xi32>
        %mul3A_164 = arith.constant 64 : i32
        %mul3A_165 = arith.muli %scan3A_147, %mul3A_164 : i32
        %add3A_166 = vector.broadcast %mul3A_165 : i32 to vector<16xi32>
        %add3A_167 = arith.addi %mul3A_10, %add3A_166 : vector<16xi32>
        %add3A_168 = arith.addi %add3A_167, %iota3A : vector<16xi32>
        %gather3A_169 = tpu.vector_load_idx %arg5[%add3A_163] : memref<4096xf32, #tpu.memory_space<vmem>>[vector<16xi32>], vector<16xf32>,
        %xor3A = arith.constant 1 : i32
        %xor3A_170 = vector.broadcast %xor3A : i32 to vector<16xi32>
        %xor3A_171 = arith.xori %add3A_163, %xor3A_170 : vector<16xi32>
        %xor3A_172 = arith.constant 1 : i32
        %xor3A_173 = vector.broadcast %xor3A_172 : i32 to vector<16xi32>
        %xor3A_174 = arith.xori %add3A_168, %xor3A_173 : vector<16xi32>
        %gather3A_175 = tpu.vector_load_idx %arg5[%xor3A_171] : memref<4096xf32, #tpu.memory_space<vmem>>[vector<16xi32>], vector<16xf32>,
        %xor3A_176 = arith.constant 2 : i32
        %xor3A_177 = vector.broadcast %xor3A_176 : i32 to vector<16xi32>
        %xor3A_178 = arith.xori %xor3A_171, %xor3A_177 : vector<16xi32>
        %xor3A_179 = arith.constant 2 : i32
        %xor3A_180 = vector.broadcast %xor3A_179 : i32 to vector<16xi32>
        %xor3A_181 = arith.xori %xor3A_174, %xor3A_180 : vector<16xi32>
        %gather3A_182 = tpu.vector_load_idx %arg5[%xor3A_178] : memref<4096xf32, #tpu.memory_space<vmem>>[vector<16xi32>], vector<16xf32>,
        %xor3A_183 = arith.constant 1 : i32
        %xor3A_184 = vector.broadcast %xor3A_183 : i32 to vector<16xi32>
        %xor3A_185 = arith.xori %xor3A_178, %xor3A_184 : vector<16xi32>
        %xor3A_186 = arith.constant 1 : i32
        %xor3A_187 = vector.broadcast %xor3A_186 : i32 to vector<16xi32>
        %xor3A_188 = arith.xori %xor3A_181, %xor3A_187 : vector<16xi32>
        %gather3A_189 = tpu.vector_load_idx %arg5[%xor3A_185] : memref<4096xf32, #tpu.memory_space<vmem>>[vector<16xi32>], vector<16xf32>,
        %xor3A_190 = arith.constant 4 : i32
        %xor3A_191 = vector.broadcast %xor3A_190 : i32 to vector<16xi32>
        %xor3A_192 = arith.xori %xor3A_185, %xor3A_191 : vector<16xi32>
        %xor3A_193 = arith.constant 4 : i32
        %xor3A_194 = vector.broadcast %xor3A_193 : i32 to vector<16xi32>
        %xor3A_195 = arith.xori %xor3A_188, %xor3A_194 : vector<16xi32>
        %gather3A_196 = tpu.vector_load_idx %arg5[%xor3A_192] : memref<4096xf32, #tpu.memory_space<vmem>>[vector<16xi32>], vector<16xf32>,
        %xor3A_197 = arith.constant 1 : i32
        %xor3A_198 = vector.broadcast %xor3A_197 : i32 to vector<16xi32>
        %xor3A_199 = arith.xori %xor3A_192, %xor3A_198 : vector<16xi32>
        %xor3A_200 = arith.constant 1 : i32
        %xor3A_201 = vector.broadcast %xor3A_200 : i32 to vector<16xi32>
        %xor3A_202 = arith.xori %xor3A_195, %xor3A_201 : vector<16xi32>
        %gather3A_203 = tpu.vector_load_idx %arg5[%xor3A_199] : memref<4096xf32, #tpu.memory_space<vmem>>[vector<16xi32>], vector<16xf32>,
        %xor3A_204 = arith.constant 2 : i32
        %xor3A_205 = vector.broadcast %xor3A_204 : i32 to vector<16xi32>
        %xor3A_206 = arith.xori %xor3A_199, %xor3A_205 : vector<16xi32>
        %xor3A_207 = arith.constant 2 : i32
        %xor3A_208 = vector.broadcast %xor3A_207 : i32 to vector<16xi32>
        %xor3A_209 = arith.xori %xor3A_202, %xor3A_208 : vector<16xi32>
        %gather3A_210 = tpu.vector_load_idx %arg5[%xor3A_206] : memref<4096xf32, #tpu.memory_space<vmem>>[vector<16xi32>], vector<16xf32>,
        %xor3A_211 = arith.constant 1 : i32
        %xor3A_212 = vector.broadcast %xor3A_211 : i32 to vector<16xi32>
        %xor3A_213 = arith.xori %xor3A_206, %xor3A_212 : vector<16xi32>
        %xor3A_214 = arith.constant 1 : i32
        %xor3A_215 = vector.broadcast %xor3A_214 : i32 to vector<16xi32>
        %xor3A_216 = arith.xori %xor3A_209, %xor3A_215 : vector<16xi32>
        %gather3A_217 = tpu.vector_load_idx %arg5[%xor3A_213] : memref<4096xf32, #tpu.memory_space<vmem>>[vector<16xi32>], vector<16xf32>,
        %xor3A_218 = arith.constant 8 : i32
        %xor3A_219 = vector.broadcast %xor3A_218 : i32 to vector<16xi32>
        %xor3A_220 = arith.xori %xor3A_213, %xor3A_219 : vector<16xi32>
        %xor3A_221 = arith.constant 8 : i32
        %xor3A_222 = vector.broadcast %xor3A_221 : i32 to vector<16xi32>
        %xor3A_223 = arith.xori %xor3A_216, %xor3A_222 : vector<16xi32>
        %gather3A_224 = tpu.vector_load_idx %arg5[%xor3A_220] : memref<4096xf32, #tpu.memory_space<vmem>>[vector<16xi32>], vector<16xf32>,
        %xor3A_225 = arith.constant 1 : i32
        %xor3A_226 = vector.broadcast %xor3A_225 : i32 to vector<16xi32>
        %xor3A_227 = arith.xori %xor3A_220, %xor3A_226 : vector<16xi32>
        %xor3A_228 = arith.constant 1 : i32
        %xor3A_229 = vector.broadcast %xor3A_228 : i32 to vector<16xi32>
        %xor3A_230 = arith.xori %xor3A_223, %xor3A_229 : vector<16xi32>
        %scatter3A = arith.constant 0 : i32
        %scatter3A_231 = arith.constant 0 : i32
        %scatter3A_232 = tpu.memref_slice %arg7[%scatter3A, %scatter3A_231] : memref<2x51200xf32, #tpu.memory_space<vmem>> -> memref<1x51200xf32, #tpu.memory_space<vmem>>
        %scatter3A_233 = tpu.memref_squeeze %scatter3A_232 : memref<1x51200xf32, #tpu.memory_space<vmem>> -> memref<51200xf32, #tpu.memory_space<vmem>>
        tpu.vector_store_idx %scatter3A_233[%add3A_168], %gather3A_169 : memref<51200xf32, #tpu.memory_space<vmem>>[vector<16xi32>], vector<16xf32>,
        %gather3A_234 = tpu.vector_load_idx %arg5[%xor3A_227] : memref<4096xf32, #tpu.memory_space<vmem>>[vector<16xi32>], vector<16xf32>,
        %xor3A_235 = arith.constant 2 : i32
        %xor3A_236 = vector.broadcast %xor3A_235 : i32 to vector<16xi32>
        %xor3A_237 = arith.xori %xor3A_227, %xor3A_236 : vector<16xi32>
        %xor3A_238 = arith.constant 2 : i32
        %xor3A_239 = vector.broadcast %xor3A_238 : i32 to vector<16xi32>
        %xor3A_240 = arith.xori %xor3A_230, %xor3A_239 : vector<16xi32>
        %scatter3A_241 = arith.constant 0 : i32
        %scatter3A_242 = arith.constant 0 : i32
        %scatter3A_243 = tpu.memref_slice %arg7[%scatter3A_241, %scatter3A_242] : memref<2x51200xf32, #tpu.memory_space<vmem>> -> memref<1x51200xf32, #tpu.memory_space<vmem>>
        %scatter3A_244 = tpu.memref_squeeze %scatter3A_243 : memref<1x51200xf32, #tpu.memory_space<vmem>> -> memref<51200xf32, #tpu.memory_space<vmem>>
        tpu.vector_store_idx %scatter3A_244[%xor3A_174], %gather3A_175 : memref<51200xf32, #tpu.memory_space<vmem>>[vector<16xi32>], vector<16xf32>,
        %gather3A_245 = tpu.vector_load_idx %arg5[%xor3A_237] : memref<4096xf32, #tpu.memory_space<vmem>>[vector<16xi32>], vector<16xf32>,
        %xor3A_246 = arith.constant 1 : i32
        %xor3A_247 = vector.broadcast %xor3A_246 : i32 to vector<16xi32>
        %xor3A_248 = arith.xori %xor3A_237, %xor3A_247 : vector<16xi32>
        %xor3A_249 = arith.constant 1 : i32
        %xor3A_250 = vector.broadcast %xor3A_249 : i32 to vector<16xi32>
        %xor3A_251 = arith.xori %xor3A_240, %xor3A_250 : vector<16xi32>
        %scatter3A_252 = arith.constant 0 : i32
        %scatter3A_253 = arith.constant 0 : i32
        %scatter3A_254 = tpu.memref_slice %arg7[%scatter3A_252, %scatter3A_253] : memref<2x51200xf32, #tpu.memory_space<vmem>> -> memref<1x51200xf32, #tpu.memory_space<vmem>>
        %scatter3A_255 = tpu.memref_squeeze %scatter3A_254 : memref<1x51200xf32, #tpu.memory_space<vmem>> -> memref<51200xf32, #tpu.memory_space<vmem>>
        tpu.vector_store_idx %scatter3A_255[%xor3A_181], %gather3A_182 : memref<51200xf32, #tpu.memory_space<vmem>>[vector<16xi32>], vector<16xf32>,
        %gather3A_256 = tpu.vector_load_idx %arg5[%xor3A_248] : memref<4096xf32, #tpu.memory_space<vmem>>[vector<16xi32>], vector<16xf32>,
        %xor3A_257 = arith.constant 4 : i32
        %xor3A_258 = vector.broadcast %xor3A_257 : i32 to vector<16xi32>
        %xor3A_259 = arith.xori %xor3A_248, %xor3A_258 : vector<16xi32>
        %xor3A_260 = arith.constant 4 : i32
        %xor3A_261 = vector.broadcast %xor3A_260 : i32 to vector<16xi32>
        %xor3A_262 = arith.xori %xor3A_251, %xor3A_261 : vector<16xi32>
        %scatter3A_263 = arith.constant 0 : i32
        %scatter3A_264 = arith.constant 0 : i32
        %scatter3A_265 = tpu.memref_slice %arg7[%scatter3A_263, %scatter3A_264] : memref<2x51200xf32, #tpu.memory_space<vmem>> -> memref<1x51200xf32, #tpu.memory_space<vmem>>
        %scatter3A_266 = tpu.memref_squeeze %scatter3A_265 : memref<1x51200xf32, #tpu.memory_space<vmem>> -> memref<51200xf32, #tpu.memory_space<vmem>>
        tpu.vector_store_idx %scatter3A_266[%xor3A_188], %gather3A_189 : memref<51200xf32, #tpu.memory_space<vmem>>[vector<16xi32>], vector<16xf32>,
        %gather3A_267 = tpu.vector_load_idx %arg5[%xor3A_259] : memref<4096xf32, #tpu.memory_space<vmem>>[vector<16xi32>], vector<16xf32>,
        %xor3A_268 = arith.constant 1 : i32
        %xor3A_269 = vector.broadcast %xor3A_268 : i32 to vector<16xi32>
        %xor3A_270 = arith.xori %xor3A_259, %xor3A_269 : vector<16xi32>
        %xor3A_271 = arith.constant 1 : i32
        %xor3A_272 = vector.broadcast %xor3A_271 : i32 to vector<16xi32>
        %xor3A_273 = arith.xori %xor3A_262, %xor3A_272 : vector<16xi32>
        %scatter3A_274 = arith.constant 0 : i32
        %scatter3A_275 = arith.constant 0 : i32
        %scatter3A_276 = tpu.memref_slice %arg7[%scatter3A_274, %scatter3A_275] : memref<2x51200xf32, #tpu.memory_space<vmem>> -> memref<1x51200xf32, #tpu.memory_space<vmem>>
        %scatter3A_277 = tpu.memref_squeeze %scatter3A_276 : memref<1x51200xf32, #tpu.memory_space<vmem>> -> memref<51200xf32, #tpu.memory_space<vmem>>
        tpu.vector_store_idx %scatter3A_277[%xor3A_195], %gather3A_196 : memref<51200xf32, #tpu.memory_space<vmem>>[vector<16xi32>], vector<16xf32>,
        %gather3A_278 = tpu.vector_load_idx %arg5[%xor3A_270] : memref<4096xf32, #tpu.memory_space<vmem>>[vector<16xi32>], vector<16xf32>,
        %xor3A_279 = arith.constant 2 : i32
        %xor3A_280 = vector.broadcast %xor3A_279 : i32 to vector<16xi32>
        %xor3A_281 = arith.xori %xor3A_270, %xor3A_280 : vector<16xi32>
        %xor3A_282 = arith.constant 2 : i32
        %xor3A_283 = vector.broadcast %xor3A_282 : i32 to vector<16xi32>
        %xor3A_284 = arith.xori %xor3A_273, %xor3A_283 : vector<16xi32>
        %scatter3A_285 = arith.constant 0 : i32
        %scatter3A_286 = arith.constant 0 : i32
        %scatter3A_287 = tpu.memref_slice %arg7[%scatter3A_285, %scatter3A_286] : memref<2x51200xf32, #tpu.memory_space<vmem>> -> memref<1x51200xf32, #tpu.memory_space<vmem>>
        %scatter3A_288 = tpu.memref_squeeze %scatter3A_287 : memref<1x51200xf32, #tpu.memory_space<vmem>> -> memref<51200xf32, #tpu.memory_space<vmem>>
        tpu.vector_store_idx %scatter3A_288[%xor3A_202], %gather3A_203 : memref<51200xf32, #tpu.memory_space<vmem>>[vector<16xi32>], vector<16xf32>,
        %gather3A_289 = tpu.vector_load_idx %arg5[%xor3A_281] : memref<4096xf32, #tpu.memory_space<vmem>>[vector<16xi32>], vector<16xf32>,
        %xor3A_290 = arith.constant 1 : i32
        %xor3A_291 = vector.broadcast %xor3A_290 : i32 to vector<16xi32>
        %xor3A_292 = arith.xori %xor3A_281, %xor3A_291 : vector<16xi32>
        %xor3A_293 = arith.constant 1 : i32
        %xor3A_294 = vector.broadcast %xor3A_293 : i32 to vector<16xi32>
        %xor3A_295 = arith.xori %xor3A_284, %xor3A_294 : vector<16xi32>
        %scatter3A_296 = arith.constant 0 : i32
        %scatter3A_297 = arith.constant 0 : i32
        %scatter3A_298 = tpu.memref_slice %arg7[%scatter3A_296, %scatter3A_297] : memref<2x51200xf32, #tpu.memory_space<vmem>> -> memref<1x51200xf32, #tpu.memory_space<vmem>>
        %scatter3A_299 = tpu.memref_squeeze %scatter3A_298 : memref<1x51200xf32, #tpu.memory_space<vmem>> -> memref<51200xf32, #tpu.memory_space<vmem>>
        tpu.vector_store_idx %scatter3A_299[%xor3A_209], %gather3A_210 : memref<51200xf32, #tpu.memory_space<vmem>>[vector<16xi32>], vector<16xf32>,
        %gather3A_300 = tpu.vector_load_idx %arg5[%xor3A_292] : memref<4096xf32, #tpu.memory_space<vmem>>[vector<16xi32>], vector<16xf32>,
        %xor3A_301 = arith.constant 16 : i32
        %xor3A_302 = vector.broadcast %xor3A_301 : i32 to vector<16xi32>
        %xor3A_303 = arith.xori %xor3A_292, %xor3A_302 : vector<16xi32>
        %xor3A_304 = arith.constant 16 : i32
        %xor3A_305 = vector.broadcast %xor3A_304 : i32 to vector<16xi32>
        %xor3A_306 = arith.xori %xor3A_295, %xor3A_305 : vector<16xi32>
        %scatter3A_307 = arith.constant 0 : i32
        %scatter3A_308 = arith.constant 0 : i32
        %scatter3A_309 = tpu.memref_slice %arg7[%scatter3A_307, %scatter3A_308] : memref<2x51200xf32, #tpu.memory_space<vmem>> -> memref<1x51200xf32, #tpu.memory_space<vmem>>
        %scatter3A_310 = tpu.memref_squeeze %scatter3A_309 : memref<1x51200xf32, #tpu.memory_space<vmem>> -> memref<51200xf32, #tpu.memory_space<vmem>>
        tpu.vector_store_idx %scatter3A_310[%xor3A_216], %gather3A_217 : memref<51200xf32, #tpu.memory_space<vmem>>[vector<16xi32>], vector<16xf32>,
        %gather3A_311 = tpu.vector_load_idx %arg5[%xor3A_303] : memref<4096xf32, #tpu.memory_space<vmem>>[vector<16xi32>], vector<16xf32>,
        %xor3A_312 = arith.constant 1 : i32
        %xor3A_313 = vector.broadcast %xor3A_312 : i32 to vector<16xi32>
        %xor3A_314 = arith.xori %xor3A_303, %xor3A_313 : vector<16xi32>
        %xor3A_315 = arith.constant 1 : i32
        %xor3A_316 = vector.broadcast %xor3A_315 : i32 to vector<16xi32>
        %xor3A_317 = arith.xori %xor3A_306, %xor3A_316 : vector<16xi32>
        %scatter3A_318 = arith.constant 0 : i32
        %scatter3A_319 = arith.constant 0 : i32
        %scatter3A_320 = tpu.memref_slice %arg7[%scatter3A_318, %scatter3A_319] : memref<2x51200xf32, #tpu.memory_space<vmem>> -> memref<1x51200xf32, #tpu.memory_space<vmem>>
        %scatter3A_321 = tpu.memref_squeeze %scatter3A_320 : memref<1x51200xf32, #tpu.memory_space<vmem>> -> memref<51200xf32, #tpu.memory_space<vmem>>
        tpu.vector_store_idx %scatter3A_321[%xor3A_223], %gather3A_224 : memref<51200xf32, #tpu.memory_space<vmem>>[vector<16xi32>], vector<16xf32>,
        %gather3A_322 = tpu.vector_load_idx %arg5[%xor3A_314] : memref<4096xf32, #tpu.memory_space<vmem>>[vector<16xi32>], vector<16xf32>,
        %xor3A_323 = arith.constant 2 : i32
        %xor3A_324 = vector.broadcast %xor3A_323 : i32 to vector<16xi32>
        %xor3A_325 = arith.xori %xor3A_314, %xor3A_324 : vector<16xi32>
        %xor3A_326 = arith.constant 2 : i32
        %xor3A_327 = vector.broadcast %xor3A_326 : i32 to vector<16xi32>
        %xor3A_328 = arith.xori %xor3A_317, %xor3A_327 : vector<16xi32>
        %scatter3A_329 = arith.constant 0 : i32
        %scatter3A_330 = arith.constant 0 : i32
        %scatter3A_331 = tpu.memref_slice %arg7[%scatter3A_329, %scatter3A_330] : memref<2x51200xf32, #tpu.memory_space<vmem>> -> memref<1x51200xf32, #tpu.memory_space<vmem>>
        %scatter3A_332 = tpu.memref_squeeze %scatter3A_331 : memref<1x51200xf32, #tpu.memory_space<vmem>> -> memref<51200xf32, #tpu.memory_space<vmem>>
        tpu.vector_store_idx %scatter3A_332[%xor3A_230], %gather3A_234 : memref<51200xf32, #tpu.memory_space<vmem>>[vector<16xi32>], vector<16xf32>,
        %gather3A_333 = tpu.vector_load_idx %arg5[%xor3A_325] : memref<4096xf32, #tpu.memory_space<vmem>>[vector<16xi32>], vector<16xf32>,
        %xor3A_334 = arith.constant 1 : i32
        %xor3A_335 = vector.broadcast %xor3A_334 : i32 to vector<16xi32>
        %xor3A_336 = arith.xori %xor3A_325, %xor3A_335 : vector<16xi32>
        %xor3A_337 = arith.constant 1 : i32
        %xor3A_338 = vector.broadcast %xor3A_337 : i32 to vector<16xi32>
        %xor3A_339 = arith.xori %xor3A_328, %xor3A_338 : vector<16xi32>
        %scatter3A_340 = arith.constant 0 : i32
        %scatter3A_341 = arith.constant 0 : i32
        %scatter3A_342 = tpu.memref_slice %arg7[%scatter3A_340, %scatter3A_341] : memref<2x51200xf32, #tpu.memory_space<vmem>> -> memref<1x51200xf32, #tpu.memory_space<vmem>>
        %scatter3A_343 = tpu.memref_squeeze %scatter3A_342 : memref<1x51200xf32, #tpu.memory_space<vmem>> -> memref<51200xf32, #tpu.memory_space<vmem>>
        tpu.vector_store_idx %scatter3A_343[%xor3A_240], %gather3A_245 : memref<51200xf32, #tpu.memory_space<vmem>>[vector<16xi32>], vector<16xf32>,
        %gather3A_344 = tpu.vector_load_idx %arg5[%xor3A_336] : memref<4096xf32, #tpu.memory_space<vmem>>[vector<16xi32>], vector<16xf32>,
        %xor3A_345 = arith.constant 4 : i32
        %xor3A_346 = vector.broadcast %xor3A_345 : i32 to vector<16xi32>
        %xor3A_347 = arith.xori %xor3A_336, %xor3A_346 : vector<16xi32>
        %xor3A_348 = arith.constant 4 : i32
        %xor3A_349 = vector.broadcast %xor3A_348 : i32 to vector<16xi32>
        %xor3A_350 = arith.xori %xor3A_339, %xor3A_349 : vector<16xi32>
        %scatter3A_351 = arith.constant 0 : i32
        %scatter3A_352 = arith.constant 0 : i32
        %scatter3A_353 = tpu.memref_slice %arg7[%scatter3A_351, %scatter3A_352] : memref<2x51200xf32, #tpu.memory_space<vmem>> -> memref<1x51200xf32, #tpu.memory_space<vmem>>
        %scatter3A_354 = tpu.memref_squeeze %scatter3A_353 : memref<1x51200xf32, #tpu.memory_space<vmem>> -> memref<51200xf32, #tpu.memory_space<vmem>>
        tpu.vector_store_idx %scatter3A_354[%xor3A_251], %gather3A_256 : memref<51200xf32, #tpu.memory_space<vmem>>[vector<16xi32>], vector<16xf32>,
        %gather3A_355 = tpu.vector_load_idx %arg5[%xor3A_347] : memref<4096xf32, #tpu.memory_space<vmem>>[vector<16xi32>], vector<16xf32>,
        %xor3A_356 = arith.constant 1 : i32
        %xor3A_357 = vector.broadcast %xor3A_356 : i32 to vector<16xi32>
        %xor3A_358 = arith.xori %xor3A_347, %xor3A_357 : vector<16xi32>
        %xor3A_359 = arith.constant 1 : i32
        %xor3A_360 = vector.broadcast %xor3A_359 : i32 to vector<16xi32>
        %xor3A_361 = arith.xori %xor3A_350, %xor3A_360 : vector<16xi32>
        %scatter3A_362 = arith.constant 0 : i32
        %scatter3A_363 = arith.constant 0 : i32
        %scatter3A_364 = tpu.memref_slice %arg7[%scatter3A_362, %scatter3A_363] : memref<2x51200xf32, #tpu.memory_space<vmem>> -> memref<1x51200xf32, #tpu.memory_space<vmem>>
        %scatter3A_365 = tpu.memref_squeeze %scatter3A_364 : memref<1x51200xf32, #tpu.memory_space<vmem>> -> memref<51200xf32, #tpu.memory_space<vmem>>
        tpu.vector_store_idx %scatter3A_365[%xor3A_262], %gather3A_267 : memref<51200xf32, #tpu.memory_space<vmem>>[vector<16xi32>], vector<16xf32>,
        %gather3A_366 = tpu.vector_load_idx %arg5[%xor3A_358] : memref<4096xf32, #tpu.memory_space<vmem>>[vector<16xi32>], vector<16xf32>,
        %xor3A_367 = arith.constant 2 : i32
        %xor3A_368 = vector.broadcast %xor3A_367 : i32 to vector<16xi32>
        %xor3A_369 = arith.xori %xor3A_358, %xor3A_368 : vector<16xi32>
        %xor3A_370 = arith.constant 2 : i32
        %xor3A_371 = vector.broadcast %xor3A_370 : i32 to vector<16xi32>
        %xor3A_372 = arith.xori %xor3A_361, %xor3A_371 : vector<16xi32>
        %scatter3A_373 = arith.constant 0 : i32
        %scatter3A_374 = arith.constant 0 : i32
        %scatter3A_375 = tpu.memref_slice %arg7[%scatter3A_373, %scatter3A_374] : memref<2x51200xf32, #tpu.memory_space<vmem>> -> memref<1x51200xf32, #tpu.memory_space<vmem>>
        %scatter3A_376 = tpu.memref_squeeze %scatter3A_375 : memref<1x51200xf32, #tpu.memory_space<vmem>> -> memref<51200xf32, #tpu.memory_space<vmem>>
        tpu.vector_store_idx %scatter3A_376[%xor3A_273], %gather3A_278 : memref<51200xf32, #tpu.memory_space<vmem>>[vector<16xi32>], vector<16xf32>,
        %gather3A_377 = tpu.vector_load_idx %arg5[%xor3A_369] : memref<4096xf32, #tpu.memory_space<vmem>>[vector<16xi32>], vector<16xf32>,
        %xor3A_378 = arith.constant 1 : i32
        %xor3A_379 = vector.broadcast %xor3A_378 : i32 to vector<16xi32>
        %xor3A_380 = arith.xori %xor3A_369, %xor3A_379 : vector<16xi32>
        %xor3A_381 = arith.constant 1 : i32
        %xor3A_382 = vector.broadcast %xor3A_381 : i32 to vector<16xi32>
        %xor3A_383 = arith.xori %xor3A_372, %xor3A_382 : vector<16xi32>
        %scatter3A_384 = arith.constant 0 : i32
        %scatter3A_385 = arith.constant 0 : i32
        %scatter3A_386 = tpu.memref_slice %arg7[%scatter3A_384, %scatter3A_385] : memref<2x51200xf32, #tpu.memory_space<vmem>> -> memref<1x51200xf32, #tpu.memory_space<vmem>>
        %scatter3A_387 = tpu.memref_squeeze %scatter3A_386 : memref<1x51200xf32, #tpu.memory_space<vmem>> -> memref<51200xf32, #tpu.memory_space<vmem>>
        tpu.vector_store_idx %scatter3A_387[%xor3A_284], %gather3A_289 : memref<51200xf32, #tpu.memory_space<vmem>>[vector<16xi32>], vector<16xf32>,
        %gather3A_388 = tpu.vector_load_idx %arg5[%xor3A_380] : memref<4096xf32, #tpu.memory_space<vmem>>[vector<16xi32>], vector<16xf32>,
        %xor3A_389 = arith.constant 8 : i32
        %xor3A_390 = vector.broadcast %xor3A_389 : i32 to vector<16xi32>
        %xor3A_391 = arith.xori %xor3A_380, %xor3A_390 : vector<16xi32>
        %xor3A_392 = arith.constant 8 : i32
        %xor3A_393 = vector.broadcast %xor3A_392 : i32 to vector<16xi32>
        %xor3A_394 = arith.xori %xor3A_383, %xor3A_393 : vector<16xi32>
        %scatter3A_395 = arith.constant 0 : i32
        %scatter3A_396 = arith.constant 0 : i32
        %scatter3A_397 = tpu.memref_slice %arg7[%scatter3A_395, %scatter3A_396] : memref<2x51200xf32, #tpu.memory_space<vmem>> -> memref<1x51200xf32, #tpu.memory_space<vmem>>
        %scatter3A_398 = tpu.memref_squeeze %scatter3A_397 : memref<1x51200xf32, #tpu.memory_space<vmem>> -> memref<51200xf32, #tpu.memory_space<vmem>>
        tpu.vector_store_idx %scatter3A_398[%xor3A_295], %gather3A_300 : memref<51200xf32, #tpu.memory_space<vmem>>[vector<16xi32>], vector<16xf32>,
        %gather3A_399 = tpu.vector_load_idx %arg5[%xor3A_391] : memref<4096xf32, #tpu.memory_space<vmem>>[vector<16xi32>], vector<16xf32>,
        %xor3A_400 = arith.constant 1 : i32
        %xor3A_401 = vector.broadcast %xor3A_400 : i32 to vector<16xi32>
        %xor3A_402 = arith.xori %xor3A_391, %xor3A_401 : vector<16xi32>
        %xor3A_403 = arith.constant 1 : i32
        %xor3A_404 = vector.broadcast %xor3A_403 : i32 to vector<16xi32>
        %xor3A_405 = arith.xori %xor3A_394, %xor3A_404 : vector<16xi32>
        %scatter3A_406 = arith.constant 0 : i32
        %scatter3A_407 = arith.constant 0 : i32
        %scatter3A_408 = tpu.memref_slice %arg7[%scatter3A_406, %scatter3A_407] : memref<2x51200xf32, #tpu.memory_space<vmem>> -> memref<1x51200xf32, #tpu.memory_space<vmem>>
        %scatter3A_409 = tpu.memref_squeeze %scatter3A_408 : memref<1x51200xf32, #tpu.memory_space<vmem>> -> memref<51200xf32, #tpu.memory_space<vmem>>
        tpu.vector_store_idx %scatter3A_409[%xor3A_306], %gather3A_311 : memref<51200xf32, #tpu.memory_space<vmem>>[vector<16xi32>], vector<16xf32>,
        %gather3A_410 = tpu.vector_load_idx %arg5[%xor3A_402] : memref<4096xf32, #tpu.memory_space<vmem>>[vector<16xi32>], vector<16xf32>,
        %xor3A_411 = arith.constant 2 : i32
        %xor3A_412 = vector.broadcast %xor3A_411 : i32 to vector<16xi32>
        %xor3A_413 = arith.xori %xor3A_402, %xor3A_412 : vector<16xi32>
        %xor3A_414 = arith.constant 2 : i32
        %xor3A_415 = vector.broadcast %xor3A_414 : i32 to vector<16xi32>
        %xor3A_416 = arith.xori %xor3A_405, %xor3A_415 : vector<16xi32>
        %scatter3A_417 = arith.constant 0 : i32
        %scatter3A_418 = arith.constant 0 : i32
        %scatter3A_419 = tpu.memref_slice %arg7[%scatter3A_417, %scatter3A_418] : memref<2x51200xf32, #tpu.memory_space<vmem>> -> memref<1x51200xf32, #tpu.memory_space<vmem>>
        %scatter3A_420 = tpu.memref_squeeze %scatter3A_419 : memref<1x51200xf32, #tpu.memory_space<vmem>> -> memref<51200xf32, #tpu.memory_space<vmem>>
        tpu.vector_store_idx %scatter3A_420[%xor3A_317], %gather3A_322 : memref<51200xf32, #tpu.memory_space<vmem>>[vector<16xi32>], vector<16xf32>,
        %gather3A_421 = tpu.vector_load_idx %arg5[%xor3A_413] : memref<4096xf32, #tpu.memory_space<vmem>>[vector<16xi32>], vector<16xf32>,
        %xor3A_422 = arith.constant 1 : i32
        %xor3A_423 = vector.broadcast %xor3A_422 : i32 to vector<16xi32>
        %xor3A_424 = arith.xori %xor3A_413, %xor3A_423 : vector<16xi32>
        %xor3A_425 = arith.constant 1 : i32
        %xor3A_426 = vector.broadcast %xor3A_425 : i32 to vector<16xi32>
        %xor3A_427 = arith.xori %xor3A_416, %xor3A_426 : vector<16xi32>
        %scatter3A_428 = arith.constant 0 : i32
        %scatter3A_429 = arith.constant 0 : i32
        %scatter3A_430 = tpu.memref_slice %arg7[%scatter3A_428, %scatter3A_429] : memref<2x51200xf32, #tpu.memory_space<vmem>> -> memref<1x51200xf32, #tpu.memory_space<vmem>>
        %scatter3A_431 = tpu.memref_squeeze %scatter3A_430 : memref<1x51200xf32, #tpu.memory_space<vmem>> -> memref<51200xf32, #tpu.memory_space<vmem>>
        tpu.vector_store_idx %scatter3A_431[%xor3A_328], %gather3A_333 : memref<51200xf32, #tpu.memory_space<vmem>>[vector<16xi32>], vector<16xf32>,
        %gather3A_432 = tpu.vector_load_idx %arg5[%xor3A_424] : memref<4096xf32, #tpu.memory_space<vmem>>[vector<16xi32>], vector<16xf32>,
        %xor3A_433 = arith.constant 4 : i32
        %xor3A_434 = vector.broadcast %xor3A_433 : i32 to vector<16xi32>
        %xor3A_435 = arith.xori %xor3A_424, %xor3A_434 : vector<16xi32>
        %xor3A_436 = arith.constant 4 : i32
        %xor3A_437 = vector.broadcast %xor3A_436 : i32 to vector<16xi32>
        %xor3A_438 = arith.xori %xor3A_427, %xor3A_437 : vector<16xi32>
        %scatter3A_439 = arith.constant 0 : i32
        %scatter3A_440 = arith.constant 0 : i32
        %scatter3A_441 = tpu.memref_slice %arg7[%scatter3A_439, %scatter3A_440] : memref<2x51200xf32, #tpu.memory_space<vmem>> -> memref<1x51200xf32, #tpu.memory_space<vmem>>
        %scatter3A_442 = tpu.memref_squeeze %scatter3A_441 : memref<1x51200xf32, #tpu.memory_space<vmem>> -> memref<51200xf32, #tpu.memory_space<vmem>>
        tpu.vector_store_idx %scatter3A_442[%xor3A_339], %gather3A_344 : memref<51200xf32, #tpu.memory_space<vmem>>[vector<16xi32>], vector<16xf32>,
        %gather3A_443 = tpu.vector_load_idx %arg5[%xor3A_435] : memref<4096xf32, #tpu.memory_space<vmem>>[vector<16xi32>], vector<16xf32>,
        %xor3A_444 = arith.constant 1 : i32
        %xor3A_445 = vector.broadcast %xor3A_444 : i32 to vector<16xi32>
        %xor3A_446 = arith.xori %xor3A_435, %xor3A_445 : vector<16xi32>
        %xor3A_447 = arith.constant 1 : i32
        %xor3A_448 = vector.broadcast %xor3A_447 : i32 to vector<16xi32>
        %xor3A_449 = arith.xori %xor3A_438, %xor3A_448 : vector<16xi32>
        %scatter3A_450 = arith.constant 0 : i32
        %scatter3A_451 = arith.constant 0 : i32
        %scatter3A_452 = tpu.memref_slice %arg7[%scatter3A_450, %scatter3A_451] : memref<2x51200xf32, #tpu.memory_space<vmem>> -> memref<1x51200xf32, #tpu.memory_space<vmem>>
        %scatter3A_453 = tpu.memref_squeeze %scatter3A_452 : memref<1x51200xf32, #tpu.memory_space<vmem>> -> memref<51200xf32, #tpu.memory_space<vmem>>
        tpu.vector_store_idx %scatter3A_453[%xor3A_350], %gather3A_355 : memref<51200xf32, #tpu.memory_space<vmem>>[vector<16xi32>], vector<16xf32>,
        %gather3A_454 = tpu.vector_load_idx %arg5[%xor3A_446] : memref<4096xf32, #tpu.memory_space<vmem>>[vector<16xi32>], vector<16xf32>,
        %xor3A_455 = arith.constant 2 : i32
        %xor3A_456 = vector.broadcast %xor3A_455 : i32 to vector<16xi32>
        %xor3A_457 = arith.xori %xor3A_446, %xor3A_456 : vector<16xi32>
        %xor3A_458 = arith.constant 2 : i32
        %xor3A_459 = vector.broadcast %xor3A_458 : i32 to vector<16xi32>
        %xor3A_460 = arith.xori %xor3A_449, %xor3A_459 : vector<16xi32>
        %scatter3A_461 = arith.constant 0 : i32
        %scatter3A_462 = arith.constant 0 : i32
        %scatter3A_463 = tpu.memref_slice %arg7[%scatter3A_461, %scatter3A_462] : memref<2x51200xf32, #tpu.memory_space<vmem>> -> memref<1x51200xf32, #tpu.memory_space<vmem>>
        %scatter3A_464 = tpu.memref_squeeze %scatter3A_463 : memref<1x51200xf32, #tpu.memory_space<vmem>> -> memref<51200xf32, #tpu.memory_space<vmem>>
        tpu.vector_store_idx %scatter3A_464[%xor3A_361], %gather3A_366 : memref<51200xf32, #tpu.memory_space<vmem>>[vector<16xi32>], vector<16xf32>,
        %gather3A_465 = tpu.vector_load_idx %arg5[%xor3A_457] : memref<4096xf32, #tpu.memory_space<vmem>>[vector<16xi32>], vector<16xf32>,
        %xor3A_466 = arith.constant 1 : i32
        %xor3A_467 = vector.broadcast %xor3A_466 : i32 to vector<16xi32>
        %xor3A_468 = arith.xori %xor3A_457, %xor3A_467 : vector<16xi32>
        %xor3A_469 = arith.constant 1 : i32
        %xor3A_470 = vector.broadcast %xor3A_469 : i32 to vector<16xi32>
        %xor3A_471 = arith.xori %xor3A_460, %xor3A_470 : vector<16xi32>
        %scatter3A_472 = arith.constant 0 : i32
        %scatter3A_473 = arith.constant 0 : i32
        %scatter3A_474 = tpu.memref_slice %arg7[%scatter3A_472, %scatter3A_473] : memref<2x51200xf32, #tpu.memory_space<vmem>> -> memref<1x51200xf32, #tpu.memory_space<vmem>>
        %scatter3A_475 = tpu.memref_squeeze %scatter3A_474 : memref<1x51200xf32, #tpu.memory_space<vmem>> -> memref<51200xf32, #tpu.memory_space<vmem>>
        tpu.vector_store_idx %scatter3A_475[%xor3A_372], %gather3A_377 : memref<51200xf32, #tpu.memory_space<vmem>>[vector<16xi32>], vector<16xf32>,
        %gather3A_476 = tpu.vector_load_idx %arg5[%xor3A_468] : memref<4096xf32, #tpu.memory_space<vmem>>[vector<16xi32>], vector<16xf32>,
        %xor3A_477 = arith.constant 32 : i32
        %xor3A_478 = vector.broadcast %xor3A_477 : i32 to vector<16xi32>
        %xor3A_479 = arith.xori %xor3A_468, %xor3A_478 : vector<16xi32>
        %xor3A_480 = arith.constant 32 : i32
        %xor3A_481 = vector.broadcast %xor3A_480 : i32 to vector<16xi32>
        %xor3A_482 = arith.xori %xor3A_471, %xor3A_481 : vector<16xi32>
        %scatter3A_483 = arith.constant 0 : i32
        %scatter3A_484 = arith.constant 0 : i32
        %scatter3A_485 = tpu.memref_slice %arg7[%scatter3A_483, %scatter3A_484] : memref<2x51200xf32, #tpu.memory_space<vmem>> -> memref<1x51200xf32, #tpu.memory_space<vmem>>
        %scatter3A_486 = tpu.memref_squeeze %scatter3A_485 : memref<1x51200xf32, #tpu.memory_space<vmem>> -> memref<51200xf32, #tpu.memory_space<vmem>>
        tpu.vector_store_idx %scatter3A_486[%xor3A_383], %gather3A_388 : memref<51200xf32, #tpu.memory_space<vmem>>[vector<16xi32>], vector<16xf32>,
        %gather3A_487 = tpu.vector_load_idx %arg5[%xor3A_479] : memref<4096xf32, #tpu.memory_space<vmem>>[vector<16xi32>], vector<16xf32>,
        %xor3A_488 = arith.constant 1 : i32
        %xor3A_489 = vector.broadcast %xor3A_488 : i32 to vector<16xi32>
        %xor3A_490 = arith.xori %xor3A_479, %xor3A_489 : vector<16xi32>
        %xor3A_491 = arith.constant 1 : i32
        %xor3A_492 = vector.broadcast %xor3A_491 : i32 to vector<16xi32>
        %xor3A_493 = arith.xori %xor3A_482, %xor3A_492 : vector<16xi32>
        %scatter3A_494 = arith.constant 0 : i32
        %scatter3A_495 = arith.constant 0 : i32
        %scatter3A_496 = tpu.memref_slice %arg7[%scatter3A_494, %scatter3A_495] : memref<2x51200xf32, #tpu.memory_space<vmem>> -> memref<1x51200xf32, #tpu.memory_space<vmem>>
        %scatter3A_497 = tpu.memref_squeeze %scatter3A_496 : memref<1x51200xf32, #tpu.memory_space<vmem>> -> memref<51200xf32, #tpu.memory_space<vmem>>
        tpu.vector_store_idx %scatter3A_497[%xor3A_394], %gather3A_399 : memref<51200xf32, #tpu.memory_space<vmem>>[vector<16xi32>], vector<16xf32>,
        %gather3A_498 = tpu.vector_load_idx %arg5[%xor3A_490] : memref<4096xf32, #tpu.memory_space<vmem>>[vector<16xi32>], vector<16xf32>,
        %xor3A_499 = arith.constant 2 : i32
        %xor3A_500 = vector.broadcast %xor3A_499 : i32 to vector<16xi32>
        %xor3A_501 = arith.xori %xor3A_490, %xor3A_500 : vector<16xi32>
        %xor3A_502 = arith.constant 2 : i32
        %xor3A_503 = vector.broadcast %xor3A_502 : i32 to vector<16xi32>
        %xor3A_504 = arith.xori %xor3A_493, %xor3A_503 : vector<16xi32>
        %scatter3A_505 = arith.constant 0 : i32
        %scatter3A_506 = arith.constant 0 : i32
        %scatter3A_507 = tpu.memref_slice %arg7[%scatter3A_505, %scatter3A_506] : memref<2x51200xf32, #tpu.memory_space<vmem>> -> memref<1x51200xf32, #tpu.memory_space<vmem>>
        %scatter3A_508 = tpu.memref_squeeze %scatter3A_507 : memref<1x51200xf32, #tpu.memory_space<vmem>> -> memref<51200xf32, #tpu.memory_space<vmem>>
        tpu.vector_store_idx %scatter3A_508[%xor3A_405], %gather3A_410 : memref<51200xf32, #tpu.memory_space<vmem>>[vector<16xi32>], vector<16xf32>,
        %gather3A_509 = tpu.vector_load_idx %arg5[%xor3A_501] : memref<4096xf32, #tpu.memory_space<vmem>>[vector<16xi32>], vector<16xf32>,
        %xor3A_510 = arith.constant 1 : i32
        %xor3A_511 = vector.broadcast %xor3A_510 : i32 to vector<16xi32>
        %xor3A_512 = arith.xori %xor3A_501, %xor3A_511 : vector<16xi32>
        %xor3A_513 = arith.constant 1 : i32
        %xor3A_514 = vector.broadcast %xor3A_513 : i32 to vector<16xi32>
        %xor3A_515 = arith.xori %xor3A_504, %xor3A_514 : vector<16xi32>
        %scatter3A_516 = arith.constant 0 : i32
        %scatter3A_517 = arith.constant 0 : i32
        %scatter3A_518 = tpu.memref_slice %arg7[%scatter3A_516, %scatter3A_517] : memref<2x51200xf32, #tpu.memory_space<vmem>> -> memref<1x51200xf32, #tpu.memory_space<vmem>>
        %scatter3A_519 = tpu.memref_squeeze %scatter3A_518 : memref<1x51200xf32, #tpu.memory_space<vmem>> -> memref<51200xf32, #tpu.memory_space<vmem>>
        tpu.vector_store_idx %scatter3A_519[%xor3A_416], %gather3A_421 : memref<51200xf32, #tpu.memory_space<vmem>>[vector<16xi32>], vector<16xf32>,
        %gather3A_520 = tpu.vector_load_idx %arg5[%xor3A_512] : memref<4096xf32, #tpu.memory_space<vmem>>[vector<16xi32>], vector<16xf32>,
        %xor3A_521 = arith.constant 4 : i32
        %xor3A_522 = vector.broadcast %xor3A_521 : i32 to vector<16xi32>
        %xor3A_523 = arith.xori %xor3A_512, %xor3A_522 : vector<16xi32>
        %xor3A_524 = arith.constant 4 : i32
        %xor3A_525 = vector.broadcast %xor3A_524 : i32 to vector<16xi32>
        %xor3A_526 = arith.xori %xor3A_515, %xor3A_525 : vector<16xi32>
        %scatter3A_527 = arith.constant 0 : i32
        %scatter3A_528 = arith.constant 0 : i32
        %scatter3A_529 = tpu.memref_slice %arg7[%scatter3A_527, %scatter3A_528] : memref<2x51200xf32, #tpu.memory_space<vmem>> -> memref<1x51200xf32, #tpu.memory_space<vmem>>
        %scatter3A_530 = tpu.memref_squeeze %scatter3A_529 : memref<1x51200xf32, #tpu.memory_space<vmem>> -> memref<51200xf32, #tpu.memory_space<vmem>>
        tpu.vector_store_idx %scatter3A_530[%xor3A_427], %gather3A_432 : memref<51200xf32, #tpu.memory_space<vmem>>[vector<16xi32>], vector<16xf32>,
        %gather3A_531 = tpu.vector_load_idx %arg5[%xor3A_523] : memref<4096xf32, #tpu.memory_space<vmem>>[vector<16xi32>], vector<16xf32>,
        %xor3A_532 = arith.constant 1 : i32
        %xor3A_533 = vector.broadcast %xor3A_532 : i32 to vector<16xi32>
        %xor3A_534 = arith.xori %xor3A_523, %xor3A_533 : vector<16xi32>
        %xor3A_535 = arith.constant 1 : i32
        %xor3A_536 = vector.broadcast %xor3A_535 : i32 to vector<16xi32>
        %xor3A_537 = arith.xori %xor3A_526, %xor3A_536 : vector<16xi32>
        %scatter3A_538 = arith.constant 0 : i32
        %scatter3A_539 = arith.constant 0 : i32
        %scatter3A_540 = tpu.memref_slice %arg7[%scatter3A_538, %scatter3A_539] : memref<2x51200xf32, #tpu.memory_space<vmem>> -> memref<1x51200xf32, #tpu.memory_space<vmem>>
        %scatter3A_541 = tpu.memref_squeeze %scatter3A_540 : memref<1x51200xf32, #tpu.memory_space<vmem>> -> memref<51200xf32, #tpu.memory_space<vmem>>
        tpu.vector_store_idx %scatter3A_541[%xor3A_438], %gather3A_443 : memref<51200xf32, #tpu.memory_space<vmem>>[vector<16xi32>], vector<16xf32>,
        %gather3A_542 = tpu.vector_load_idx %arg5[%xor3A_534] : memref<4096xf32, #tpu.memory_space<vmem>>[vector<16xi32>], vector<16xf32>,
        %xor3A_543 = arith.constant 2 : i32
        %xor3A_544 = vector.broadcast %xor3A_543 : i32 to vector<16xi32>
        %xor3A_545 = arith.xori %xor3A_534, %xor3A_544 : vector<16xi32>
        %xor3A_546 = arith.constant 2 : i32
        %xor3A_547 = vector.broadcast %xor3A_546 : i32 to vector<16xi32>
        %xor3A_548 = arith.xori %xor3A_537, %xor3A_547 : vector<16xi32>
        %scatter3A_549 = arith.constant 0 : i32
        %scatter3A_550 = arith.constant 0 : i32
        %scatter3A_551 = tpu.memref_slice %arg7[%scatter3A_549, %scatter3A_550] : memref<2x51200xf32, #tpu.memory_space<vmem>> -> memref<1x51200xf32, #tpu.memory_space<vmem>>
        %scatter3A_552 = tpu.memref_squeeze %scatter3A_551 : memref<1x51200xf32, #tpu.memory_space<vmem>> -> memref<51200xf32, #tpu.memory_space<vmem>>
        tpu.vector_store_idx %scatter3A_552[%xor3A_449], %gather3A_454 : memref<51200xf32, #tpu.memory_space<vmem>>[vector<16xi32>], vector<16xf32>,
        %gather3A_553 = tpu.vector_load_idx %arg5[%xor3A_545] : memref<4096xf32, #tpu.memory_space<vmem>>[vector<16xi32>], vector<16xf32>,
        %xor3A_554 = arith.constant 1 : i32
        %xor3A_555 = vector.broadcast %xor3A_554 : i32 to vector<16xi32>
        %xor3A_556 = arith.xori %xor3A_545, %xor3A_555 : vector<16xi32>
        %xor3A_557 = arith.constant 1 : i32
        %xor3A_558 = vector.broadcast %xor3A_557 : i32 to vector<16xi32>
        %xor3A_559 = arith.xori %xor3A_548, %xor3A_558 : vector<16xi32>
        %scatter3A_560 = arith.constant 0 : i32
        %scatter3A_561 = arith.constant 0 : i32
        %scatter3A_562 = tpu.memref_slice %arg7[%scatter3A_560, %scatter3A_561] : memref<2x51200xf32, #tpu.memory_space<vmem>> -> memref<1x51200xf32, #tpu.memory_space<vmem>>
        %scatter3A_563 = tpu.memref_squeeze %scatter3A_562 : memref<1x51200xf32, #tpu.memory_space<vmem>> -> memref<51200xf32, #tpu.memory_space<vmem>>
        tpu.vector_store_idx %scatter3A_563[%xor3A_460], %gather3A_465 : memref<51200xf32, #tpu.memory_space<vmem>>[vector<16xi32>], vector<16xf32>,
        %gather3A_564 = tpu.vector_load_idx %arg5[%xor3A_556] : memref<4096xf32, #tpu.memory_space<vmem>>[vector<16xi32>], vector<16xf32>,
        %xor3A_565 = arith.constant 8 : i32
        %xor3A_566 = vector.broadcast %xor3A_565 : i32 to vector<16xi32>
        %xor3A_567 = arith.xori %xor3A_556, %xor3A_566 : vector<16xi32>
        %xor3A_568 = arith.constant 8 : i32
        %xor3A_569 = vector.broadcast %xor3A_568 : i32 to vector<16xi32>
        %xor3A_570 = arith.xori %xor3A_559, %xor3A_569 : vector<16xi32>
        %scatter3A_571 = arith.constant 0 : i32
        %scatter3A_572 = arith.constant 0 : i32
        %scatter3A_573 = tpu.memref_slice %arg7[%scatter3A_571, %scatter3A_572] : memref<2x51200xf32, #tpu.memory_space<vmem>> -> memref<1x51200xf32, #tpu.memory_space<vmem>>
        %scatter3A_574 = tpu.memref_squeeze %scatter3A_573 : memref<1x51200xf32, #tpu.memory_space<vmem>> -> memref<51200xf32, #tpu.memory_space<vmem>>
        tpu.vector_store_idx %scatter3A_574[%xor3A_471], %gather3A_476 : memref<51200xf32, #tpu.memory_space<vmem>>[vector<16xi32>], vector<16xf32>,
        %gather3A_575 = tpu.vector_load_idx %arg5[%xor3A_567] : memref<4096xf32, #tpu.memory_space<vmem>>[vector<16xi32>], vector<16xf32>,
        %xor3A_576 = arith.constant 1 : i32
        %xor3A_577 = vector.broadcast %xor3A_576 : i32 to vector<16xi32>
        %xor3A_578 = arith.xori %xor3A_567, %xor3A_577 : vector<16xi32>
        %xor3A_579 = arith.constant 1 : i32
        %xor3A_580 = vector.broadcast %xor3A_579 : i32 to vector<16xi32>
        %xor3A_581 = arith.xori %xor3A_570, %xor3A_580 : vector<16xi32>
        %scatter3A_582 = arith.constant 0 : i32
        %scatter3A_583 = arith.constant 0 : i32
        %scatter3A_584 = tpu.memref_slice %arg7[%scatter3A_582, %scatter3A_583] : memref<2x51200xf32, #tpu.memory_space<vmem>> -> memref<1x51200xf32, #tpu.memory_space<vmem>>
        %scatter3A_585 = tpu.memref_squeeze %scatter3A_584 : memref<1x51200xf32, #tpu.memory_space<vmem>> -> memref<51200xf32, #tpu.memory_space<vmem>>
        tpu.vector_store_idx %scatter3A_585[%xor3A_482], %gather3A_487 : memref<51200xf32, #tpu.memory_space<vmem>>[vector<16xi32>], vector<16xf32>,
        %gather3A_586 = tpu.vector_load_idx %arg5[%xor3A_578] : memref<4096xf32, #tpu.memory_space<vmem>>[vector<16xi32>], vector<16xf32>,
        %xor3A_587 = arith.constant 2 : i32
        %xor3A_588 = vector.broadcast %xor3A_587 : i32 to vector<16xi32>
        %xor3A_589 = arith.xori %xor3A_578, %xor3A_588 : vector<16xi32>
        %xor3A_590 = arith.constant 2 : i32
        %xor3A_591 = vector.broadcast %xor3A_590 : i32 to vector<16xi32>
        %xor3A_592 = arith.xori %xor3A_581, %xor3A_591 : vector<16xi32>
        %scatter3A_593 = arith.constant 0 : i32
        %scatter3A_594 = arith.constant 0 : i32
        %scatter3A_595 = tpu.memref_slice %arg7[%scatter3A_593, %scatter3A_594] : memref<2x51200xf32, #tpu.memory_space<vmem>> -> memref<1x51200xf32, #tpu.memory_space<vmem>>
        %scatter3A_596 = tpu.memref_squeeze %scatter3A_595 : memref<1x51200xf32, #tpu.memory_space<vmem>> -> memref<51200xf32, #tpu.memory_space<vmem>>
        tpu.vector_store_idx %scatter3A_596[%xor3A_493], %gather3A_498 : memref<51200xf32, #tpu.memory_space<vmem>>[vector<16xi32>], vector<16xf32>,
        %gather3A_597 = tpu.vector_load_idx %arg5[%xor3A_589] : memref<4096xf32, #tpu.memory_space<vmem>>[vector<16xi32>], vector<16xf32>,
        %xor3A_598 = arith.constant 1 : i32
        %xor3A_599 = vector.broadcast %xor3A_598 : i32 to vector<16xi32>
        %xor3A_600 = arith.xori %xor3A_589, %xor3A_599 : vector<16xi32>
        %xor3A_601 = arith.constant 1 : i32
        %xor3A_602 = vector.broadcast %xor3A_601 : i32 to vector<16xi32>
        %xor3A_603 = arith.xori %xor3A_592, %xor3A_602 : vector<16xi32>
        %scatter3A_604 = arith.constant 0 : i32
        %scatter3A_605 = arith.constant 0 : i32
        %scatter3A_606 = tpu.memref_slice %arg7[%scatter3A_604, %scatter3A_605] : memref<2x51200xf32, #tpu.memory_space<vmem>> -> memref<1x51200xf32, #tpu.memory_space<vmem>>
        %scatter3A_607 = tpu.memref_squeeze %scatter3A_606 : memref<1x51200xf32, #tpu.memory_space<vmem>> -> memref<51200xf32, #tpu.memory_space<vmem>>
        tpu.vector_store_idx %scatter3A_607[%xor3A_504], %gather3A_509 : memref<51200xf32, #tpu.memory_space<vmem>>[vector<16xi32>], vector<16xf32>,
        %gather3A_608 = tpu.vector_load_idx %arg5[%xor3A_600] : memref<4096xf32, #tpu.memory_space<vmem>>[vector<16xi32>], vector<16xf32>,
        %xor3A_609 = arith.constant 4 : i32
        %xor3A_610 = vector.broadcast %xor3A_609 : i32 to vector<16xi32>
        %xor3A_611 = arith.xori %xor3A_600, %xor3A_610 : vector<16xi32>
        %xor3A_612 = arith.constant 4 : i32
        %xor3A_613 = vector.broadcast %xor3A_612 : i32 to vector<16xi32>
        %xor3A_614 = arith.xori %xor3A_603, %xor3A_613 : vector<16xi32>
        %scatter3A_615 = arith.constant 0 : i32
        %scatter3A_616 = arith.constant 0 : i32
        %scatter3A_617 = tpu.memref_slice %arg7[%scatter3A_615, %scatter3A_616] : memref<2x51200xf32, #tpu.memory_space<vmem>> -> memref<1x51200xf32, #tpu.memory_space<vmem>>
        %scatter3A_618 = tpu.memref_squeeze %scatter3A_617 : memref<1x51200xf32, #tpu.memory_space<vmem>> -> memref<51200xf32, #tpu.memory_space<vmem>>
        tpu.vector_store_idx %scatter3A_618[%xor3A_515], %gather3A_520 : memref<51200xf32, #tpu.memory_space<vmem>>[vector<16xi32>], vector<16xf32>,
        %gather3A_619 = tpu.vector_load_idx %arg5[%xor3A_611] : memref<4096xf32, #tpu.memory_space<vmem>>[vector<16xi32>], vector<16xf32>,
        %xor3A_620 = arith.constant 1 : i32
        %xor3A_621 = vector.broadcast %xor3A_620 : i32 to vector<16xi32>
        %xor3A_622 = arith.xori %xor3A_611, %xor3A_621 : vector<16xi32>
        %xor3A_623 = arith.constant 1 : i32
        %xor3A_624 = vector.broadcast %xor3A_623 : i32 to vector<16xi32>
        %xor3A_625 = arith.xori %xor3A_614, %xor3A_624 : vector<16xi32>
        %scatter3A_626 = arith.constant 0 : i32
        %scatter3A_627 = arith.constant 0 : i32
        %scatter3A_628 = tpu.memref_slice %arg7[%scatter3A_626, %scatter3A_627] : memref<2x51200xf32, #tpu.memory_space<vmem>> -> memref<1x51200xf32, #tpu.memory_space<vmem>>
        %scatter3A_629 = tpu.memref_squeeze %scatter3A_628 : memref<1x51200xf32, #tpu.memory_space<vmem>> -> memref<51200xf32, #tpu.memory_space<vmem>>
        tpu.vector_store_idx %scatter3A_629[%xor3A_526], %gather3A_531 : memref<51200xf32, #tpu.memory_space<vmem>>[vector<16xi32>], vector<16xf32>,
        %gather3A_630 = tpu.vector_load_idx %arg5[%xor3A_622] : memref<4096xf32, #tpu.memory_space<vmem>>[vector<16xi32>], vector<16xf32>,
        %xor3A_631 = arith.constant 2 : i32
        %xor3A_632 = vector.broadcast %xor3A_631 : i32 to vector<16xi32>
        %xor3A_633 = arith.xori %xor3A_622, %xor3A_632 : vector<16xi32>
        %xor3A_634 = arith.constant 2 : i32
        %xor3A_635 = vector.broadcast %xor3A_634 : i32 to vector<16xi32>
        %xor3A_636 = arith.xori %xor3A_625, %xor3A_635 : vector<16xi32>
        %scatter3A_637 = arith.constant 0 : i32
        %scatter3A_638 = arith.constant 0 : i32
        %scatter3A_639 = tpu.memref_slice %arg7[%scatter3A_637, %scatter3A_638] : memref<2x51200xf32, #tpu.memory_space<vmem>> -> memref<1x51200xf32, #tpu.memory_space<vmem>>
        %scatter3A_640 = tpu.memref_squeeze %scatter3A_639 : memref<1x51200xf32, #tpu.memory_space<vmem>> -> memref<51200xf32, #tpu.memory_space<vmem>>
        tpu.vector_store_idx %scatter3A_640[%xor3A_537], %gather3A_542 : memref<51200xf32, #tpu.memory_space<vmem>>[vector<16xi32>], vector<16xf32>,
        %gather3A_641 = tpu.vector_load_idx %arg5[%xor3A_633] : memref<4096xf32, #tpu.memory_space<vmem>>[vector<16xi32>], vector<16xf32>,
        %xor3A_642 = arith.constant 1 : i32
        %xor3A_643 = vector.broadcast %xor3A_642 : i32 to vector<16xi32>
        %xor3A_644 = arith.xori %xor3A_633, %xor3A_643 : vector<16xi32>
        %xor3A_645 = arith.constant 1 : i32
        %xor3A_646 = vector.broadcast %xor3A_645 : i32 to vector<16xi32>
        %xor3A_647 = arith.xori %xor3A_636, %xor3A_646 : vector<16xi32>
        %scatter3A_648 = arith.constant 0 : i32
        %scatter3A_649 = arith.constant 0 : i32
        %scatter3A_650 = tpu.memref_slice %arg7[%scatter3A_648, %scatter3A_649] : memref<2x51200xf32, #tpu.memory_space<vmem>> -> memref<1x51200xf32, #tpu.memory_space<vmem>>
        %scatter3A_651 = tpu.memref_squeeze %scatter3A_650 : memref<1x51200xf32, #tpu.memory_space<vmem>> -> memref<51200xf32, #tpu.memory_space<vmem>>
        tpu.vector_store_idx %scatter3A_651[%xor3A_548], %gather3A_553 : memref<51200xf32, #tpu.memory_space<vmem>>[vector<16xi32>], vector<16xf32>,
        %gather3A_652 = tpu.vector_load_idx %arg5[%xor3A_644] : memref<4096xf32, #tpu.memory_space<vmem>>[vector<16xi32>], vector<16xf32>,
        %xor3A_653 = arith.constant 16 : i32
        %xor3A_654 = vector.broadcast %xor3A_653 : i32 to vector<16xi32>
        %xor3A_655 = arith.xori %xor3A_644, %xor3A_654 : vector<16xi32>
        %xor3A_656 = arith.constant 16 : i32
        %xor3A_657 = vector.broadcast %xor3A_656 : i32 to vector<16xi32>
        %xor3A_658 = arith.xori %xor3A_647, %xor3A_657 : vector<16xi32>
        %scatter3A_659 = arith.constant 0 : i32
        %scatter3A_660 = arith.constant 0 : i32
        %scatter3A_661 = tpu.memref_slice %arg7[%scatter3A_659, %scatter3A_660] : memref<2x51200xf32, #tpu.memory_space<vmem>> -> memref<1x51200xf32, #tpu.memory_space<vmem>>
        %scatter3A_662 = tpu.memref_squeeze %scatter3A_661 : memref<1x51200xf32, #tpu.memory_space<vmem>> -> memref<51200xf32, #tpu.memory_space<vmem>>
        tpu.vector_store_idx %scatter3A_662[%xor3A_559], %gather3A_564 : memref<51200xf32, #tpu.memory_space<vmem>>[vector<16xi32>], vector<16xf32>,
        %gather3A_663 = tpu.vector_load_idx %arg5[%xor3A_655] : memref<4096xf32, #tpu.memory_space<vmem>>[vector<16xi32>], vector<16xf32>,
        %xor3A_664 = arith.constant 1 : i32
        %xor3A_665 = vector.broadcast %xor3A_664 : i32 to vector<16xi32>
        %xor3A_666 = arith.xori %xor3A_655, %xor3A_665 : vector<16xi32>
        %xor3A_667 = arith.constant 1 : i32
        %xor3A_668 = vector.broadcast %xor3A_667 : i32 to vector<16xi32>
        %xor3A_669 = arith.xori %xor3A_658, %xor3A_668 : vector<16xi32>
        %scatter3A_670 = arith.constant 0 : i32
        %scatter3A_671 = arith.constant 0 : i32
        %scatter3A_672 = tpu.memref_slice %arg7[%scatter3A_670, %scatter3A_671] : memref<2x51200xf32, #tpu.memory_space<vmem>> -> memref<1x51200xf32, #tpu.memory_space<vmem>>
        %scatter3A_673 = tpu.memref_squeeze %scatter3A_672 : memref<1x51200xf32, #tpu.memory_space<vmem>> -> memref<51200xf32, #tpu.memory_space<vmem>>
        tpu.vector_store_idx %scatter3A_673[%xor3A_570], %gather3A_575 : memref<51200xf32, #tpu.memory_space<vmem>>[vector<16xi32>], vector<16xf32>,
        %gather3A_674 = tpu.vector_load_idx %arg5[%xor3A_666] : memref<4096xf32, #tpu.memory_space<vmem>>[vector<16xi32>], vector<16xf32>,
        %xor3A_675 = arith.constant 2 : i32
        %xor3A_676 = vector.broadcast %xor3A_675 : i32 to vector<16xi32>
        %xor3A_677 = arith.xori %xor3A_666, %xor3A_676 : vector<16xi32>
        %xor3A_678 = arith.constant 2 : i32
        %xor3A_679 = vector.broadcast %xor3A_678 : i32 to vector<16xi32>
        %xor3A_680 = arith.xori %xor3A_669, %xor3A_679 : vector<16xi32>
        %scatter3A_681 = arith.constant 0 : i32
        %scatter3A_682 = arith.constant 0 : i32
        %scatter3A_683 = tpu.memref_slice %arg7[%scatter3A_681, %scatter3A_682] : memref<2x51200xf32, #tpu.memory_space<vmem>> -> memref<1x51200xf32, #tpu.memory_space<vmem>>
        %scatter3A_684 = tpu.memref_squeeze %scatter3A_683 : memref<1x51200xf32, #tpu.memory_space<vmem>> -> memref<51200xf32, #tpu.memory_space<vmem>>
        tpu.vector_store_idx %scatter3A_684[%xor3A_581], %gather3A_586 : memref<51200xf32, #tpu.memory_space<vmem>>[vector<16xi32>], vector<16xf32>,
        %gather3A_685 = tpu.vector_load_idx %arg5[%xor3A_677] : memref<4096xf32, #tpu.memory_space<vmem>>[vector<16xi32>], vector<16xf32>,
        %xor3A_686 = arith.constant 1 : i32
        %xor3A_687 = vector.broadcast %xor3A_686 : i32 to vector<16xi32>
        %xor3A_688 = arith.xori %xor3A_677, %xor3A_687 : vector<16xi32>
        %xor3A_689 = arith.constant 1 : i32
        %xor3A_690 = vector.broadcast %xor3A_689 : i32 to vector<16xi32>
        %xor3A_691 = arith.xori %xor3A_680, %xor3A_690 : vector<16xi32>
        %scatter3A_692 = arith.constant 0 : i32
        %scatter3A_693 = arith.constant 0 : i32
        %scatter3A_694 = tpu.memref_slice %arg7[%scatter3A_692, %scatter3A_693] : memref<2x51200xf32, #tpu.memory_space<vmem>> -> memref<1x51200xf32, #tpu.memory_space<vmem>>
        %scatter3A_695 = tpu.memref_squeeze %scatter3A_694 : memref<1x51200xf32, #tpu.memory_space<vmem>> -> memref<51200xf32, #tpu.memory_space<vmem>>
        tpu.vector_store_idx %scatter3A_695[%xor3A_592], %gather3A_597 : memref<51200xf32, #tpu.memory_space<vmem>>[vector<16xi32>], vector<16xf32>,
        %gather3A_696 = tpu.vector_load_idx %arg5[%xor3A_688] : memref<4096xf32, #tpu.memory_space<vmem>>[vector<16xi32>], vector<16xf32>,
        %xor3A_697 = arith.constant 4 : i32
        %xor3A_698 = vector.broadcast %xor3A_697 : i32 to vector<16xi32>
        %xor3A_699 = arith.xori %xor3A_688, %xor3A_698 : vector<16xi32>
        %xor3A_700 = arith.constant 4 : i32
        %xor3A_701 = vector.broadcast %xor3A_700 : i32 to vector<16xi32>
        %xor3A_702 = arith.xori %xor3A_691, %xor3A_701 : vector<16xi32>
        %scatter3A_703 = arith.constant 0 : i32
        %scatter3A_704 = arith.constant 0 : i32
        %scatter3A_705 = tpu.memref_slice %arg7[%scatter3A_703, %scatter3A_704] : memref<2x51200xf32, #tpu.memory_space<vmem>> -> memref<1x51200xf32, #tpu.memory_space<vmem>>
        %scatter3A_706 = tpu.memref_squeeze %scatter3A_705 : memref<1x51200xf32, #tpu.memory_space<vmem>> -> memref<51200xf32, #tpu.memory_space<vmem>>
        tpu.vector_store_idx %scatter3A_706[%xor3A_603], %gather3A_608 : memref<51200xf32, #tpu.memory_space<vmem>>[vector<16xi32>], vector<16xf32>,
        %gather3A_707 = tpu.vector_load_idx %arg5[%xor3A_699] : memref<4096xf32, #tpu.memory_space<vmem>>[vector<16xi32>], vector<16xf32>,
        %xor3A_708 = arith.constant 1 : i32
        %xor3A_709 = vector.broadcast %xor3A_708 : i32 to vector<16xi32>
        %xor3A_710 = arith.xori %xor3A_699, %xor3A_709 : vector<16xi32>
        %xor3A_711 = arith.constant 1 : i32
        %xor3A_712 = vector.broadcast %xor3A_711 : i32 to vector<16xi32>
        %xor3A_713 = arith.xori %xor3A_702, %xor3A_712 : vector<16xi32>
        %scatter3A_714 = arith.constant 0 : i32
        %scatter3A_715 = arith.constant 0 : i32
        %scatter3A_716 = tpu.memref_slice %arg7[%scatter3A_714, %scatter3A_715] : memref<2x51200xf32, #tpu.memory_space<vmem>> -> memref<1x51200xf32, #tpu.memory_space<vmem>>
        %scatter3A_717 = tpu.memref_squeeze %scatter3A_716 : memref<1x51200xf32, #tpu.memory_space<vmem>> -> memref<51200xf32, #tpu.memory_space<vmem>>
        tpu.vector_store_idx %scatter3A_717[%xor3A_614], %gather3A_619 : memref<51200xf32, #tpu.memory_space<vmem>>[vector<16xi32>], vector<16xf32>,
        %gather3A_718 = tpu.vector_load_idx %arg5[%xor3A_710] : memref<4096xf32, #tpu.memory_space<vmem>>[vector<16xi32>], vector<16xf32>,
        %xor3A_719 = arith.constant 2 : i32
        %xor3A_720 = vector.broadcast %xor3A_719 : i32 to vector<16xi32>
        %xor3A_721 = arith.xori %xor3A_710, %xor3A_720 : vector<16xi32>
        %xor3A_722 = arith.constant 2 : i32
        %xor3A_723 = vector.broadcast %xor3A_722 : i32 to vector<16xi32>
        %xor3A_724 = arith.xori %xor3A_713, %xor3A_723 : vector<16xi32>
        %scatter3A_725 = arith.constant 0 : i32
        %scatter3A_726 = arith.constant 0 : i32
        %scatter3A_727 = tpu.memref_slice %arg7[%scatter3A_725, %scatter3A_726] : memref<2x51200xf32, #tpu.memory_space<vmem>> -> memref<1x51200xf32, #tpu.memory_space<vmem>>
        %scatter3A_728 = tpu.memref_squeeze %scatter3A_727 : memref<1x51200xf32, #tpu.memory_space<vmem>> -> memref<51200xf32, #tpu.memory_space<vmem>>
        tpu.vector_store_idx %scatter3A_728[%xor3A_625], %gather3A_630 : memref<51200xf32, #tpu.memory_space<vmem>>[vector<16xi32>], vector<16xf32>,
        %gather3A_729 = tpu.vector_load_idx %arg5[%xor3A_721] : memref<4096xf32, #tpu.memory_space<vmem>>[vector<16xi32>], vector<16xf32>,
        %xor3A_730 = arith.constant 1 : i32
        %xor3A_731 = vector.broadcast %xor3A_730 : i32 to vector<16xi32>
        %xor3A_732 = arith.xori %xor3A_721, %xor3A_731 : vector<16xi32>
        %xor3A_733 = arith.constant 1 : i32
        %xor3A_734 = vector.broadcast %xor3A_733 : i32 to vector<16xi32>
        %xor3A_735 = arith.xori %xor3A_724, %xor3A_734 : vector<16xi32>
        %scatter3A_736 = arith.constant 0 : i32
        %scatter3A_737 = arith.constant 0 : i32
        %scatter3A_738 = tpu.memref_slice %arg7[%scatter3A_736, %scatter3A_737] : memref<2x51200xf32, #tpu.memory_space<vmem>> -> memref<1x51200xf32, #tpu.memory_space<vmem>>
        %scatter3A_739 = tpu.memref_squeeze %scatter3A_738 : memref<1x51200xf32, #tpu.memory_space<vmem>> -> memref<51200xf32, #tpu.memory_space<vmem>>
        tpu.vector_store_idx %scatter3A_739[%xor3A_636], %gather3A_641 : memref<51200xf32, #tpu.memory_space<vmem>>[vector<16xi32>], vector<16xf32>,
        %gather3A_740 = tpu.vector_load_idx %arg5[%xor3A_732] : memref<4096xf32, #tpu.memory_space<vmem>>[vector<16xi32>], vector<16xf32>,
        %xor3A_741 = arith.constant 8 : i32
        %xor3A_742 = vector.broadcast %xor3A_741 : i32 to vector<16xi32>
        %xor3A_743 = arith.xori %xor3A_732, %xor3A_742 : vector<16xi32>
        %xor3A_744 = arith.constant 8 : i32
        %xor3A_745 = vector.broadcast %xor3A_744 : i32 to vector<16xi32>
        %xor3A_746 = arith.xori %xor3A_735, %xor3A_745 : vector<16xi32>
        %scatter3A_747 = arith.constant 0 : i32
        %scatter3A_748 = arith.constant 0 : i32
        %scatter3A_749 = tpu.memref_slice %arg7[%scatter3A_747, %scatter3A_748] : memref<2x51200xf32, #tpu.memory_space<vmem>> -> memref<1x51200xf32, #tpu.memory_space<vmem>>
        %scatter3A_750 = tpu.memref_squeeze %scatter3A_749 : memref<1x51200xf32, #tpu.memory_space<vmem>> -> memref<51200xf32, #tpu.memory_space<vmem>>
        tpu.vector_store_idx %scatter3A_750[%xor3A_647], %gather3A_652 : memref<51200xf32, #tpu.memory_space<vmem>>[vector<16xi32>], vector<16xf32>,
        %gather3A_751 = tpu.vector_load_idx %arg5[%xor3A_743] : memref<4096xf32, #tpu.memory_space<vmem>>[vector<16xi32>], vector<16xf32>,
        %xor3A_752 = arith.constant 1 : i32
        %xor3A_753 = vector.broadcast %xor3A_752 : i32 to vector<16xi32>
        %xor3A_754 = arith.xori %xor3A_743, %xor3A_753 : vector<16xi32>
        %xor3A_755 = arith.constant 1 : i32
        %xor3A_756 = vector.broadcast %xor3A_755 : i32 to vector<16xi32>
        %xor3A_757 = arith.xori %xor3A_746, %xor3A_756 : vector<16xi32>
        %scatter3A_758 = arith.constant 0 : i32
        %scatter3A_759 = arith.constant 0 : i32
        %scatter3A_760 = tpu.memref_slice %arg7[%scatter3A_758, %scatter3A_759] : memref<2x51200xf32, #tpu.memory_space<vmem>> -> memref<1x51200xf32, #tpu.memory_space<vmem>>
        %scatter3A_761 = tpu.memref_squeeze %scatter3A_760 : memref<1x51200xf32, #tpu.memory_space<vmem>> -> memref<51200xf32, #tpu.memory_space<vmem>>
        tpu.vector_store_idx %scatter3A_761[%xor3A_658], %gather3A_663 : memref<51200xf32, #tpu.memory_space<vmem>>[vector<16xi32>], vector<16xf32>,
        %gather3A_762 = tpu.vector_load_idx %arg5[%xor3A_754] : memref<4096xf32, #tpu.memory_space<vmem>>[vector<16xi32>], vector<16xf32>,
        %xor3A_763 = arith.constant 2 : i32
        %xor3A_764 = vector.broadcast %xor3A_763 : i32 to vector<16xi32>
        %xor3A_765 = arith.xori %xor3A_754, %xor3A_764 : vector<16xi32>
        %xor3A_766 = arith.constant 2 : i32
        %xor3A_767 = vector.broadcast %xor3A_766 : i32 to vector<16xi32>
        %xor3A_768 = arith.xori %xor3A_757, %xor3A_767 : vector<16xi32>
        %scatter3A_769 = arith.constant 0 : i32
        %scatter3A_770 = arith.constant 0 : i32
        %scatter3A_771 = tpu.memref_slice %arg7[%scatter3A_769, %scatter3A_770] : memref<2x51200xf32, #tpu.memory_space<vmem>> -> memref<1x51200xf32, #tpu.memory_space<vmem>>
        %scatter3A_772 = tpu.memref_squeeze %scatter3A_771 : memref<1x51200xf32, #tpu.memory_space<vmem>> -> memref<51200xf32, #tpu.memory_space<vmem>>
        tpu.vector_store_idx %scatter3A_772[%xor3A_669], %gather3A_674 : memref<51200xf32, #tpu.memory_space<vmem>>[vector<16xi32>], vector<16xf32>,
        %gather3A_773 = tpu.vector_load_idx %arg5[%xor3A_765] : memref<4096xf32, #tpu.memory_space<vmem>>[vector<16xi32>], vector<16xf32>,
        %xor3A_774 = arith.constant 1 : i32
        %xor3A_775 = vector.broadcast %xor3A_774 : i32 to vector<16xi32>
        %xor3A_776 = arith.xori %xor3A_765, %xor3A_775 : vector<16xi32>
        %xor3A_777 = arith.constant 1 : i32
        %xor3A_778 = vector.broadcast %xor3A_777 : i32 to vector<16xi32>
        %xor3A_779 = arith.xori %xor3A_768, %xor3A_778 : vector<16xi32>
        %scatter3A_780 = arith.constant 0 : i32
        %scatter3A_781 = arith.constant 0 : i32
        %scatter3A_782 = tpu.memref_slice %arg7[%scatter3A_780, %scatter3A_781] : memref<2x51200xf32, #tpu.memory_space<vmem>> -> memref<1x51200xf32, #tpu.memory_space<vmem>>
        %scatter3A_783 = tpu.memref_squeeze %scatter3A_782 : memref<1x51200xf32, #tpu.memory_space<vmem>> -> memref<51200xf32, #tpu.memory_space<vmem>>
        tpu.vector_store_idx %scatter3A_783[%xor3A_680], %gather3A_685 : memref<51200xf32, #tpu.memory_space<vmem>>[vector<16xi32>], vector<16xf32>,
        %gather3A_784 = tpu.vector_load_idx %arg5[%xor3A_776] : memref<4096xf32, #tpu.memory_space<vmem>>[vector<16xi32>], vector<16xf32>,
        %xor3A_785 = arith.constant 4 : i32
        %xor3A_786 = vector.broadcast %xor3A_785 : i32 to vector<16xi32>
        %xor3A_787 = arith.xori %xor3A_776, %xor3A_786 : vector<16xi32>
        %xor3A_788 = arith.constant 4 : i32
        %xor3A_789 = vector.broadcast %xor3A_788 : i32 to vector<16xi32>
        %xor3A_790 = arith.xori %xor3A_779, %xor3A_789 : vector<16xi32>
        %scatter3A_791 = arith.constant 0 : i32
        %scatter3A_792 = arith.constant 0 : i32
        %scatter3A_793 = tpu.memref_slice %arg7[%scatter3A_791, %scatter3A_792] : memref<2x51200xf32, #tpu.memory_space<vmem>> -> memref<1x51200xf32, #tpu.memory_space<vmem>>
        %scatter3A_794 = tpu.memref_squeeze %scatter3A_793 : memref<1x51200xf32, #tpu.memory_space<vmem>> -> memref<51200xf32, #tpu.memory_space<vmem>>
        tpu.vector_store_idx %scatter3A_794[%xor3A_691], %gather3A_696 : memref<51200xf32, #tpu.memory_space<vmem>>[vector<16xi32>], vector<16xf32>,
        %gather3A_795 = tpu.vector_load_idx %arg5[%xor3A_787] : memref<4096xf32, #tpu.memory_space<vmem>>[vector<16xi32>], vector<16xf32>,
        %xor3A_796 = arith.constant 1 : i32
        %xor3A_797 = vector.broadcast %xor3A_796 : i32 to vector<16xi32>
        %xor3A_798 = arith.xori %xor3A_787, %xor3A_797 : vector<16xi32>
        %xor3A_799 = arith.constant 1 : i32
        %xor3A_800 = vector.broadcast %xor3A_799 : i32 to vector<16xi32>
        %xor3A_801 = arith.xori %xor3A_790, %xor3A_800 : vector<16xi32>
        %scatter3A_802 = arith.constant 0 : i32
        %scatter3A_803 = arith.constant 0 : i32
        %scatter3A_804 = tpu.memref_slice %arg7[%scatter3A_802, %scatter3A_803] : memref<2x51200xf32, #tpu.memory_space<vmem>> -> memref<1x51200xf32, #tpu.memory_space<vmem>>
        %scatter3A_805 = tpu.memref_squeeze %scatter3A_804 : memref<1x51200xf32, #tpu.memory_space<vmem>> -> memref<51200xf32, #tpu.memory_space<vmem>>
        tpu.vector_store_idx %scatter3A_805[%xor3A_702], %gather3A_707 : memref<51200xf32, #tpu.memory_space<vmem>>[vector<16xi32>], vector<16xf32>,
        %gather3A_806 = tpu.vector_load_idx %arg5[%xor3A_798] : memref<4096xf32, #tpu.memory_space<vmem>>[vector<16xi32>], vector<16xf32>,
        %xor3A_807 = arith.constant 2 : i32
        %xor3A_808 = vector.broadcast %xor3A_807 : i32 to vector<16xi32>
        %xor3A_809 = arith.xori %xor3A_798, %xor3A_808 : vector<16xi32>
        %xor3A_810 = arith.constant 2 : i32
        %xor3A_811 = vector.broadcast %xor3A_810 : i32 to vector<16xi32>
        %xor3A_812 = arith.xori %xor3A_801, %xor3A_811 : vector<16xi32>
        %scatter3A_813 = arith.constant 0 : i32
        %scatter3A_814 = arith.constant 0 : i32
        %scatter3A_815 = tpu.memref_slice %arg7[%scatter3A_813, %scatter3A_814] : memref<2x51200xf32, #tpu.memory_space<vmem>> -> memref<1x51200xf32, #tpu.memory_space<vmem>>
        %scatter3A_816 = tpu.memref_squeeze %scatter3A_815 : memref<1x51200xf32, #tpu.memory_space<vmem>> -> memref<51200xf32, #tpu.memory_space<vmem>>
        tpu.vector_store_idx %scatter3A_816[%xor3A_713], %gather3A_718 : memref<51200xf32, #tpu.memory_space<vmem>>[vector<16xi32>], vector<16xf32>,
        %gather3A_817 = tpu.vector_load_idx %arg5[%xor3A_809] : memref<4096xf32, #tpu.memory_space<vmem>>[vector<16xi32>], vector<16xf32>,
        %xor3A_818 = arith.constant 1 : i32
        %xor3A_819 = vector.broadcast %xor3A_818 : i32 to vector<16xi32>
        %xor3A_820 = arith.xori %xor3A_809, %xor3A_819 : vector<16xi32>
        %xor3A_821 = arith.constant 1 : i32
        %xor3A_822 = vector.broadcast %xor3A_821 : i32 to vector<16xi32>
        %xor3A_823 = arith.xori %xor3A_812, %xor3A_822 : vector<16xi32>
        %scatter3A_824 = arith.constant 0 : i32
        %scatter3A_825 = arith.constant 0 : i32
        %scatter3A_826 = tpu.memref_slice %arg7[%scatter3A_824, %scatter3A_825] : memref<2x51200xf32, #tpu.memory_space<vmem>> -> memref<1x51200xf32, #tpu.memory_space<vmem>>
        %scatter3A_827 = tpu.memref_squeeze %scatter3A_826 : memref<1x51200xf32, #tpu.memory_space<vmem>> -> memref<51200xf32, #tpu.memory_space<vmem>>
        tpu.vector_store_idx %scatter3A_827[%xor3A_724], %gather3A_729 : memref<51200xf32, #tpu.memory_space<vmem>>[vector<16xi32>], vector<16xf32>,
        %gather3A_828 = tpu.vector_load_idx %arg5[%xor3A_820] : memref<4096xf32, #tpu.memory_space<vmem>>[vector<16xi32>], vector<16xf32>,
        %scatter3A_829 = arith.constant 0 : i32
        %scatter3A_830 = arith.constant 0 : i32
        %scatter3A_831 = tpu.memref_slice %arg7[%scatter3A_829, %scatter3A_830] : memref<2x51200xf32, #tpu.memory_space<vmem>> -> memref<1x51200xf32, #tpu.memory_space<vmem>>
        %scatter3A_832 = tpu.memref_squeeze %scatter3A_831 : memref<1x51200xf32, #tpu.memory_space<vmem>> -> memref<51200xf32, #tpu.memory_space<vmem>>
        tpu.vector_store_idx %scatter3A_832[%xor3A_735], %gather3A_740 : memref<51200xf32, #tpu.memory_space<vmem>>[vector<16xi32>], vector<16xf32>,
        %scatter3A_833 = arith.constant 0 : i32
        %scatter3A_834 = arith.constant 0 : i32
        %scatter3A_835 = tpu.memref_slice %arg7[%scatter3A_833, %scatter3A_834] : memref<2x51200xf32, #tpu.memory_space<vmem>> -> memref<1x51200xf32, #tpu.memory_space<vmem>>
        %scatter3A_836 = tpu.memref_squeeze %scatter3A_835 : memref<1x51200xf32, #tpu.memory_space<vmem>> -> memref<51200xf32, #tpu.memory_space<vmem>>
        tpu.vector_store_idx %scatter3A_836[%xor3A_746], %gather3A_751 : memref<51200xf32, #tpu.memory_space<vmem>>[vector<16xi32>], vector<16xf32>,
        %scatter3A_837 = arith.constant 0 : i32
        %scatter3A_838 = arith.constant 0 : i32
        %scatter3A_839 = tpu.memref_slice %arg7[%scatter3A_837, %scatter3A_838] : memref<2x51200xf32, #tpu.memory_space<vmem>> -> memref<1x51200xf32, #tpu.memory_space<vmem>>
        %scatter3A_840 = tpu.memref_squeeze %scatter3A_839 : memref<1x51200xf32, #tpu.memory_space<vmem>> -> memref<51200xf32, #tpu.memory_space<vmem>>
        tpu.vector_store_idx %scatter3A_840[%xor3A_757], %gather3A_762 : memref<51200xf32, #tpu.memory_space<vmem>>[vector<16xi32>], vector<16xf32>,
        %scatter3A_841 = arith.constant 0 : i32
        %scatter3A_842 = arith.constant 0 : i32
        %scatter3A_843 = tpu.memref_slice %arg7[%scatter3A_841, %scatter3A_842] : memref<2x51200xf32, #tpu.memory_space<vmem>> -> memref<1x51200xf32, #tpu.memory_space<vmem>>
        %scatter3A_844 = tpu.memref_squeeze %scatter3A_843 : memref<1x51200xf32, #tpu.memory_space<vmem>> -> memref<51200xf32, #tpu.memory_space<vmem>>
        tpu.vector_store_idx %scatter3A_844[%xor3A_768], %gather3A_773 : memref<51200xf32, #tpu.memory_space<vmem>>[vector<16xi32>], vector<16xf32>,
        %scatter3A_845 = arith.constant 0 : i32
        %scatter3A_846 = arith.constant 0 : i32
        %scatter3A_847 = tpu.memref_slice %arg7[%scatter3A_845, %scatter3A_846] : memref<2x51200xf32, #tpu.memory_space<vmem>> -> memref<1x51200xf32, #tpu.memory_space<vmem>>
        %scatter3A_848 = tpu.memref_squeeze %scatter3A_847 : memref<1x51200xf32, #tpu.memory_space<vmem>> -> memref<51200xf32, #tpu.memory_space<vmem>>
        tpu.vector_store_idx %scatter3A_848[%xor3A_779], %gather3A_784 : memref<51200xf32, #tpu.memory_space<vmem>>[vector<16xi32>], vector<16xf32>,
        %scatter3A_849 = arith.constant 0 : i32
        %scatter3A_850 = arith.constant 0 : i32
        %scatter3A_851 = tpu.memref_slice %arg7[%scatter3A_849, %scatter3A_850] : memref<2x51200xf32, #tpu.memory_space<vmem>> -> memref<1x51200xf32, #tpu.memory_space<vmem>>
        %scatter3A_852 = tpu.memref_squeeze %scatter3A_851 : memref<1x51200xf32, #tpu.memory_space<vmem>> -> memref<51200xf32, #tpu.memory_space<vmem>>
        tpu.vector_store_idx %scatter3A_852[%xor3A_790], %gather3A_795 : memref<51200xf32, #tpu.memory_space<vmem>>[vector<16xi32>], vector<16xf32>,
        %scatter3A_853 = arith.constant 0 : i32
        %scatter3A_854 = arith.constant 0 : i32
        %scatter3A_855 = tpu.memref_slice %arg7[%scatter3A_853, %scatter3A_854] : memref<2x51200xf32, #tpu.memory_space<vmem>> -> memref<1x51200xf32, #tpu.memory_space<vmem>>
        %scatter3A_856 = tpu.memref_squeeze %scatter3A_855 : memref<1x51200xf32, #tpu.memory_space<vmem>> -> memref<51200xf32, #tpu.memory_space<vmem>>
        tpu.vector_store_idx %scatter3A_856[%xor3A_801], %gather3A_806 : memref<51200xf32, #tpu.memory_space<vmem>>[vector<16xi32>], vector<16xf32>,
        %scatter3A_857 = arith.constant 0 : i32
        %scatter3A_858 = arith.constant 0 : i32
        %scatter3A_859 = tpu.memref_slice %arg7[%scatter3A_857, %scatter3A_858] : memref<2x51200xf32, #tpu.memory_space<vmem>> -> memref<1x51200xf32, #tpu.memory_space<vmem>>
        %scatter3A_860 = tpu.memref_squeeze %scatter3A_859 : memref<1x51200xf32, #tpu.memory_space<vmem>> -> memref<51200xf32, #tpu.memory_space<vmem>>
        tpu.vector_store_idx %scatter3A_860[%xor3A_812], %gather3A_817 : memref<51200xf32, #tpu.memory_space<vmem>>[vector<16xi32>], vector<16xf32>,
        %scatter3A_861 = arith.constant 0 : i32
        %scatter3A_862 = arith.constant 0 : i32
        %scatter3A_863 = tpu.memref_slice %arg7[%scatter3A_861, %scatter3A_862] : memref<2x51200xf32, #tpu.memory_space<vmem>> -> memref<1x51200xf32, #tpu.memory_space<vmem>>
        %scatter3A_864 = tpu.memref_squeeze %scatter3A_863 : memref<1x51200xf32, #tpu.memory_space<vmem>> -> memref<51200xf32, #tpu.memory_space<vmem>>
        tpu.vector_store_idx %scatter3A_864[%xor3A_823], %gather3A_828 : memref<51200xf32, #tpu.memory_space<vmem>>[vector<16xi32>], vector<16xf32>,
        scf.yield %add3A_158 : vector<16xi32>
      }
      %scan3A_82 = arith.constant 50 : i32
      %mul3A_83 = arith.constant 800 : i32
      %mul3A_84 = arith.muli %add3A_55, %mul3A_83 : i32
      %add3A_85 = arith.addi %mul3A_4, %mul3A_84 : i32
      %mul3A_86 = arith.constant 64 : i32
      %mul3A_87 = arith.muli %add3A_85, %mul3A_86 : i32
      %dma_start3A_88 = arith.constant 0 : i32
      %dma_start3A_89 = arith.constant 0 : i32
      %dma_start3A_90 = tpu.memref_slice %arg7[%dma_start3A_88, %dma_start3A_89] : memref<2x51200xf32, #tpu.memory_space<vmem>> -> memref<1x51200xf32, #tpu.memory_space<vmem>>
      %dma_start3A_91 = tpu.memref_squeeze %dma_start3A_90 : memref<1x51200xf32, #tpu.memory_space<vmem>> -> memref<51200xf32, #tpu.memory_space<vmem>>
      %dma_start3A_92 = tpu.memref_slice %arg4[%mul3A_87] : memref<52428800xf32, #tpu.memory_space<hbm>> -> memref<51200xf32, #tpu.memory_space<hbm>>
      %dma_start3A_93 = tpu.memref_slice %arg4[%mul3A_87] : memref<52428800xf32, #tpu.memory_space<hbm>> -> memref<51200xf32, #tpu.memory_space<hbm>>
      %dma_start3A_94 = arith.constant 0 : i32
      %dma_start3A_95 = tpu.memref_slice %arg7[%dma_start3A_88, %dma_start3A_94] : memref<2x51200xf32, #tpu.memory_space<vmem>> -> memref<1x51200xf32, #tpu.memory_space<vmem>>
      %dma_start3A_96 = tpu.memref_squeeze %dma_start3A_95 : memref<1x51200xf32, #tpu.memory_space<vmem>> -> memref<51200xf32, #tpu.memory_space<vmem>>
      tpu.enqueue_dma source(%dma_start3A_96 : memref<51200xf32, #tpu.memory_space<vmem>>) target(%dma_start3A_93 : memref<51200xf32, #tpu.memory_space<hbm>>) target_semaphore(%arg10 : memref<!tpu.dma_semaphore, #tpu.memory_space<semaphore_mem>>)
      %mul3A_97 = arith.constant 2 : i32
      %mul3A_98 = arith.muli %mul3A_97, %scan3A_51 : i32
      %add3A_99 = arith.constant 1 : i32
      %add3A_100 = arith.addi %mul3A_98, %add3A_99 : i32
      %add3A_101 = arith.constant 1 : i32
      %add3A_102 = arith.addi %add3A_100, %add3A_101 : i32
      %lt3A_103 = arith.constant 32 : i32
      %lt3A_104 = arith.cmpi slt, %add3A_102, %lt3A_103 : i32
      %convert_element_type3A_105 = arith.extui %lt3A_104 : i1 to i32
      %cond3A_106 = arith.constant 0 : i32
      %cond3A_107 = arith.cmpi ne, %convert_element_type3A_105, %cond3A_106 : i32
      scf.if %cond3A_107 {
        %add3A_147 = arith.constant 1 : i32
        %add3A_148 = arith.addi %add3A_100, %add3A_147 : i32
        %mul3A_149 = arith.constant 800 : i32
        %mul3A_150 = arith.muli %add3A_148, %mul3A_149 : i32
        %add3A_151 = arith.addi %mul3A_4, %mul3A_150 : i32
        %dma_start3A_152 = arith.constant 0 : i32
        %dma_start3A_153 = arith.constant 0 : i32
        %dma_start3A_154 = tpu.memref_slice %arg6[%dma_start3A_152, %dma_start3A_153] : memref<2x800xi32, #tpu.memory_space<vmem>> -> memref<1x800xi32, #tpu.memory_space<vmem>>
        %dma_start3A_155 = tpu.memref_squeeze %dma_start3A_154 : memref<1x800xi32, #tpu.memory_space<vmem>> -> memref<800xi32, #tpu.memory_space<vmem>>
        %dma_start3A_156 = tpu.memref_slice %arg2[%add3A_151] : memref<819200xi32, #tpu.memory_space<hbm>> -> memref<800xi32, #tpu.memory_space<hbm>>
        %dma_start3A_157 = arith.constant 0 : i32
        %dma_start3A_158 = tpu.memref_slice %arg6[%dma_start3A_152, %dma_start3A_157] : memref<2x800xi32, #tpu.memory_space<vmem>> -> memref<1x800xi32, #tpu.memory_space<vmem>>
        %dma_start3A_159 = tpu.memref_squeeze %dma_start3A_158 : memref<1x800xi32, #tpu.memory_space<vmem>> -> memref<800xi32, #tpu.memory_space<vmem>>
        %dma_start3A_160 = tpu.memref_slice %arg2[%add3A_151] : memref<819200xi32, #tpu.memory_space<hbm>> -> memref<800xi32, #tpu.memory_space<hbm>>
        tpu.enqueue_dma source(%dma_start3A_160 : memref<800xi32, #tpu.memory_space<hbm>>) target(%dma_start3A_159 : memref<800xi32, #tpu.memory_space<vmem>>) target_semaphore(%arg8 : memref<!tpu.dma_semaphore, #tpu.memory_space<semaphore_mem>>)
      } else {
      }
      %mul3A_108 = arith.constant 800 : i32
      %mul3A_109 = arith.muli %add3A_100, %mul3A_108 : i32
      %add3A_110 = arith.addi %mul3A_4, %mul3A_109 : i32
      %dma_wait3A_111 = arith.constant 1 : i32
      %dma_wait3A_112 = arith.constant 0 : i32
      %dma_wait3A_113 = tpu.memref_slice %arg6[%dma_wait3A_111, %dma_wait3A_112] : memref<2x800xi32, #tpu.memory_space<vmem>> -> memref<1x800xi32, #tpu.memory_space<vmem>>
      %dma_wait3A_114 = tpu.memref_squeeze %dma_wait3A_113 : memref<1x800xi32, #tpu.memory_space<vmem>> -> memref<800xi32, #tpu.memory_space<vmem>>
      %dma_wait3A_115 = tpu.memref_slice %arg2[%add3A_110] : memref<819200xi32, #tpu.memory_space<hbm>> -> memref<800xi32, #tpu.memory_space<hbm>>
      %dma_wait3A_116 = arith.constant 0 : i32
      %dma_wait3A_117 = tpu.memref_slice %arg6[%dma_wait3A_111, %dma_wait3A_116] : memref<2x800xi32, #tpu.memory_space<vmem>> -> memref<1x800xi32, #tpu.memory_space<vmem>>
      %dma_wait3A_118 = tpu.memref_squeeze %dma_wait3A_117 : memref<1x800xi32, #tpu.memory_space<vmem>> -> memref<800xi32, #tpu.memory_space<vmem>>
      %dma_wait3A_119 = tpu.memref_slice %arg2[%add3A_110] : memref<819200xi32, #tpu.memory_space<hbm>> -> memref<800xi32, #tpu.memory_space<hbm>>
      tpu.wait_dma2 semaphore(%arg9 : memref<!tpu.dma_semaphore, #tpu.memory_space<semaphore_mem>>) src(%dma_wait3A_119 : memref<800xi32, #tpu.memory_space<hbm>>) dst(%dma_wait3A_118 : memref<800xi32, #tpu.memory_space<vmem>>)
      %ge3A_120 = arith.constant 2 : i32
      %ge3A_121 = arith.cmpi sge, %add3A_100, %ge3A_120 : i32
      %convert_element_type3A_122 = arith.extui %ge3A_121 : i1 to i32
      %cond3A_123 = arith.constant 0 : i32
      %cond3A_124 = arith.cmpi ne, %convert_element_type3A_122, %cond3A_123 : i32
      scf.if %cond3A_124 {
        %sub3A = arith.constant 2 : i32
        %sub3A_147 = arith.subi %add3A_100, %sub3A : i32
        %mul3A_148 = arith.constant 800 : i32
        %mul3A_149 = arith.muli %sub3A_147, %mul3A_148 : i32
        %add3A_150 = arith.addi %mul3A_4, %mul3A_149 : i32
        %mul3A_151 = arith.constant 64 : i32
        %mul3A_152 = arith.muli %add3A_150, %mul3A_151 : i32
        %dma_wait3A_153 = arith.constant 1 : i32
        %dma_wait3A_154 = arith.constant 0 : i32
        %dma_wait3A_155 = tpu.memref_slice %arg7[%dma_wait3A_153, %dma_wait3A_154] : memref<2x51200xf32, #tpu.memory_space<vmem>> -> memref<1x51200xf32, #tpu.memory_space<vmem>>
        %dma_wait3A_156 = tpu.memref_squeeze %dma_wait3A_155 : memref<1x51200xf32, #tpu.memory_space<vmem>> -> memref<51200xf32, #tpu.memory_space<vmem>>
        %dma_wait3A_157 = tpu.memref_slice %arg4[%mul3A_152] : memref<52428800xf32, #tpu.memory_space<hbm>> -> memref<51200xf32, #tpu.memory_space<hbm>>
        %dma_wait3A_158 = tpu.memref_slice %arg4[%mul3A_152] : memref<52428800xf32, #tpu.memory_space<hbm>> -> memref<51200xf32, #tpu.memory_space<hbm>>
        %dma_wait3A_159 = arith.constant 0 : i32
        %dma_wait3A_160 = tpu.memref_slice %arg7[%dma_wait3A_153, %dma_wait3A_159] : memref<2x51200xf32, #tpu.memory_space<vmem>> -> memref<1x51200xf32, #tpu.memory_space<vmem>>
        %dma_wait3A_161 = tpu.memref_squeeze %dma_wait3A_160 : memref<1x51200xf32, #tpu.memory_space<vmem>> -> memref<51200xf32, #tpu.memory_space<vmem>>
        tpu.wait_dma2 semaphore(%arg11 : memref<!tpu.dma_semaphore, #tpu.memory_space<semaphore_mem>>) src(%dma_wait3A_161 : memref<51200xf32, #tpu.memory_space<vmem>>) dst(%dma_wait3A_158 : memref<51200xf32, #tpu.memory_space<hbm>>)
      } else {
      }
      %broadcast_in_dim3A_125 = arith.constant 0 : i32
      %broadcast_in_dim3A_126 = vector.broadcast %broadcast_in_dim3A_125 : i32 to vector<16xi32>
      %scan3A_127 = arith.constant 0 : i32
      %scan3A_128 = arith.constant 50 : i32
      %scan3A_129 = arith.addi %scan3A_127, %scan3A_128 : i32
      %scan3A_130 = arith.constant 1 : i32
      %scan3A_131 = scf.for %scan3A_147 = %scan3A_127 to %scan3A_129 step %scan3A_130 iter_args(%scan3A_148 = %broadcast_in_dim3A_126) -> (vector<16xi32>)  : i32 {
        %add3A_149 = vector.broadcast %scan3A_147 : i32 to vector<16xi32>
        %add3A_150 = arith.addi %mul3A_7, %add3A_149 : vector<16xi32>
        %gather3A = arith.constant 1 : i32
        %gather3A_151 = arith.constant 0 : i32
        %gather3A_152 = tpu.memref_slice %arg6[%gather3A, %gather3A_151] : memref<2x800xi32, #tpu.memory_space<vmem>> -> memref<1x800xi32, #tpu.memory_space<vmem>>
        %gather3A_153 = tpu.memref_squeeze %gather3A_152 : memref<1x800xi32, #tpu.memory_space<vmem>> -> memref<800xi32, #tpu.memory_space<vmem>>
        %gather3A_154 = tpu.vector_load_idx %gather3A_153[%add3A_150] : memref<800xi32, #tpu.memory_space<vmem>>[vector<16xi32>], vector<16xi32>,
        %ne3A = arith.constant 0 : i32
        %ne3A_155 = vector.broadcast %ne3A : i32 to vector<16xi32>
        %ne3A_156 = arith.cmpi ne, %gather3A_154, %ne3A_155 : vector<16xi32>
        %convert_element_type3A_157 = arith.extui %ne3A_156 : vector<16xi1> to vector<16xi32>
        %add3A_158 = arith.addi %scan3A_148, %convert_element_type3A_157 : vector<16xi32>
        %jit3A = arith.constant 0 : i32
        %broadcast_in_dim3A_159 = vector.broadcast %jit3A : i32 to vector<16xi32>
        %select_n3A = arith.select %ne3A_156, %add3A_158, %broadcast_in_dim3A_159 : vector<16xi1>, vector<16xi32>
        %mul3A_160 = arith.constant 64 : i32
        %mul3A_161 = vector.broadcast %mul3A_160 : i32 to vector<16xi32>
        %mul3A_162 = arith.muli %select_n3A, %mul3A_161 : vector<16xi32>
        %add3A_163 = arith.addi %mul3A_162, %iota3A : vector<16xi32>
        %mul3A_164 = arith.constant 64 : i32
        %mul3A_165 = arith.muli %scan3A_147, %mul3A_164 : i32
        %add3A_166 = vector.broadcast %mul3A_165 : i32 to vector<16xi32>
        %add3A_167 = arith.addi %mul3A_10, %add3A_166 : vector<16xi32>
        %add3A_168 = arith.addi %add3A_167, %iota3A : vector<16xi32>
        %gather3A_169 = tpu.vector_load_idx %arg5[%add3A_163] : memref<4096xf32, #tpu.memory_space<vmem>>[vector<16xi32>], vector<16xf32>,
        %xor3A = arith.constant 1 : i32
        %xor3A_170 = vector.broadcast %xor3A : i32 to vector<16xi32>
        %xor3A_171 = arith.xori %add3A_163, %xor3A_170 : vector<16xi32>
        %xor3A_172 = arith.constant 1 : i32
        %xor3A_173 = vector.broadcast %xor3A_172 : i32 to vector<16xi32>
        %xor3A_174 = arith.xori %add3A_168, %xor3A_173 : vector<16xi32>
        %gather3A_175 = tpu.vector_load_idx %arg5[%xor3A_171] : memref<4096xf32, #tpu.memory_space<vmem>>[vector<16xi32>], vector<16xf32>,
        %xor3A_176 = arith.constant 2 : i32
        %xor3A_177 = vector.broadcast %xor3A_176 : i32 to vector<16xi32>
        %xor3A_178 = arith.xori %xor3A_171, %xor3A_177 : vector<16xi32>
        %xor3A_179 = arith.constant 2 : i32
        %xor3A_180 = vector.broadcast %xor3A_179 : i32 to vector<16xi32>
        %xor3A_181 = arith.xori %xor3A_174, %xor3A_180 : vector<16xi32>
        %gather3A_182 = tpu.vector_load_idx %arg5[%xor3A_178] : memref<4096xf32, #tpu.memory_space<vmem>>[vector<16xi32>], vector<16xf32>,
        %xor3A_183 = arith.constant 1 : i32
        %xor3A_184 = vector.broadcast %xor3A_183 : i32 to vector<16xi32>
        %xor3A_185 = arith.xori %xor3A_178, %xor3A_184 : vector<16xi32>
        %xor3A_186 = arith.constant 1 : i32
        %xor3A_187 = vector.broadcast %xor3A_186 : i32 to vector<16xi32>
        %xor3A_188 = arith.xori %xor3A_181, %xor3A_187 : vector<16xi32>
        %gather3A_189 = tpu.vector_load_idx %arg5[%xor3A_185] : memref<4096xf32, #tpu.memory_space<vmem>>[vector<16xi32>], vector<16xf32>,
        %xor3A_190 = arith.constant 4 : i32
        %xor3A_191 = vector.broadcast %xor3A_190 : i32 to vector<16xi32>
        %xor3A_192 = arith.xori %xor3A_185, %xor3A_191 : vector<16xi32>
        %xor3A_193 = arith.constant 4 : i32
        %xor3A_194 = vector.broadcast %xor3A_193 : i32 to vector<16xi32>
        %xor3A_195 = arith.xori %xor3A_188, %xor3A_194 : vector<16xi32>
        %gather3A_196 = tpu.vector_load_idx %arg5[%xor3A_192] : memref<4096xf32, #tpu.memory_space<vmem>>[vector<16xi32>], vector<16xf32>,
        %xor3A_197 = arith.constant 1 : i32
        %xor3A_198 = vector.broadcast %xor3A_197 : i32 to vector<16xi32>
        %xor3A_199 = arith.xori %xor3A_192, %xor3A_198 : vector<16xi32>
        %xor3A_200 = arith.constant 1 : i32
        %xor3A_201 = vector.broadcast %xor3A_200 : i32 to vector<16xi32>
        %xor3A_202 = arith.xori %xor3A_195, %xor3A_201 : vector<16xi32>
        %gather3A_203 = tpu.vector_load_idx %arg5[%xor3A_199] : memref<4096xf32, #tpu.memory_space<vmem>>[vector<16xi32>], vector<16xf32>,
        %xor3A_204 = arith.constant 2 : i32
        %xor3A_205 = vector.broadcast %xor3A_204 : i32 to vector<16xi32>
        %xor3A_206 = arith.xori %xor3A_199, %xor3A_205 : vector<16xi32>
        %xor3A_207 = arith.constant 2 : i32
        %xor3A_208 = vector.broadcast %xor3A_207 : i32 to vector<16xi32>
        %xor3A_209 = arith.xori %xor3A_202, %xor3A_208 : vector<16xi32>
        %gather3A_210 = tpu.vector_load_idx %arg5[%xor3A_206] : memref<4096xf32, #tpu.memory_space<vmem>>[vector<16xi32>], vector<16xf32>,
        %xor3A_211 = arith.constant 1 : i32
        %xor3A_212 = vector.broadcast %xor3A_211 : i32 to vector<16xi32>
        %xor3A_213 = arith.xori %xor3A_206, %xor3A_212 : vector<16xi32>
        %xor3A_214 = arith.constant 1 : i32
        %xor3A_215 = vector.broadcast %xor3A_214 : i32 to vector<16xi32>
        %xor3A_216 = arith.xori %xor3A_209, %xor3A_215 : vector<16xi32>
        %gather3A_217 = tpu.vector_load_idx %arg5[%xor3A_213] : memref<4096xf32, #tpu.memory_space<vmem>>[vector<16xi32>], vector<16xf32>,
        %xor3A_218 = arith.constant 8 : i32
        %xor3A_219 = vector.broadcast %xor3A_218 : i32 to vector<16xi32>
        %xor3A_220 = arith.xori %xor3A_213, %xor3A_219 : vector<16xi32>
        %xor3A_221 = arith.constant 8 : i32
        %xor3A_222 = vector.broadcast %xor3A_221 : i32 to vector<16xi32>
        %xor3A_223 = arith.xori %xor3A_216, %xor3A_222 : vector<16xi32>
        %gather3A_224 = tpu.vector_load_idx %arg5[%xor3A_220] : memref<4096xf32, #tpu.memory_space<vmem>>[vector<16xi32>], vector<16xf32>,
        %xor3A_225 = arith.constant 1 : i32
        %xor3A_226 = vector.broadcast %xor3A_225 : i32 to vector<16xi32>
        %xor3A_227 = arith.xori %xor3A_220, %xor3A_226 : vector<16xi32>
        %xor3A_228 = arith.constant 1 : i32
        %xor3A_229 = vector.broadcast %xor3A_228 : i32 to vector<16xi32>
        %xor3A_230 = arith.xori %xor3A_223, %xor3A_229 : vector<16xi32>
        %scatter3A = arith.constant 1 : i32
        %scatter3A_231 = arith.constant 0 : i32
        %scatter3A_232 = tpu.memref_slice %arg7[%scatter3A, %scatter3A_231] : memref<2x51200xf32, #tpu.memory_space<vmem>> -> memref<1x51200xf32, #tpu.memory_space<vmem>>
        %scatter3A_233 = tpu.memref_squeeze %scatter3A_232 : memref<1x51200xf32, #tpu.memory_space<vmem>> -> memref<51200xf32, #tpu.memory_space<vmem>>
        tpu.vector_store_idx %scatter3A_233[%add3A_168], %gather3A_169 : memref<51200xf32, #tpu.memory_space<vmem>>[vector<16xi32>], vector<16xf32>,
        %gather3A_234 = tpu.vector_load_idx %arg5[%xor3A_227] : memref<4096xf32, #tpu.memory_space<vmem>>[vector<16xi32>], vector<16xf32>,
        %xor3A_235 = arith.constant 2 : i32
        %xor3A_236 = vector.broadcast %xor3A_235 : i32 to vector<16xi32>
        %xor3A_237 = arith.xori %xor3A_227, %xor3A_236 : vector<16xi32>
        %xor3A_238 = arith.constant 2 : i32
        %xor3A_239 = vector.broadcast %xor3A_238 : i32 to vector<16xi32>
        %xor3A_240 = arith.xori %xor3A_230, %xor3A_239 : vector<16xi32>
        %scatter3A_241 = arith.constant 1 : i32
        %scatter3A_242 = arith.constant 0 : i32
        %scatter3A_243 = tpu.memref_slice %arg7[%scatter3A_241, %scatter3A_242] : memref<2x51200xf32, #tpu.memory_space<vmem>> -> memref<1x51200xf32, #tpu.memory_space<vmem>>
        %scatter3A_244 = tpu.memref_squeeze %scatter3A_243 : memref<1x51200xf32, #tpu.memory_space<vmem>> -> memref<51200xf32, #tpu.memory_space<vmem>>
        tpu.vector_store_idx %scatter3A_244[%xor3A_174], %gather3A_175 : memref<51200xf32, #tpu.memory_space<vmem>>[vector<16xi32>], vector<16xf32>,
        %gather3A_245 = tpu.vector_load_idx %arg5[%xor3A_237] : memref<4096xf32, #tpu.memory_space<vmem>>[vector<16xi32>], vector<16xf32>,
        %xor3A_246 = arith.constant 1 : i32
        %xor3A_247 = vector.broadcast %xor3A_246 : i32 to vector<16xi32>
        %xor3A_248 = arith.xori %xor3A_237, %xor3A_247 : vector<16xi32>
        %xor3A_249 = arith.constant 1 : i32
        %xor3A_250 = vector.broadcast %xor3A_249 : i32 to vector<16xi32>
        %xor3A_251 = arith.xori %xor3A_240, %xor3A_250 : vector<16xi32>
        %scatter3A_252 = arith.constant 1 : i32
        %scatter3A_253 = arith.constant 0 : i32
        %scatter3A_254 = tpu.memref_slice %arg7[%scatter3A_252, %scatter3A_253] : memref<2x51200xf32, #tpu.memory_space<vmem>> -> memref<1x51200xf32, #tpu.memory_space<vmem>>
        %scatter3A_255 = tpu.memref_squeeze %scatter3A_254 : memref<1x51200xf32, #tpu.memory_space<vmem>> -> memref<51200xf32, #tpu.memory_space<vmem>>
        tpu.vector_store_idx %scatter3A_255[%xor3A_181], %gather3A_182 : memref<51200xf32, #tpu.memory_space<vmem>>[vector<16xi32>], vector<16xf32>,
        %gather3A_256 = tpu.vector_load_idx %arg5[%xor3A_248] : memref<4096xf32, #tpu.memory_space<vmem>>[vector<16xi32>], vector<16xf32>,
        %xor3A_257 = arith.constant 4 : i32
        %xor3A_258 = vector.broadcast %xor3A_257 : i32 to vector<16xi32>
        %xor3A_259 = arith.xori %xor3A_248, %xor3A_258 : vector<16xi32>
        %xor3A_260 = arith.constant 4 : i32
        %xor3A_261 = vector.broadcast %xor3A_260 : i32 to vector<16xi32>
        %xor3A_262 = arith.xori %xor3A_251, %xor3A_261 : vector<16xi32>
        %scatter3A_263 = arith.constant 1 : i32
        %scatter3A_264 = arith.constant 0 : i32
        %scatter3A_265 = tpu.memref_slice %arg7[%scatter3A_263, %scatter3A_264] : memref<2x51200xf32, #tpu.memory_space<vmem>> -> memref<1x51200xf32, #tpu.memory_space<vmem>>
        %scatter3A_266 = tpu.memref_squeeze %scatter3A_265 : memref<1x51200xf32, #tpu.memory_space<vmem>> -> memref<51200xf32, #tpu.memory_space<vmem>>
        tpu.vector_store_idx %scatter3A_266[%xor3A_188], %gather3A_189 : memref<51200xf32, #tpu.memory_space<vmem>>[vector<16xi32>], vector<16xf32>,
        %gather3A_267 = tpu.vector_load_idx %arg5[%xor3A_259] : memref<4096xf32, #tpu.memory_space<vmem>>[vector<16xi32>], vector<16xf32>,
        %xor3A_268 = arith.constant 1 : i32
        %xor3A_269 = vector.broadcast %xor3A_268 : i32 to vector<16xi32>
        %xor3A_270 = arith.xori %xor3A_259, %xor3A_269 : vector<16xi32>
        %xor3A_271 = arith.constant 1 : i32
        %xor3A_272 = vector.broadcast %xor3A_271 : i32 to vector<16xi32>
        %xor3A_273 = arith.xori %xor3A_262, %xor3A_272 : vector<16xi32>
        %scatter3A_274 = arith.constant 1 : i32
        %scatter3A_275 = arith.constant 0 : i32
        %scatter3A_276 = tpu.memref_slice %arg7[%scatter3A_274, %scatter3A_275] : memref<2x51200xf32, #tpu.memory_space<vmem>> -> memref<1x51200xf32, #tpu.memory_space<vmem>>
        %scatter3A_277 = tpu.memref_squeeze %scatter3A_276 : memref<1x51200xf32, #tpu.memory_space<vmem>> -> memref<51200xf32, #tpu.memory_space<vmem>>
        tpu.vector_store_idx %scatter3A_277[%xor3A_195], %gather3A_196 : memref<51200xf32, #tpu.memory_space<vmem>>[vector<16xi32>], vector<16xf32>,
        %gather3A_278 = tpu.vector_load_idx %arg5[%xor3A_270] : memref<4096xf32, #tpu.memory_space<vmem>>[vector<16xi32>], vector<16xf32>,
        %xor3A_279 = arith.constant 2 : i32
        %xor3A_280 = vector.broadcast %xor3A_279 : i32 to vector<16xi32>
        %xor3A_281 = arith.xori %xor3A_270, %xor3A_280 : vector<16xi32>
        %xor3A_282 = arith.constant 2 : i32
        %xor3A_283 = vector.broadcast %xor3A_282 : i32 to vector<16xi32>
        %xor3A_284 = arith.xori %xor3A_273, %xor3A_283 : vector<16xi32>
        %scatter3A_285 = arith.constant 1 : i32
        %scatter3A_286 = arith.constant 0 : i32
        %scatter3A_287 = tpu.memref_slice %arg7[%scatter3A_285, %scatter3A_286] : memref<2x51200xf32, #tpu.memory_space<vmem>> -> memref<1x51200xf32, #tpu.memory_space<vmem>>
        %scatter3A_288 = tpu.memref_squeeze %scatter3A_287 : memref<1x51200xf32, #tpu.memory_space<vmem>> -> memref<51200xf32, #tpu.memory_space<vmem>>
        tpu.vector_store_idx %scatter3A_288[%xor3A_202], %gather3A_203 : memref<51200xf32, #tpu.memory_space<vmem>>[vector<16xi32>], vector<16xf32>,
        %gather3A_289 = tpu.vector_load_idx %arg5[%xor3A_281] : memref<4096xf32, #tpu.memory_space<vmem>>[vector<16xi32>], vector<16xf32>,
        %xor3A_290 = arith.constant 1 : i32
        %xor3A_291 = vector.broadcast %xor3A_290 : i32 to vector<16xi32>
        %xor3A_292 = arith.xori %xor3A_281, %xor3A_291 : vector<16xi32>
        %xor3A_293 = arith.constant 1 : i32
        %xor3A_294 = vector.broadcast %xor3A_293 : i32 to vector<16xi32>
        %xor3A_295 = arith.xori %xor3A_284, %xor3A_294 : vector<16xi32>
        %scatter3A_296 = arith.constant 1 : i32
        %scatter3A_297 = arith.constant 0 : i32
        %scatter3A_298 = tpu.memref_slice %arg7[%scatter3A_296, %scatter3A_297] : memref<2x51200xf32, #tpu.memory_space<vmem>> -> memref<1x51200xf32, #tpu.memory_space<vmem>>
        %scatter3A_299 = tpu.memref_squeeze %scatter3A_298 : memref<1x51200xf32, #tpu.memory_space<vmem>> -> memref<51200xf32, #tpu.memory_space<vmem>>
        tpu.vector_store_idx %scatter3A_299[%xor3A_209], %gather3A_210 : memref<51200xf32, #tpu.memory_space<vmem>>[vector<16xi32>], vector<16xf32>,
        %gather3A_300 = tpu.vector_load_idx %arg5[%xor3A_292] : memref<4096xf32, #tpu.memory_space<vmem>>[vector<16xi32>], vector<16xf32>,
        %xor3A_301 = arith.constant 16 : i32
        %xor3A_302 = vector.broadcast %xor3A_301 : i32 to vector<16xi32>
        %xor3A_303 = arith.xori %xor3A_292, %xor3A_302 : vector<16xi32>
        %xor3A_304 = arith.constant 16 : i32
        %xor3A_305 = vector.broadcast %xor3A_304 : i32 to vector<16xi32>
        %xor3A_306 = arith.xori %xor3A_295, %xor3A_305 : vector<16xi32>
        %scatter3A_307 = arith.constant 1 : i32
        %scatter3A_308 = arith.constant 0 : i32
        %scatter3A_309 = tpu.memref_slice %arg7[%scatter3A_307, %scatter3A_308] : memref<2x51200xf32, #tpu.memory_space<vmem>> -> memref<1x51200xf32, #tpu.memory_space<vmem>>
        %scatter3A_310 = tpu.memref_squeeze %scatter3A_309 : memref<1x51200xf32, #tpu.memory_space<vmem>> -> memref<51200xf32, #tpu.memory_space<vmem>>
        tpu.vector_store_idx %scatter3A_310[%xor3A_216], %gather3A_217 : memref<51200xf32, #tpu.memory_space<vmem>>[vector<16xi32>], vector<16xf32>,
        %gather3A_311 = tpu.vector_load_idx %arg5[%xor3A_303] : memref<4096xf32, #tpu.memory_space<vmem>>[vector<16xi32>], vector<16xf32>,
        %xor3A_312 = arith.constant 1 : i32
        %xor3A_313 = vector.broadcast %xor3A_312 : i32 to vector<16xi32>
        %xor3A_314 = arith.xori %xor3A_303, %xor3A_313 : vector<16xi32>
        %xor3A_315 = arith.constant 1 : i32
        %xor3A_316 = vector.broadcast %xor3A_315 : i32 to vector<16xi32>
        %xor3A_317 = arith.xori %xor3A_306, %xor3A_316 : vector<16xi32>
        %scatter3A_318 = arith.constant 1 : i32
        %scatter3A_319 = arith.constant 0 : i32
        %scatter3A_320 = tpu.memref_slice %arg7[%scatter3A_318, %scatter3A_319] : memref<2x51200xf32, #tpu.memory_space<vmem>> -> memref<1x51200xf32, #tpu.memory_space<vmem>>
        %scatter3A_321 = tpu.memref_squeeze %scatter3A_320 : memref<1x51200xf32, #tpu.memory_space<vmem>> -> memref<51200xf32, #tpu.memory_space<vmem>>
        tpu.vector_store_idx %scatter3A_321[%xor3A_223], %gather3A_224 : memref<51200xf32, #tpu.memory_space<vmem>>[vector<16xi32>], vector<16xf32>,
        %gather3A_322 = tpu.vector_load_idx %arg5[%xor3A_314] : memref<4096xf32, #tpu.memory_space<vmem>>[vector<16xi32>], vector<16xf32>,
        %xor3A_323 = arith.constant 2 : i32
        %xor3A_324 = vector.broadcast %xor3A_323 : i32 to vector<16xi32>
        %xor3A_325 = arith.xori %xor3A_314, %xor3A_324 : vector<16xi32>
        %xor3A_326 = arith.constant 2 : i32
        %xor3A_327 = vector.broadcast %xor3A_326 : i32 to vector<16xi32>
        %xor3A_328 = arith.xori %xor3A_317, %xor3A_327 : vector<16xi32>
        %scatter3A_329 = arith.constant 1 : i32
        %scatter3A_330 = arith.constant 0 : i32
        %scatter3A_331 = tpu.memref_slice %arg7[%scatter3A_329, %scatter3A_330] : memref<2x51200xf32, #tpu.memory_space<vmem>> -> memref<1x51200xf32, #tpu.memory_space<vmem>>
        %scatter3A_332 = tpu.memref_squeeze %scatter3A_331 : memref<1x51200xf32, #tpu.memory_space<vmem>> -> memref<51200xf32, #tpu.memory_space<vmem>>
        tpu.vector_store_idx %scatter3A_332[%xor3A_230], %gather3A_234 : memref<51200xf32, #tpu.memory_space<vmem>>[vector<16xi32>], vector<16xf32>,
        %gather3A_333 = tpu.vector_load_idx %arg5[%xor3A_325] : memref<4096xf32, #tpu.memory_space<vmem>>[vector<16xi32>], vector<16xf32>,
        %xor3A_334 = arith.constant 1 : i32
        %xor3A_335 = vector.broadcast %xor3A_334 : i32 to vector<16xi32>
        %xor3A_336 = arith.xori %xor3A_325, %xor3A_335 : vector<16xi32>
        %xor3A_337 = arith.constant 1 : i32
        %xor3A_338 = vector.broadcast %xor3A_337 : i32 to vector<16xi32>
        %xor3A_339 = arith.xori %xor3A_328, %xor3A_338 : vector<16xi32>
        %scatter3A_340 = arith.constant 1 : i32
        %scatter3A_341 = arith.constant 0 : i32
        %scatter3A_342 = tpu.memref_slice %arg7[%scatter3A_340, %scatter3A_341] : memref<2x51200xf32, #tpu.memory_space<vmem>> -> memref<1x51200xf32, #tpu.memory_space<vmem>>
        %scatter3A_343 = tpu.memref_squeeze %scatter3A_342 : memref<1x51200xf32, #tpu.memory_space<vmem>> -> memref<51200xf32, #tpu.memory_space<vmem>>
        tpu.vector_store_idx %scatter3A_343[%xor3A_240], %gather3A_245 : memref<51200xf32, #tpu.memory_space<vmem>>[vector<16xi32>], vector<16xf32>,
        %gather3A_344 = tpu.vector_load_idx %arg5[%xor3A_336] : memref<4096xf32, #tpu.memory_space<vmem>>[vector<16xi32>], vector<16xf32>,
        %xor3A_345 = arith.constant 4 : i32
        %xor3A_346 = vector.broadcast %xor3A_345 : i32 to vector<16xi32>
        %xor3A_347 = arith.xori %xor3A_336, %xor3A_346 : vector<16xi32>
        %xor3A_348 = arith.constant 4 : i32
        %xor3A_349 = vector.broadcast %xor3A_348 : i32 to vector<16xi32>
        %xor3A_350 = arith.xori %xor3A_339, %xor3A_349 : vector<16xi32>
        %scatter3A_351 = arith.constant 1 : i32
        %scatter3A_352 = arith.constant 0 : i32
        %scatter3A_353 = tpu.memref_slice %arg7[%scatter3A_351, %scatter3A_352] : memref<2x51200xf32, #tpu.memory_space<vmem>> -> memref<1x51200xf32, #tpu.memory_space<vmem>>
        %scatter3A_354 = tpu.memref_squeeze %scatter3A_353 : memref<1x51200xf32, #tpu.memory_space<vmem>> -> memref<51200xf32, #tpu.memory_space<vmem>>
        tpu.vector_store_idx %scatter3A_354[%xor3A_251], %gather3A_256 : memref<51200xf32, #tpu.memory_space<vmem>>[vector<16xi32>], vector<16xf32>,
        %gather3A_355 = tpu.vector_load_idx %arg5[%xor3A_347] : memref<4096xf32, #tpu.memory_space<vmem>>[vector<16xi32>], vector<16xf32>,
        %xor3A_356 = arith.constant 1 : i32
        %xor3A_357 = vector.broadcast %xor3A_356 : i32 to vector<16xi32>
        %xor3A_358 = arith.xori %xor3A_347, %xor3A_357 : vector<16xi32>
        %xor3A_359 = arith.constant 1 : i32
        %xor3A_360 = vector.broadcast %xor3A_359 : i32 to vector<16xi32>
        %xor3A_361 = arith.xori %xor3A_350, %xor3A_360 : vector<16xi32>
        %scatter3A_362 = arith.constant 1 : i32
        %scatter3A_363 = arith.constant 0 : i32
        %scatter3A_364 = tpu.memref_slice %arg7[%scatter3A_362, %scatter3A_363] : memref<2x51200xf32, #tpu.memory_space<vmem>> -> memref<1x51200xf32, #tpu.memory_space<vmem>>
        %scatter3A_365 = tpu.memref_squeeze %scatter3A_364 : memref<1x51200xf32, #tpu.memory_space<vmem>> -> memref<51200xf32, #tpu.memory_space<vmem>>
        tpu.vector_store_idx %scatter3A_365[%xor3A_262], %gather3A_267 : memref<51200xf32, #tpu.memory_space<vmem>>[vector<16xi32>], vector<16xf32>,
        %gather3A_366 = tpu.vector_load_idx %arg5[%xor3A_358] : memref<4096xf32, #tpu.memory_space<vmem>>[vector<16xi32>], vector<16xf32>,
        %xor3A_367 = arith.constant 2 : i32
        %xor3A_368 = vector.broadcast %xor3A_367 : i32 to vector<16xi32>
        %xor3A_369 = arith.xori %xor3A_358, %xor3A_368 : vector<16xi32>
        %xor3A_370 = arith.constant 2 : i32
        %xor3A_371 = vector.broadcast %xor3A_370 : i32 to vector<16xi32>
        %xor3A_372 = arith.xori %xor3A_361, %xor3A_371 : vector<16xi32>
        %scatter3A_373 = arith.constant 1 : i32
        %scatter3A_374 = arith.constant 0 : i32
        %scatter3A_375 = tpu.memref_slice %arg7[%scatter3A_373, %scatter3A_374] : memref<2x51200xf32, #tpu.memory_space<vmem>> -> memref<1x51200xf32, #tpu.memory_space<vmem>>
        %scatter3A_376 = tpu.memref_squeeze %scatter3A_375 : memref<1x51200xf32, #tpu.memory_space<vmem>> -> memref<51200xf32, #tpu.memory_space<vmem>>
        tpu.vector_store_idx %scatter3A_376[%xor3A_273], %gather3A_278 : memref<51200xf32, #tpu.memory_space<vmem>>[vector<16xi32>], vector<16xf32>,
        %gather3A_377 = tpu.vector_load_idx %arg5[%xor3A_369] : memref<4096xf32, #tpu.memory_space<vmem>>[vector<16xi32>], vector<16xf32>,
        %xor3A_378 = arith.constant 1 : i32
        %xor3A_379 = vector.broadcast %xor3A_378 : i32 to vector<16xi32>
        %xor3A_380 = arith.xori %xor3A_369, %xor3A_379 : vector<16xi32>
        %xor3A_381 = arith.constant 1 : i32
        %xor3A_382 = vector.broadcast %xor3A_381 : i32 to vector<16xi32>
        %xor3A_383 = arith.xori %xor3A_372, %xor3A_382 : vector<16xi32>
        %scatter3A_384 = arith.constant 1 : i32
        %scatter3A_385 = arith.constant 0 : i32
        %scatter3A_386 = tpu.memref_slice %arg7[%scatter3A_384, %scatter3A_385] : memref<2x51200xf32, #tpu.memory_space<vmem>> -> memref<1x51200xf32, #tpu.memory_space<vmem>>
        %scatter3A_387 = tpu.memref_squeeze %scatter3A_386 : memref<1x51200xf32, #tpu.memory_space<vmem>> -> memref<51200xf32, #tpu.memory_space<vmem>>
        tpu.vector_store_idx %scatter3A_387[%xor3A_284], %gather3A_289 : memref<51200xf32, #tpu.memory_space<vmem>>[vector<16xi32>], vector<16xf32>,
        %gather3A_388 = tpu.vector_load_idx %arg5[%xor3A_380] : memref<4096xf32, #tpu.memory_space<vmem>>[vector<16xi32>], vector<16xf32>,
        %xor3A_389 = arith.constant 8 : i32
        %xor3A_390 = vector.broadcast %xor3A_389 : i32 to vector<16xi32>
        %xor3A_391 = arith.xori %xor3A_380, %xor3A_390 : vector<16xi32>
        %xor3A_392 = arith.constant 8 : i32
        %xor3A_393 = vector.broadcast %xor3A_392 : i32 to vector<16xi32>
        %xor3A_394 = arith.xori %xor3A_383, %xor3A_393 : vector<16xi32>
        %scatter3A_395 = arith.constant 1 : i32
        %scatter3A_396 = arith.constant 0 : i32
        %scatter3A_397 = tpu.memref_slice %arg7[%scatter3A_395, %scatter3A_396] : memref<2x51200xf32, #tpu.memory_space<vmem>> -> memref<1x51200xf32, #tpu.memory_space<vmem>>
        %scatter3A_398 = tpu.memref_squeeze %scatter3A_397 : memref<1x51200xf32, #tpu.memory_space<vmem>> -> memref<51200xf32, #tpu.memory_space<vmem>>
        tpu.vector_store_idx %scatter3A_398[%xor3A_295], %gather3A_300 : memref<51200xf32, #tpu.memory_space<vmem>>[vector<16xi32>], vector<16xf32>,
        %gather3A_399 = tpu.vector_load_idx %arg5[%xor3A_391] : memref<4096xf32, #tpu.memory_space<vmem>>[vector<16xi32>], vector<16xf32>,
        %xor3A_400 = arith.constant 1 : i32
        %xor3A_401 = vector.broadcast %xor3A_400 : i32 to vector<16xi32>
        %xor3A_402 = arith.xori %xor3A_391, %xor3A_401 : vector<16xi32>
        %xor3A_403 = arith.constant 1 : i32
        %xor3A_404 = vector.broadcast %xor3A_403 : i32 to vector<16xi32>
        %xor3A_405 = arith.xori %xor3A_394, %xor3A_404 : vector<16xi32>
        %scatter3A_406 = arith.constant 1 : i32
        %scatter3A_407 = arith.constant 0 : i32
        %scatter3A_408 = tpu.memref_slice %arg7[%scatter3A_406, %scatter3A_407] : memref<2x51200xf32, #tpu.memory_space<vmem>> -> memref<1x51200xf32, #tpu.memory_space<vmem>>
        %scatter3A_409 = tpu.memref_squeeze %scatter3A_408 : memref<1x51200xf32, #tpu.memory_space<vmem>> -> memref<51200xf32, #tpu.memory_space<vmem>>
        tpu.vector_store_idx %scatter3A_409[%xor3A_306], %gather3A_311 : memref<51200xf32, #tpu.memory_space<vmem>>[vector<16xi32>], vector<16xf32>,
        %gather3A_410 = tpu.vector_load_idx %arg5[%xor3A_402] : memref<4096xf32, #tpu.memory_space<vmem>>[vector<16xi32>], vector<16xf32>,
        %xor3A_411 = arith.constant 2 : i32
        %xor3A_412 = vector.broadcast %xor3A_411 : i32 to vector<16xi32>
        %xor3A_413 = arith.xori %xor3A_402, %xor3A_412 : vector<16xi32>
        %xor3A_414 = arith.constant 2 : i32
        %xor3A_415 = vector.broadcast %xor3A_414 : i32 to vector<16xi32>
        %xor3A_416 = arith.xori %xor3A_405, %xor3A_415 : vector<16xi32>
        %scatter3A_417 = arith.constant 1 : i32
        %scatter3A_418 = arith.constant 0 : i32
        %scatter3A_419 = tpu.memref_slice %arg7[%scatter3A_417, %scatter3A_418] : memref<2x51200xf32, #tpu.memory_space<vmem>> -> memref<1x51200xf32, #tpu.memory_space<vmem>>
        %scatter3A_420 = tpu.memref_squeeze %scatter3A_419 : memref<1x51200xf32, #tpu.memory_space<vmem>> -> memref<51200xf32, #tpu.memory_space<vmem>>
        tpu.vector_store_idx %scatter3A_420[%xor3A_317], %gather3A_322 : memref<51200xf32, #tpu.memory_space<vmem>>[vector<16xi32>], vector<16xf32>,
        %gather3A_421 = tpu.vector_load_idx %arg5[%xor3A_413] : memref<4096xf32, #tpu.memory_space<vmem>>[vector<16xi32>], vector<16xf32>,
        %xor3A_422 = arith.constant 1 : i32
        %xor3A_423 = vector.broadcast %xor3A_422 : i32 to vector<16xi32>
        %xor3A_424 = arith.xori %xor3A_413, %xor3A_423 : vector<16xi32>
        %xor3A_425 = arith.constant 1 : i32
        %xor3A_426 = vector.broadcast %xor3A_425 : i32 to vector<16xi32>
        %xor3A_427 = arith.xori %xor3A_416, %xor3A_426 : vector<16xi32>
        %scatter3A_428 = arith.constant 1 : i32
        %scatter3A_429 = arith.constant 0 : i32
        %scatter3A_430 = tpu.memref_slice %arg7[%scatter3A_428, %scatter3A_429] : memref<2x51200xf32, #tpu.memory_space<vmem>> -> memref<1x51200xf32, #tpu.memory_space<vmem>>
        %scatter3A_431 = tpu.memref_squeeze %scatter3A_430 : memref<1x51200xf32, #tpu.memory_space<vmem>> -> memref<51200xf32, #tpu.memory_space<vmem>>
        tpu.vector_store_idx %scatter3A_431[%xor3A_328], %gather3A_333 : memref<51200xf32, #tpu.memory_space<vmem>>[vector<16xi32>], vector<16xf32>,
        %gather3A_432 = tpu.vector_load_idx %arg5[%xor3A_424] : memref<4096xf32, #tpu.memory_space<vmem>>[vector<16xi32>], vector<16xf32>,
        %xor3A_433 = arith.constant 4 : i32
        %xor3A_434 = vector.broadcast %xor3A_433 : i32 to vector<16xi32>
        %xor3A_435 = arith.xori %xor3A_424, %xor3A_434 : vector<16xi32>
        %xor3A_436 = arith.constant 4 : i32
        %xor3A_437 = vector.broadcast %xor3A_436 : i32 to vector<16xi32>
        %xor3A_438 = arith.xori %xor3A_427, %xor3A_437 : vector<16xi32>
        %scatter3A_439 = arith.constant 1 : i32
        %scatter3A_440 = arith.constant 0 : i32
        %scatter3A_441 = tpu.memref_slice %arg7[%scatter3A_439, %scatter3A_440] : memref<2x51200xf32, #tpu.memory_space<vmem>> -> memref<1x51200xf32, #tpu.memory_space<vmem>>
        %scatter3A_442 = tpu.memref_squeeze %scatter3A_441 : memref<1x51200xf32, #tpu.memory_space<vmem>> -> memref<51200xf32, #tpu.memory_space<vmem>>
        tpu.vector_store_idx %scatter3A_442[%xor3A_339], %gather3A_344 : memref<51200xf32, #tpu.memory_space<vmem>>[vector<16xi32>], vector<16xf32>,
        %gather3A_443 = tpu.vector_load_idx %arg5[%xor3A_435] : memref<4096xf32, #tpu.memory_space<vmem>>[vector<16xi32>], vector<16xf32>,
        %xor3A_444 = arith.constant 1 : i32
        %xor3A_445 = vector.broadcast %xor3A_444 : i32 to vector<16xi32>
        %xor3A_446 = arith.xori %xor3A_435, %xor3A_445 : vector<16xi32>
        %xor3A_447 = arith.constant 1 : i32
        %xor3A_448 = vector.broadcast %xor3A_447 : i32 to vector<16xi32>
        %xor3A_449 = arith.xori %xor3A_438, %xor3A_448 : vector<16xi32>
        %scatter3A_450 = arith.constant 1 : i32
        %scatter3A_451 = arith.constant 0 : i32
        %scatter3A_452 = tpu.memref_slice %arg7[%scatter3A_450, %scatter3A_451] : memref<2x51200xf32, #tpu.memory_space<vmem>> -> memref<1x51200xf32, #tpu.memory_space<vmem>>
        %scatter3A_453 = tpu.memref_squeeze %scatter3A_452 : memref<1x51200xf32, #tpu.memory_space<vmem>> -> memref<51200xf32, #tpu.memory_space<vmem>>
        tpu.vector_store_idx %scatter3A_453[%xor3A_350], %gather3A_355 : memref<51200xf32, #tpu.memory_space<vmem>>[vector<16xi32>], vector<16xf32>,
        %gather3A_454 = tpu.vector_load_idx %arg5[%xor3A_446] : memref<4096xf32, #tpu.memory_space<vmem>>[vector<16xi32>], vector<16xf32>,
        %xor3A_455 = arith.constant 2 : i32
        %xor3A_456 = vector.broadcast %xor3A_455 : i32 to vector<16xi32>
        %xor3A_457 = arith.xori %xor3A_446, %xor3A_456 : vector<16xi32>
        %xor3A_458 = arith.constant 2 : i32
        %xor3A_459 = vector.broadcast %xor3A_458 : i32 to vector<16xi32>
        %xor3A_460 = arith.xori %xor3A_449, %xor3A_459 : vector<16xi32>
        %scatter3A_461 = arith.constant 1 : i32
        %scatter3A_462 = arith.constant 0 : i32
        %scatter3A_463 = tpu.memref_slice %arg7[%scatter3A_461, %scatter3A_462] : memref<2x51200xf32, #tpu.memory_space<vmem>> -> memref<1x51200xf32, #tpu.memory_space<vmem>>
        %scatter3A_464 = tpu.memref_squeeze %scatter3A_463 : memref<1x51200xf32, #tpu.memory_space<vmem>> -> memref<51200xf32, #tpu.memory_space<vmem>>
        tpu.vector_store_idx %scatter3A_464[%xor3A_361], %gather3A_366 : memref<51200xf32, #tpu.memory_space<vmem>>[vector<16xi32>], vector<16xf32>,
        %gather3A_465 = tpu.vector_load_idx %arg5[%xor3A_457] : memref<4096xf32, #tpu.memory_space<vmem>>[vector<16xi32>], vector<16xf32>,
        %xor3A_466 = arith.constant 1 : i32
        %xor3A_467 = vector.broadcast %xor3A_466 : i32 to vector<16xi32>
        %xor3A_468 = arith.xori %xor3A_457, %xor3A_467 : vector<16xi32>
        %xor3A_469 = arith.constant 1 : i32
        %xor3A_470 = vector.broadcast %xor3A_469 : i32 to vector<16xi32>
        %xor3A_471 = arith.xori %xor3A_460, %xor3A_470 : vector<16xi32>
        %scatter3A_472 = arith.constant 1 : i32
        %scatter3A_473 = arith.constant 0 : i32
        %scatter3A_474 = tpu.memref_slice %arg7[%scatter3A_472, %scatter3A_473] : memref<2x51200xf32, #tpu.memory_space<vmem>> -> memref<1x51200xf32, #tpu.memory_space<vmem>>
        %scatter3A_475 = tpu.memref_squeeze %scatter3A_474 : memref<1x51200xf32, #tpu.memory_space<vmem>> -> memref<51200xf32, #tpu.memory_space<vmem>>
        tpu.vector_store_idx %scatter3A_475[%xor3A_372], %gather3A_377 : memref<51200xf32, #tpu.memory_space<vmem>>[vector<16xi32>], vector<16xf32>,
        %gather3A_476 = tpu.vector_load_idx %arg5[%xor3A_468] : memref<4096xf32, #tpu.memory_space<vmem>>[vector<16xi32>], vector<16xf32>,
        %xor3A_477 = arith.constant 32 : i32
        %xor3A_478 = vector.broadcast %xor3A_477 : i32 to vector<16xi32>
        %xor3A_479 = arith.xori %xor3A_468, %xor3A_478 : vector<16xi32>
        %xor3A_480 = arith.constant 32 : i32
        %xor3A_481 = vector.broadcast %xor3A_480 : i32 to vector<16xi32>
        %xor3A_482 = arith.xori %xor3A_471, %xor3A_481 : vector<16xi32>
        %scatter3A_483 = arith.constant 1 : i32
        %scatter3A_484 = arith.constant 0 : i32
        %scatter3A_485 = tpu.memref_slice %arg7[%scatter3A_483, %scatter3A_484] : memref<2x51200xf32, #tpu.memory_space<vmem>> -> memref<1x51200xf32, #tpu.memory_space<vmem>>
        %scatter3A_486 = tpu.memref_squeeze %scatter3A_485 : memref<1x51200xf32, #tpu.memory_space<vmem>> -> memref<51200xf32, #tpu.memory_space<vmem>>
        tpu.vector_store_idx %scatter3A_486[%xor3A_383], %gather3A_388 : memref<51200xf32, #tpu.memory_space<vmem>>[vector<16xi32>], vector<16xf32>,
        %gather3A_487 = tpu.vector_load_idx %arg5[%xor3A_479] : memref<4096xf32, #tpu.memory_space<vmem>>[vector<16xi32>], vector<16xf32>,
        %xor3A_488 = arith.constant 1 : i32
        %xor3A_489 = vector.broadcast %xor3A_488 : i32 to vector<16xi32>
        %xor3A_490 = arith.xori %xor3A_479, %xor3A_489 : vector<16xi32>
        %xor3A_491 = arith.constant 1 : i32
        %xor3A_492 = vector.broadcast %xor3A_491 : i32 to vector<16xi32>
        %xor3A_493 = arith.xori %xor3A_482, %xor3A_492 : vector<16xi32>
        %scatter3A_494 = arith.constant 1 : i32
        %scatter3A_495 = arith.constant 0 : i32
        %scatter3A_496 = tpu.memref_slice %arg7[%scatter3A_494, %scatter3A_495] : memref<2x51200xf32, #tpu.memory_space<vmem>> -> memref<1x51200xf32, #tpu.memory_space<vmem>>
        %scatter3A_497 = tpu.memref_squeeze %scatter3A_496 : memref<1x51200xf32, #tpu.memory_space<vmem>> -> memref<51200xf32, #tpu.memory_space<vmem>>
        tpu.vector_store_idx %scatter3A_497[%xor3A_394], %gather3A_399 : memref<51200xf32, #tpu.memory_space<vmem>>[vector<16xi32>], vector<16xf32>,
        %gather3A_498 = tpu.vector_load_idx %arg5[%xor3A_490] : memref<4096xf32, #tpu.memory_space<vmem>>[vector<16xi32>], vector<16xf32>,
        %xor3A_499 = arith.constant 2 : i32
        %xor3A_500 = vector.broadcast %xor3A_499 : i32 to vector<16xi32>
        %xor3A_501 = arith.xori %xor3A_490, %xor3A_500 : vector<16xi32>
        %xor3A_502 = arith.constant 2 : i32
        %xor3A_503 = vector.broadcast %xor3A_502 : i32 to vector<16xi32>
        %xor3A_504 = arith.xori %xor3A_493, %xor3A_503 : vector<16xi32>
        %scatter3A_505 = arith.constant 1 : i32
        %scatter3A_506 = arith.constant 0 : i32
        %scatter3A_507 = tpu.memref_slice %arg7[%scatter3A_505, %scatter3A_506] : memref<2x51200xf32, #tpu.memory_space<vmem>> -> memref<1x51200xf32, #tpu.memory_space<vmem>>
        %scatter3A_508 = tpu.memref_squeeze %scatter3A_507 : memref<1x51200xf32, #tpu.memory_space<vmem>> -> memref<51200xf32, #tpu.memory_space<vmem>>
        tpu.vector_store_idx %scatter3A_508[%xor3A_405], %gather3A_410 : memref<51200xf32, #tpu.memory_space<vmem>>[vector<16xi32>], vector<16xf32>,
        %gather3A_509 = tpu.vector_load_idx %arg5[%xor3A_501] : memref<4096xf32, #tpu.memory_space<vmem>>[vector<16xi32>], vector<16xf32>,
        %xor3A_510 = arith.constant 1 : i32
        %xor3A_511 = vector.broadcast %xor3A_510 : i32 to vector<16xi32>
        %xor3A_512 = arith.xori %xor3A_501, %xor3A_511 : vector<16xi32>
        %xor3A_513 = arith.constant 1 : i32
        %xor3A_514 = vector.broadcast %xor3A_513 : i32 to vector<16xi32>
        %xor3A_515 = arith.xori %xor3A_504, %xor3A_514 : vector<16xi32>
        %scatter3A_516 = arith.constant 1 : i32
        %scatter3A_517 = arith.constant 0 : i32
        %scatter3A_518 = tpu.memref_slice %arg7[%scatter3A_516, %scatter3A_517] : memref<2x51200xf32, #tpu.memory_space<vmem>> -> memref<1x51200xf32, #tpu.memory_space<vmem>>
        %scatter3A_519 = tpu.memref_squeeze %scatter3A_518 : memref<1x51200xf32, #tpu.memory_space<vmem>> -> memref<51200xf32, #tpu.memory_space<vmem>>
        tpu.vector_store_idx %scatter3A_519[%xor3A_416], %gather3A_421 : memref<51200xf32, #tpu.memory_space<vmem>>[vector<16xi32>], vector<16xf32>,
        %gather3A_520 = tpu.vector_load_idx %arg5[%xor3A_512] : memref<4096xf32, #tpu.memory_space<vmem>>[vector<16xi32>], vector<16xf32>,
        %xor3A_521 = arith.constant 4 : i32
        %xor3A_522 = vector.broadcast %xor3A_521 : i32 to vector<16xi32>
        %xor3A_523 = arith.xori %xor3A_512, %xor3A_522 : vector<16xi32>
        %xor3A_524 = arith.constant 4 : i32
        %xor3A_525 = vector.broadcast %xor3A_524 : i32 to vector<16xi32>
        %xor3A_526 = arith.xori %xor3A_515, %xor3A_525 : vector<16xi32>
        %scatter3A_527 = arith.constant 1 : i32
        %scatter3A_528 = arith.constant 0 : i32
        %scatter3A_529 = tpu.memref_slice %arg7[%scatter3A_527, %scatter3A_528] : memref<2x51200xf32, #tpu.memory_space<vmem>> -> memref<1x51200xf32, #tpu.memory_space<vmem>>
        %scatter3A_530 = tpu.memref_squeeze %scatter3A_529 : memref<1x51200xf32, #tpu.memory_space<vmem>> -> memref<51200xf32, #tpu.memory_space<vmem>>
        tpu.vector_store_idx %scatter3A_530[%xor3A_427], %gather3A_432 : memref<51200xf32, #tpu.memory_space<vmem>>[vector<16xi32>], vector<16xf32>,
        %gather3A_531 = tpu.vector_load_idx %arg5[%xor3A_523] : memref<4096xf32, #tpu.memory_space<vmem>>[vector<16xi32>], vector<16xf32>,
        %xor3A_532 = arith.constant 1 : i32
        %xor3A_533 = vector.broadcast %xor3A_532 : i32 to vector<16xi32>
        %xor3A_534 = arith.xori %xor3A_523, %xor3A_533 : vector<16xi32>
        %xor3A_535 = arith.constant 1 : i32
        %xor3A_536 = vector.broadcast %xor3A_535 : i32 to vector<16xi32>
        %xor3A_537 = arith.xori %xor3A_526, %xor3A_536 : vector<16xi32>
        %scatter3A_538 = arith.constant 1 : i32
        %scatter3A_539 = arith.constant 0 : i32
        %scatter3A_540 = tpu.memref_slice %arg7[%scatter3A_538, %scatter3A_539] : memref<2x51200xf32, #tpu.memory_space<vmem>> -> memref<1x51200xf32, #tpu.memory_space<vmem>>
        %scatter3A_541 = tpu.memref_squeeze %scatter3A_540 : memref<1x51200xf32, #tpu.memory_space<vmem>> -> memref<51200xf32, #tpu.memory_space<vmem>>
        tpu.vector_store_idx %scatter3A_541[%xor3A_438], %gather3A_443 : memref<51200xf32, #tpu.memory_space<vmem>>[vector<16xi32>], vector<16xf32>,
        %gather3A_542 = tpu.vector_load_idx %arg5[%xor3A_534] : memref<4096xf32, #tpu.memory_space<vmem>>[vector<16xi32>], vector<16xf32>,
        %xor3A_543 = arith.constant 2 : i32
        %xor3A_544 = vector.broadcast %xor3A_543 : i32 to vector<16xi32>
        %xor3A_545 = arith.xori %xor3A_534, %xor3A_544 : vector<16xi32>
        %xor3A_546 = arith.constant 2 : i32
        %xor3A_547 = vector.broadcast %xor3A_546 : i32 to vector<16xi32>
        %xor3A_548 = arith.xori %xor3A_537, %xor3A_547 : vector<16xi32>
        %scatter3A_549 = arith.constant 1 : i32
        %scatter3A_550 = arith.constant 0 : i32
        %scatter3A_551 = tpu.memref_slice %arg7[%scatter3A_549, %scatter3A_550] : memref<2x51200xf32, #tpu.memory_space<vmem>> -> memref<1x51200xf32, #tpu.memory_space<vmem>>
        %scatter3A_552 = tpu.memref_squeeze %scatter3A_551 : memref<1x51200xf32, #tpu.memory_space<vmem>> -> memref<51200xf32, #tpu.memory_space<vmem>>
        tpu.vector_store_idx %scatter3A_552[%xor3A_449], %gather3A_454 : memref<51200xf32, #tpu.memory_space<vmem>>[vector<16xi32>], vector<16xf32>,
        %gather3A_553 = tpu.vector_load_idx %arg5[%xor3A_545] : memref<4096xf32, #tpu.memory_space<vmem>>[vector<16xi32>], vector<16xf32>,
        %xor3A_554 = arith.constant 1 : i32
        %xor3A_555 = vector.broadcast %xor3A_554 : i32 to vector<16xi32>
        %xor3A_556 = arith.xori %xor3A_545, %xor3A_555 : vector<16xi32>
        %xor3A_557 = arith.constant 1 : i32
        %xor3A_558 = vector.broadcast %xor3A_557 : i32 to vector<16xi32>
        %xor3A_559 = arith.xori %xor3A_548, %xor3A_558 : vector<16xi32>
        %scatter3A_560 = arith.constant 1 : i32
        %scatter3A_561 = arith.constant 0 : i32
        %scatter3A_562 = tpu.memref_slice %arg7[%scatter3A_560, %scatter3A_561] : memref<2x51200xf32, #tpu.memory_space<vmem>> -> memref<1x51200xf32, #tpu.memory_space<vmem>>
        %scatter3A_563 = tpu.memref_squeeze %scatter3A_562 : memref<1x51200xf32, #tpu.memory_space<vmem>> -> memref<51200xf32, #tpu.memory_space<vmem>>
        tpu.vector_store_idx %scatter3A_563[%xor3A_460], %gather3A_465 : memref<51200xf32, #tpu.memory_space<vmem>>[vector<16xi32>], vector<16xf32>,
        %gather3A_564 = tpu.vector_load_idx %arg5[%xor3A_556] : memref<4096xf32, #tpu.memory_space<vmem>>[vector<16xi32>], vector<16xf32>,
        %xor3A_565 = arith.constant 8 : i32
        %xor3A_566 = vector.broadcast %xor3A_565 : i32 to vector<16xi32>
        %xor3A_567 = arith.xori %xor3A_556, %xor3A_566 : vector<16xi32>
        %xor3A_568 = arith.constant 8 : i32
        %xor3A_569 = vector.broadcast %xor3A_568 : i32 to vector<16xi32>
        %xor3A_570 = arith.xori %xor3A_559, %xor3A_569 : vector<16xi32>
        %scatter3A_571 = arith.constant 1 : i32
        %scatter3A_572 = arith.constant 0 : i32
        %scatter3A_573 = tpu.memref_slice %arg7[%scatter3A_571, %scatter3A_572] : memref<2x51200xf32, #tpu.memory_space<vmem>> -> memref<1x51200xf32, #tpu.memory_space<vmem>>
        %scatter3A_574 = tpu.memref_squeeze %scatter3A_573 : memref<1x51200xf32, #tpu.memory_space<vmem>> -> memref<51200xf32, #tpu.memory_space<vmem>>
        tpu.vector_store_idx %scatter3A_574[%xor3A_471], %gather3A_476 : memref<51200xf32, #tpu.memory_space<vmem>>[vector<16xi32>], vector<16xf32>,
        %gather3A_575 = tpu.vector_load_idx %arg5[%xor3A_567] : memref<4096xf32, #tpu.memory_space<vmem>>[vector<16xi32>], vector<16xf32>,
        %xor3A_576 = arith.constant 1 : i32
        %xor3A_577 = vector.broadcast %xor3A_576 : i32 to vector<16xi32>
        %xor3A_578 = arith.xori %xor3A_567, %xor3A_577 : vector<16xi32>
        %xor3A_579 = arith.constant 1 : i32
        %xor3A_580 = vector.broadcast %xor3A_579 : i32 to vector<16xi32>
        %xor3A_581 = arith.xori %xor3A_570, %xor3A_580 : vector<16xi32>
        %scatter3A_582 = arith.constant 1 : i32
        %scatter3A_583 = arith.constant 0 : i32
        %scatter3A_584 = tpu.memref_slice %arg7[%scatter3A_582, %scatter3A_583] : memref<2x51200xf32, #tpu.memory_space<vmem>> -> memref<1x51200xf32, #tpu.memory_space<vmem>>
        %scatter3A_585 = tpu.memref_squeeze %scatter3A_584 : memref<1x51200xf32, #tpu.memory_space<vmem>> -> memref<51200xf32, #tpu.memory_space<vmem>>
        tpu.vector_store_idx %scatter3A_585[%xor3A_482], %gather3A_487 : memref<51200xf32, #tpu.memory_space<vmem>>[vector<16xi32>], vector<16xf32>,
        %gather3A_586 = tpu.vector_load_idx %arg5[%xor3A_578] : memref<4096xf32, #tpu.memory_space<vmem>>[vector<16xi32>], vector<16xf32>,
        %xor3A_587 = arith.constant 2 : i32
        %xor3A_588 = vector.broadcast %xor3A_587 : i32 to vector<16xi32>
        %xor3A_589 = arith.xori %xor3A_578, %xor3A_588 : vector<16xi32>
        %xor3A_590 = arith.constant 2 : i32
        %xor3A_591 = vector.broadcast %xor3A_590 : i32 to vector<16xi32>
        %xor3A_592 = arith.xori %xor3A_581, %xor3A_591 : vector<16xi32>
        %scatter3A_593 = arith.constant 1 : i32
        %scatter3A_594 = arith.constant 0 : i32
        %scatter3A_595 = tpu.memref_slice %arg7[%scatter3A_593, %scatter3A_594] : memref<2x51200xf32, #tpu.memory_space<vmem>> -> memref<1x51200xf32, #tpu.memory_space<vmem>>
        %scatter3A_596 = tpu.memref_squeeze %scatter3A_595 : memref<1x51200xf32, #tpu.memory_space<vmem>> -> memref<51200xf32, #tpu.memory_space<vmem>>
        tpu.vector_store_idx %scatter3A_596[%xor3A_493], %gather3A_498 : memref<51200xf32, #tpu.memory_space<vmem>>[vector<16xi32>], vector<16xf32>,
        %gather3A_597 = tpu.vector_load_idx %arg5[%xor3A_589] : memref<4096xf32, #tpu.memory_space<vmem>>[vector<16xi32>], vector<16xf32>,
        %xor3A_598 = arith.constant 1 : i32
        %xor3A_599 = vector.broadcast %xor3A_598 : i32 to vector<16xi32>
        %xor3A_600 = arith.xori %xor3A_589, %xor3A_599 : vector<16xi32>
        %xor3A_601 = arith.constant 1 : i32
        %xor3A_602 = vector.broadcast %xor3A_601 : i32 to vector<16xi32>
        %xor3A_603 = arith.xori %xor3A_592, %xor3A_602 : vector<16xi32>
        %scatter3A_604 = arith.constant 1 : i32
        %scatter3A_605 = arith.constant 0 : i32
        %scatter3A_606 = tpu.memref_slice %arg7[%scatter3A_604, %scatter3A_605] : memref<2x51200xf32, #tpu.memory_space<vmem>> -> memref<1x51200xf32, #tpu.memory_space<vmem>>
        %scatter3A_607 = tpu.memref_squeeze %scatter3A_606 : memref<1x51200xf32, #tpu.memory_space<vmem>> -> memref<51200xf32, #tpu.memory_space<vmem>>
        tpu.vector_store_idx %scatter3A_607[%xor3A_504], %gather3A_509 : memref<51200xf32, #tpu.memory_space<vmem>>[vector<16xi32>], vector<16xf32>,
        %gather3A_608 = tpu.vector_load_idx %arg5[%xor3A_600] : memref<4096xf32, #tpu.memory_space<vmem>>[vector<16xi32>], vector<16xf32>,
        %xor3A_609 = arith.constant 4 : i32
        %xor3A_610 = vector.broadcast %xor3A_609 : i32 to vector<16xi32>
        %xor3A_611 = arith.xori %xor3A_600, %xor3A_610 : vector<16xi32>
        %xor3A_612 = arith.constant 4 : i32
        %xor3A_613 = vector.broadcast %xor3A_612 : i32 to vector<16xi32>
        %xor3A_614 = arith.xori %xor3A_603, %xor3A_613 : vector<16xi32>
        %scatter3A_615 = arith.constant 1 : i32
        %scatter3A_616 = arith.constant 0 : i32
        %scatter3A_617 = tpu.memref_slice %arg7[%scatter3A_615, %scatter3A_616] : memref<2x51200xf32, #tpu.memory_space<vmem>> -> memref<1x51200xf32, #tpu.memory_space<vmem>>
        %scatter3A_618 = tpu.memref_squeeze %scatter3A_617 : memref<1x51200xf32, #tpu.memory_space<vmem>> -> memref<51200xf32, #tpu.memory_space<vmem>>
        tpu.vector_store_idx %scatter3A_618[%xor3A_515], %gather3A_520 : memref<51200xf32, #tpu.memory_space<vmem>>[vector<16xi32>], vector<16xf32>,
        %gather3A_619 = tpu.vector_load_idx %arg5[%xor3A_611] : memref<4096xf32, #tpu.memory_space<vmem>>[vector<16xi32>], vector<16xf32>,
        %xor3A_620 = arith.constant 1 : i32
        %xor3A_621 = vector.broadcast %xor3A_620 : i32 to vector<16xi32>
        %xor3A_622 = arith.xori %xor3A_611, %xor3A_621 : vector<16xi32>
        %xor3A_623 = arith.constant 1 : i32
        %xor3A_624 = vector.broadcast %xor3A_623 : i32 to vector<16xi32>
        %xor3A_625 = arith.xori %xor3A_614, %xor3A_624 : vector<16xi32>
        %scatter3A_626 = arith.constant 1 : i32
        %scatter3A_627 = arith.constant 0 : i32
        %scatter3A_628 = tpu.memref_slice %arg7[%scatter3A_626, %scatter3A_627] : memref<2x51200xf32, #tpu.memory_space<vmem>> -> memref<1x51200xf32, #tpu.memory_space<vmem>>
        %scatter3A_629 = tpu.memref_squeeze %scatter3A_628 : memref<1x51200xf32, #tpu.memory_space<vmem>> -> memref<51200xf32, #tpu.memory_space<vmem>>
        tpu.vector_store_idx %scatter3A_629[%xor3A_526], %gather3A_531 : memref<51200xf32, #tpu.memory_space<vmem>>[vector<16xi32>], vector<16xf32>,
        %gather3A_630 = tpu.vector_load_idx %arg5[%xor3A_622] : memref<4096xf32, #tpu.memory_space<vmem>>[vector<16xi32>], vector<16xf32>,
        %xor3A_631 = arith.constant 2 : i32
        %xor3A_632 = vector.broadcast %xor3A_631 : i32 to vector<16xi32>
        %xor3A_633 = arith.xori %xor3A_622, %xor3A_632 : vector<16xi32>
        %xor3A_634 = arith.constant 2 : i32
        %xor3A_635 = vector.broadcast %xor3A_634 : i32 to vector<16xi32>
        %xor3A_636 = arith.xori %xor3A_625, %xor3A_635 : vector<16xi32>
        %scatter3A_637 = arith.constant 1 : i32
        %scatter3A_638 = arith.constant 0 : i32
        %scatter3A_639 = tpu.memref_slice %arg7[%scatter3A_637, %scatter3A_638] : memref<2x51200xf32, #tpu.memory_space<vmem>> -> memref<1x51200xf32, #tpu.memory_space<vmem>>
        %scatter3A_640 = tpu.memref_squeeze %scatter3A_639 : memref<1x51200xf32, #tpu.memory_space<vmem>> -> memref<51200xf32, #tpu.memory_space<vmem>>
        tpu.vector_store_idx %scatter3A_640[%xor3A_537], %gather3A_542 : memref<51200xf32, #tpu.memory_space<vmem>>[vector<16xi32>], vector<16xf32>,
        %gather3A_641 = tpu.vector_load_idx %arg5[%xor3A_633] : memref<4096xf32, #tpu.memory_space<vmem>>[vector<16xi32>], vector<16xf32>,
        %xor3A_642 = arith.constant 1 : i32
        %xor3A_643 = vector.broadcast %xor3A_642 : i32 to vector<16xi32>
        %xor3A_644 = arith.xori %xor3A_633, %xor3A_643 : vector<16xi32>
        %xor3A_645 = arith.constant 1 : i32
        %xor3A_646 = vector.broadcast %xor3A_645 : i32 to vector<16xi32>
        %xor3A_647 = arith.xori %xor3A_636, %xor3A_646 : vector<16xi32>
        %scatter3A_648 = arith.constant 1 : i32
        %scatter3A_649 = arith.constant 0 : i32
        %scatter3A_650 = tpu.memref_slice %arg7[%scatter3A_648, %scatter3A_649] : memref<2x51200xf32, #tpu.memory_space<vmem>> -> memref<1x51200xf32, #tpu.memory_space<vmem>>
        %scatter3A_651 = tpu.memref_squeeze %scatter3A_650 : memref<1x51200xf32, #tpu.memory_space<vmem>> -> memref<51200xf32, #tpu.memory_space<vmem>>
        tpu.vector_store_idx %scatter3A_651[%xor3A_548], %gather3A_553 : memref<51200xf32, #tpu.memory_space<vmem>>[vector<16xi32>], vector<16xf32>,
        %gather3A_652 = tpu.vector_load_idx %arg5[%xor3A_644] : memref<4096xf32, #tpu.memory_space<vmem>>[vector<16xi32>], vector<16xf32>,
        %xor3A_653 = arith.constant 16 : i32
        %xor3A_654 = vector.broadcast %xor3A_653 : i32 to vector<16xi32>
        %xor3A_655 = arith.xori %xor3A_644, %xor3A_654 : vector<16xi32>
        %xor3A_656 = arith.constant 16 : i32
        %xor3A_657 = vector.broadcast %xor3A_656 : i32 to vector<16xi32>
        %xor3A_658 = arith.xori %xor3A_647, %xor3A_657 : vector<16xi32>
        %scatter3A_659 = arith.constant 1 : i32
        %scatter3A_660 = arith.constant 0 : i32
        %scatter3A_661 = tpu.memref_slice %arg7[%scatter3A_659, %scatter3A_660] : memref<2x51200xf32, #tpu.memory_space<vmem>> -> memref<1x51200xf32, #tpu.memory_space<vmem>>
        %scatter3A_662 = tpu.memref_squeeze %scatter3A_661 : memref<1x51200xf32, #tpu.memory_space<vmem>> -> memref<51200xf32, #tpu.memory_space<vmem>>
        tpu.vector_store_idx %scatter3A_662[%xor3A_559], %gather3A_564 : memref<51200xf32, #tpu.memory_space<vmem>>[vector<16xi32>], vector<16xf32>,
        %gather3A_663 = tpu.vector_load_idx %arg5[%xor3A_655] : memref<4096xf32, #tpu.memory_space<vmem>>[vector<16xi32>], vector<16xf32>,
        %xor3A_664 = arith.constant 1 : i32
        %xor3A_665 = vector.broadcast %xor3A_664 : i32 to vector<16xi32>
        %xor3A_666 = arith.xori %xor3A_655, %xor3A_665 : vector<16xi32>
        %xor3A_667 = arith.constant 1 : i32
        %xor3A_668 = vector.broadcast %xor3A_667 : i32 to vector<16xi32>
        %xor3A_669 = arith.xori %xor3A_658, %xor3A_668 : vector<16xi32>
        %scatter3A_670 = arith.constant 1 : i32
        %scatter3A_671 = arith.constant 0 : i32
        %scatter3A_672 = tpu.memref_slice %arg7[%scatter3A_670, %scatter3A_671] : memref<2x51200xf32, #tpu.memory_space<vmem>> -> memref<1x51200xf32, #tpu.memory_space<vmem>>
        %scatter3A_673 = tpu.memref_squeeze %scatter3A_672 : memref<1x51200xf32, #tpu.memory_space<vmem>> -> memref<51200xf32, #tpu.memory_space<vmem>>
        tpu.vector_store_idx %scatter3A_673[%xor3A_570], %gather3A_575 : memref<51200xf32, #tpu.memory_space<vmem>>[vector<16xi32>], vector<16xf32>,
        %gather3A_674 = tpu.vector_load_idx %arg5[%xor3A_666] : memref<4096xf32, #tpu.memory_space<vmem>>[vector<16xi32>], vector<16xf32>,
        %xor3A_675 = arith.constant 2 : i32
        %xor3A_676 = vector.broadcast %xor3A_675 : i32 to vector<16xi32>
        %xor3A_677 = arith.xori %xor3A_666, %xor3A_676 : vector<16xi32>
        %xor3A_678 = arith.constant 2 : i32
        %xor3A_679 = vector.broadcast %xor3A_678 : i32 to vector<16xi32>
        %xor3A_680 = arith.xori %xor3A_669, %xor3A_679 : vector<16xi32>
        %scatter3A_681 = arith.constant 1 : i32
        %scatter3A_682 = arith.constant 0 : i32
        %scatter3A_683 = tpu.memref_slice %arg7[%scatter3A_681, %scatter3A_682] : memref<2x51200xf32, #tpu.memory_space<vmem>> -> memref<1x51200xf32, #tpu.memory_space<vmem>>
        %scatter3A_684 = tpu.memref_squeeze %scatter3A_683 : memref<1x51200xf32, #tpu.memory_space<vmem>> -> memref<51200xf32, #tpu.memory_space<vmem>>
        tpu.vector_store_idx %scatter3A_684[%xor3A_581], %gather3A_586 : memref<51200xf32, #tpu.memory_space<vmem>>[vector<16xi32>], vector<16xf32>,
        %gather3A_685 = tpu.vector_load_idx %arg5[%xor3A_677] : memref<4096xf32, #tpu.memory_space<vmem>>[vector<16xi32>], vector<16xf32>,
        %xor3A_686 = arith.constant 1 : i32
        %xor3A_687 = vector.broadcast %xor3A_686 : i32 to vector<16xi32>
        %xor3A_688 = arith.xori %xor3A_677, %xor3A_687 : vector<16xi32>
        %xor3A_689 = arith.constant 1 : i32
        %xor3A_690 = vector.broadcast %xor3A_689 : i32 to vector<16xi32>
        %xor3A_691 = arith.xori %xor3A_680, %xor3A_690 : vector<16xi32>
        %scatter3A_692 = arith.constant 1 : i32
        %scatter3A_693 = arith.constant 0 : i32
        %scatter3A_694 = tpu.memref_slice %arg7[%scatter3A_692, %scatter3A_693] : memref<2x51200xf32, #tpu.memory_space<vmem>> -> memref<1x51200xf32, #tpu.memory_space<vmem>>
        %scatter3A_695 = tpu.memref_squeeze %scatter3A_694 : memref<1x51200xf32, #tpu.memory_space<vmem>> -> memref<51200xf32, #tpu.memory_space<vmem>>
        tpu.vector_store_idx %scatter3A_695[%xor3A_592], %gather3A_597 : memref<51200xf32, #tpu.memory_space<vmem>>[vector<16xi32>], vector<16xf32>,
        %gather3A_696 = tpu.vector_load_idx %arg5[%xor3A_688] : memref<4096xf32, #tpu.memory_space<vmem>>[vector<16xi32>], vector<16xf32>,
        %xor3A_697 = arith.constant 4 : i32
        %xor3A_698 = vector.broadcast %xor3A_697 : i32 to vector<16xi32>
        %xor3A_699 = arith.xori %xor3A_688, %xor3A_698 : vector<16xi32>
        %xor3A_700 = arith.constant 4 : i32
        %xor3A_701 = vector.broadcast %xor3A_700 : i32 to vector<16xi32>
        %xor3A_702 = arith.xori %xor3A_691, %xor3A_701 : vector<16xi32>
        %scatter3A_703 = arith.constant 1 : i32
        %scatter3A_704 = arith.constant 0 : i32
        %scatter3A_705 = tpu.memref_slice %arg7[%scatter3A_703, %scatter3A_704] : memref<2x51200xf32, #tpu.memory_space<vmem>> -> memref<1x51200xf32, #tpu.memory_space<vmem>>
        %scatter3A_706 = tpu.memref_squeeze %scatter3A_705 : memref<1x51200xf32, #tpu.memory_space<vmem>> -> memref<51200xf32, #tpu.memory_space<vmem>>
        tpu.vector_store_idx %scatter3A_706[%xor3A_603], %gather3A_608 : memref<51200xf32, #tpu.memory_space<vmem>>[vector<16xi32>], vector<16xf32>,
        %gather3A_707 = tpu.vector_load_idx %arg5[%xor3A_699] : memref<4096xf32, #tpu.memory_space<vmem>>[vector<16xi32>], vector<16xf32>,
        %xor3A_708 = arith.constant 1 : i32
        %xor3A_709 = vector.broadcast %xor3A_708 : i32 to vector<16xi32>
        %xor3A_710 = arith.xori %xor3A_699, %xor3A_709 : vector<16xi32>
        %xor3A_711 = arith.constant 1 : i32
        %xor3A_712 = vector.broadcast %xor3A_711 : i32 to vector<16xi32>
        %xor3A_713 = arith.xori %xor3A_702, %xor3A_712 : vector<16xi32>
        %scatter3A_714 = arith.constant 1 : i32
        %scatter3A_715 = arith.constant 0 : i32
        %scatter3A_716 = tpu.memref_slice %arg7[%scatter3A_714, %scatter3A_715] : memref<2x51200xf32, #tpu.memory_space<vmem>> -> memref<1x51200xf32, #tpu.memory_space<vmem>>
        %scatter3A_717 = tpu.memref_squeeze %scatter3A_716 : memref<1x51200xf32, #tpu.memory_space<vmem>> -> memref<51200xf32, #tpu.memory_space<vmem>>
        tpu.vector_store_idx %scatter3A_717[%xor3A_614], %gather3A_619 : memref<51200xf32, #tpu.memory_space<vmem>>[vector<16xi32>], vector<16xf32>,
        %gather3A_718 = tpu.vector_load_idx %arg5[%xor3A_710] : memref<4096xf32, #tpu.memory_space<vmem>>[vector<16xi32>], vector<16xf32>,
        %xor3A_719 = arith.constant 2 : i32
        %xor3A_720 = vector.broadcast %xor3A_719 : i32 to vector<16xi32>
        %xor3A_721 = arith.xori %xor3A_710, %xor3A_720 : vector<16xi32>
        %xor3A_722 = arith.constant 2 : i32
        %xor3A_723 = vector.broadcast %xor3A_722 : i32 to vector<16xi32>
        %xor3A_724 = arith.xori %xor3A_713, %xor3A_723 : vector<16xi32>
        %scatter3A_725 = arith.constant 1 : i32
        %scatter3A_726 = arith.constant 0 : i32
        %scatter3A_727 = tpu.memref_slice %arg7[%scatter3A_725, %scatter3A_726] : memref<2x51200xf32, #tpu.memory_space<vmem>> -> memref<1x51200xf32, #tpu.memory_space<vmem>>
        %scatter3A_728 = tpu.memref_squeeze %scatter3A_727 : memref<1x51200xf32, #tpu.memory_space<vmem>> -> memref<51200xf32, #tpu.memory_space<vmem>>
        tpu.vector_store_idx %scatter3A_728[%xor3A_625], %gather3A_630 : memref<51200xf32, #tpu.memory_space<vmem>>[vector<16xi32>], vector<16xf32>,
        %gather3A_729 = tpu.vector_load_idx %arg5[%xor3A_721] : memref<4096xf32, #tpu.memory_space<vmem>>[vector<16xi32>], vector<16xf32>,
        %xor3A_730 = arith.constant 1 : i32
        %xor3A_731 = vector.broadcast %xor3A_730 : i32 to vector<16xi32>
        %xor3A_732 = arith.xori %xor3A_721, %xor3A_731 : vector<16xi32>
        %xor3A_733 = arith.constant 1 : i32
        %xor3A_734 = vector.broadcast %xor3A_733 : i32 to vector<16xi32>
        %xor3A_735 = arith.xori %xor3A_724, %xor3A_734 : vector<16xi32>
        %scatter3A_736 = arith.constant 1 : i32
        %scatter3A_737 = arith.constant 0 : i32
        %scatter3A_738 = tpu.memref_slice %arg7[%scatter3A_736, %scatter3A_737] : memref<2x51200xf32, #tpu.memory_space<vmem>> -> memref<1x51200xf32, #tpu.memory_space<vmem>>
        %scatter3A_739 = tpu.memref_squeeze %scatter3A_738 : memref<1x51200xf32, #tpu.memory_space<vmem>> -> memref<51200xf32, #tpu.memory_space<vmem>>
        tpu.vector_store_idx %scatter3A_739[%xor3A_636], %gather3A_641 : memref<51200xf32, #tpu.memory_space<vmem>>[vector<16xi32>], vector<16xf32>,
        %gather3A_740 = tpu.vector_load_idx %arg5[%xor3A_732] : memref<4096xf32, #tpu.memory_space<vmem>>[vector<16xi32>], vector<16xf32>,
        %xor3A_741 = arith.constant 8 : i32
        %xor3A_742 = vector.broadcast %xor3A_741 : i32 to vector<16xi32>
        %xor3A_743 = arith.xori %xor3A_732, %xor3A_742 : vector<16xi32>
        %xor3A_744 = arith.constant 8 : i32
        %xor3A_745 = vector.broadcast %xor3A_744 : i32 to vector<16xi32>
        %xor3A_746 = arith.xori %xor3A_735, %xor3A_745 : vector<16xi32>
        %scatter3A_747 = arith.constant 1 : i32
        %scatter3A_748 = arith.constant 0 : i32
        %scatter3A_749 = tpu.memref_slice %arg7[%scatter3A_747, %scatter3A_748] : memref<2x51200xf32, #tpu.memory_space<vmem>> -> memref<1x51200xf32, #tpu.memory_space<vmem>>
        %scatter3A_750 = tpu.memref_squeeze %scatter3A_749 : memref<1x51200xf32, #tpu.memory_space<vmem>> -> memref<51200xf32, #tpu.memory_space<vmem>>
        tpu.vector_store_idx %scatter3A_750[%xor3A_647], %gather3A_652 : memref<51200xf32, #tpu.memory_space<vmem>>[vector<16xi32>], vector<16xf32>,
        %gather3A_751 = tpu.vector_load_idx %arg5[%xor3A_743] : memref<4096xf32, #tpu.memory_space<vmem>>[vector<16xi32>], vector<16xf32>,
        %xor3A_752 = arith.constant 1 : i32
        %xor3A_753 = vector.broadcast %xor3A_752 : i32 to vector<16xi32>
        %xor3A_754 = arith.xori %xor3A_743, %xor3A_753 : vector<16xi32>
        %xor3A_755 = arith.constant 1 : i32
        %xor3A_756 = vector.broadcast %xor3A_755 : i32 to vector<16xi32>
        %xor3A_757 = arith.xori %xor3A_746, %xor3A_756 : vector<16xi32>
        %scatter3A_758 = arith.constant 1 : i32
        %scatter3A_759 = arith.constant 0 : i32
        %scatter3A_760 = tpu.memref_slice %arg7[%scatter3A_758, %scatter3A_759] : memref<2x51200xf32, #tpu.memory_space<vmem>> -> memref<1x51200xf32, #tpu.memory_space<vmem>>
        %scatter3A_761 = tpu.memref_squeeze %scatter3A_760 : memref<1x51200xf32, #tpu.memory_space<vmem>> -> memref<51200xf32, #tpu.memory_space<vmem>>
        tpu.vector_store_idx %scatter3A_761[%xor3A_658], %gather3A_663 : memref<51200xf32, #tpu.memory_space<vmem>>[vector<16xi32>], vector<16xf32>,
        %gather3A_762 = tpu.vector_load_idx %arg5[%xor3A_754] : memref<4096xf32, #tpu.memory_space<vmem>>[vector<16xi32>], vector<16xf32>,
        %xor3A_763 = arith.constant 2 : i32
        %xor3A_764 = vector.broadcast %xor3A_763 : i32 to vector<16xi32>
        %xor3A_765 = arith.xori %xor3A_754, %xor3A_764 : vector<16xi32>
        %xor3A_766 = arith.constant 2 : i32
        %xor3A_767 = vector.broadcast %xor3A_766 : i32 to vector<16xi32>
        %xor3A_768 = arith.xori %xor3A_757, %xor3A_767 : vector<16xi32>
        %scatter3A_769 = arith.constant 1 : i32
        %scatter3A_770 = arith.constant 0 : i32
        %scatter3A_771 = tpu.memref_slice %arg7[%scatter3A_769, %scatter3A_770] : memref<2x51200xf32, #tpu.memory_space<vmem>> -> memref<1x51200xf32, #tpu.memory_space<vmem>>
        %scatter3A_772 = tpu.memref_squeeze %scatter3A_771 : memref<1x51200xf32, #tpu.memory_space<vmem>> -> memref<51200xf32, #tpu.memory_space<vmem>>
        tpu.vector_store_idx %scatter3A_772[%xor3A_669], %gather3A_674 : memref<51200xf32, #tpu.memory_space<vmem>>[vector<16xi32>], vector<16xf32>,
        %gather3A_773 = tpu.vector_load_idx %arg5[%xor3A_765] : memref<4096xf32, #tpu.memory_space<vmem>>[vector<16xi32>], vector<16xf32>,
        %xor3A_774 = arith.constant 1 : i32
        %xor3A_775 = vector.broadcast %xor3A_774 : i32 to vector<16xi32>
        %xor3A_776 = arith.xori %xor3A_765, %xor3A_775 : vector<16xi32>
        %xor3A_777 = arith.constant 1 : i32
        %xor3A_778 = vector.broadcast %xor3A_777 : i32 to vector<16xi32>
        %xor3A_779 = arith.xori %xor3A_768, %xor3A_778 : vector<16xi32>
        %scatter3A_780 = arith.constant 1 : i32
        %scatter3A_781 = arith.constant 0 : i32
        %scatter3A_782 = tpu.memref_slice %arg7[%scatter3A_780, %scatter3A_781] : memref<2x51200xf32, #tpu.memory_space<vmem>> -> memref<1x51200xf32, #tpu.memory_space<vmem>>
        %scatter3A_783 = tpu.memref_squeeze %scatter3A_782 : memref<1x51200xf32, #tpu.memory_space<vmem>> -> memref<51200xf32, #tpu.memory_space<vmem>>
        tpu.vector_store_idx %scatter3A_783[%xor3A_680], %gather3A_685 : memref<51200xf32, #tpu.memory_space<vmem>>[vector<16xi32>], vector<16xf32>,
        %gather3A_784 = tpu.vector_load_idx %arg5[%xor3A_776] : memref<4096xf32, #tpu.memory_space<vmem>>[vector<16xi32>], vector<16xf32>,
        %xor3A_785 = arith.constant 4 : i32
        %xor3A_786 = vector.broadcast %xor3A_785 : i32 to vector<16xi32>
        %xor3A_787 = arith.xori %xor3A_776, %xor3A_786 : vector<16xi32>
        %xor3A_788 = arith.constant 4 : i32
        %xor3A_789 = vector.broadcast %xor3A_788 : i32 to vector<16xi32>
        %xor3A_790 = arith.xori %xor3A_779, %xor3A_789 : vector<16xi32>
        %scatter3A_791 = arith.constant 1 : i32
        %scatter3A_792 = arith.constant 0 : i32
        %scatter3A_793 = tpu.memref_slice %arg7[%scatter3A_791, %scatter3A_792] : memref<2x51200xf32, #tpu.memory_space<vmem>> -> memref<1x51200xf32, #tpu.memory_space<vmem>>
        %scatter3A_794 = tpu.memref_squeeze %scatter3A_793 : memref<1x51200xf32, #tpu.memory_space<vmem>> -> memref<51200xf32, #tpu.memory_space<vmem>>
        tpu.vector_store_idx %scatter3A_794[%xor3A_691], %gather3A_696 : memref<51200xf32, #tpu.memory_space<vmem>>[vector<16xi32>], vector<16xf32>,
        %gather3A_795 = tpu.vector_load_idx %arg5[%xor3A_787] : memref<4096xf32, #tpu.memory_space<vmem>>[vector<16xi32>], vector<16xf32>,
        %xor3A_796 = arith.constant 1 : i32
        %xor3A_797 = vector.broadcast %xor3A_796 : i32 to vector<16xi32>
        %xor3A_798 = arith.xori %xor3A_787, %xor3A_797 : vector<16xi32>
        %xor3A_799 = arith.constant 1 : i32
        %xor3A_800 = vector.broadcast %xor3A_799 : i32 to vector<16xi32>
        %xor3A_801 = arith.xori %xor3A_790, %xor3A_800 : vector<16xi32>
        %scatter3A_802 = arith.constant 1 : i32
        %scatter3A_803 = arith.constant 0 : i32
        %scatter3A_804 = tpu.memref_slice %arg7[%scatter3A_802, %scatter3A_803] : memref<2x51200xf32, #tpu.memory_space<vmem>> -> memref<1x51200xf32, #tpu.memory_space<vmem>>
        %scatter3A_805 = tpu.memref_squeeze %scatter3A_804 : memref<1x51200xf32, #tpu.memory_space<vmem>> -> memref<51200xf32, #tpu.memory_space<vmem>>
        tpu.vector_store_idx %scatter3A_805[%xor3A_702], %gather3A_707 : memref<51200xf32, #tpu.memory_space<vmem>>[vector<16xi32>], vector<16xf32>,
        %gather3A_806 = tpu.vector_load_idx %arg5[%xor3A_798] : memref<4096xf32, #tpu.memory_space<vmem>>[vector<16xi32>], vector<16xf32>,
        %xor3A_807 = arith.constant 2 : i32
        %xor3A_808 = vector.broadcast %xor3A_807 : i32 to vector<16xi32>
        %xor3A_809 = arith.xori %xor3A_798, %xor3A_808 : vector<16xi32>
        %xor3A_810 = arith.constant 2 : i32
        %xor3A_811 = vector.broadcast %xor3A_810 : i32 to vector<16xi32>
        %xor3A_812 = arith.xori %xor3A_801, %xor3A_811 : vector<16xi32>
        %scatter3A_813 = arith.constant 1 : i32
        %scatter3A_814 = arith.constant 0 : i32
        %scatter3A_815 = tpu.memref_slice %arg7[%scatter3A_813, %scatter3A_814] : memref<2x51200xf32, #tpu.memory_space<vmem>> -> memref<1x51200xf32, #tpu.memory_space<vmem>>
        %scatter3A_816 = tpu.memref_squeeze %scatter3A_815 : memref<1x51200xf32, #tpu.memory_space<vmem>> -> memref<51200xf32, #tpu.memory_space<vmem>>
        tpu.vector_store_idx %scatter3A_816[%xor3A_713], %gather3A_718 : memref<51200xf32, #tpu.memory_space<vmem>>[vector<16xi32>], vector<16xf32>,
        %gather3A_817 = tpu.vector_load_idx %arg5[%xor3A_809] : memref<4096xf32, #tpu.memory_space<vmem>>[vector<16xi32>], vector<16xf32>,
        %xor3A_818 = arith.constant 1 : i32
        %xor3A_819 = vector.broadcast %xor3A_818 : i32 to vector<16xi32>
        %xor3A_820 = arith.xori %xor3A_809, %xor3A_819 : vector<16xi32>
        %xor3A_821 = arith.constant 1 : i32
        %xor3A_822 = vector.broadcast %xor3A_821 : i32 to vector<16xi32>
        %xor3A_823 = arith.xori %xor3A_812, %xor3A_822 : vector<16xi32>
        %scatter3A_824 = arith.constant 1 : i32
        %scatter3A_825 = arith.constant 0 : i32
        %scatter3A_826 = tpu.memref_slice %arg7[%scatter3A_824, %scatter3A_825] : memref<2x51200xf32, #tpu.memory_space<vmem>> -> memref<1x51200xf32, #tpu.memory_space<vmem>>
        %scatter3A_827 = tpu.memref_squeeze %scatter3A_826 : memref<1x51200xf32, #tpu.memory_space<vmem>> -> memref<51200xf32, #tpu.memory_space<vmem>>
        tpu.vector_store_idx %scatter3A_827[%xor3A_724], %gather3A_729 : memref<51200xf32, #tpu.memory_space<vmem>>[vector<16xi32>], vector<16xf32>,
        %gather3A_828 = tpu.vector_load_idx %arg5[%xor3A_820] : memref<4096xf32, #tpu.memory_space<vmem>>[vector<16xi32>], vector<16xf32>,
        %scatter3A_829 = arith.constant 1 : i32
        %scatter3A_830 = arith.constant 0 : i32
        %scatter3A_831 = tpu.memref_slice %arg7[%scatter3A_829, %scatter3A_830] : memref<2x51200xf32, #tpu.memory_space<vmem>> -> memref<1x51200xf32, #tpu.memory_space<vmem>>
        %scatter3A_832 = tpu.memref_squeeze %scatter3A_831 : memref<1x51200xf32, #tpu.memory_space<vmem>> -> memref<51200xf32, #tpu.memory_space<vmem>>
        tpu.vector_store_idx %scatter3A_832[%xor3A_735], %gather3A_740 : memref<51200xf32, #tpu.memory_space<vmem>>[vector<16xi32>], vector<16xf32>,
        %scatter3A_833 = arith.constant 1 : i32
        %scatter3A_834 = arith.constant 0 : i32
        %scatter3A_835 = tpu.memref_slice %arg7[%scatter3A_833, %scatter3A_834] : memref<2x51200xf32, #tpu.memory_space<vmem>> -> memref<1x51200xf32, #tpu.memory_space<vmem>>
        %scatter3A_836 = tpu.memref_squeeze %scatter3A_835 : memref<1x51200xf32, #tpu.memory_space<vmem>> -> memref<51200xf32, #tpu.memory_space<vmem>>
        tpu.vector_store_idx %scatter3A_836[%xor3A_746], %gather3A_751 : memref<51200xf32, #tpu.memory_space<vmem>>[vector<16xi32>], vector<16xf32>,
        %scatter3A_837 = arith.constant 1 : i32
        %scatter3A_838 = arith.constant 0 : i32
        %scatter3A_839 = tpu.memref_slice %arg7[%scatter3A_837, %scatter3A_838] : memref<2x51200xf32, #tpu.memory_space<vmem>> -> memref<1x51200xf32, #tpu.memory_space<vmem>>
        %scatter3A_840 = tpu.memref_squeeze %scatter3A_839 : memref<1x51200xf32, #tpu.memory_space<vmem>> -> memref<51200xf32, #tpu.memory_space<vmem>>
        tpu.vector_store_idx %scatter3A_840[%xor3A_757], %gather3A_762 : memref<51200xf32, #tpu.memory_space<vmem>>[vector<16xi32>], vector<16xf32>,
        %scatter3A_841 = arith.constant 1 : i32
        %scatter3A_842 = arith.constant 0 : i32
        %scatter3A_843 = tpu.memref_slice %arg7[%scatter3A_841, %scatter3A_842] : memref<2x51200xf32, #tpu.memory_space<vmem>> -> memref<1x51200xf32, #tpu.memory_space<vmem>>
        %scatter3A_844 = tpu.memref_squeeze %scatter3A_843 : memref<1x51200xf32, #tpu.memory_space<vmem>> -> memref<51200xf32, #tpu.memory_space<vmem>>
        tpu.vector_store_idx %scatter3A_844[%xor3A_768], %gather3A_773 : memref<51200xf32, #tpu.memory_space<vmem>>[vector<16xi32>], vector<16xf32>,
        %scatter3A_845 = arith.constant 1 : i32
        %scatter3A_846 = arith.constant 0 : i32
        %scatter3A_847 = tpu.memref_slice %arg7[%scatter3A_845, %scatter3A_846] : memref<2x51200xf32, #tpu.memory_space<vmem>> -> memref<1x51200xf32, #tpu.memory_space<vmem>>
        %scatter3A_848 = tpu.memref_squeeze %scatter3A_847 : memref<1x51200xf32, #tpu.memory_space<vmem>> -> memref<51200xf32, #tpu.memory_space<vmem>>
        tpu.vector_store_idx %scatter3A_848[%xor3A_779], %gather3A_784 : memref<51200xf32, #tpu.memory_space<vmem>>[vector<16xi32>], vector<16xf32>,
        %scatter3A_849 = arith.constant 1 : i32
        %scatter3A_850 = arith.constant 0 : i32
        %scatter3A_851 = tpu.memref_slice %arg7[%scatter3A_849, %scatter3A_850] : memref<2x51200xf32, #tpu.memory_space<vmem>> -> memref<1x51200xf32, #tpu.memory_space<vmem>>
        %scatter3A_852 = tpu.memref_squeeze %scatter3A_851 : memref<1x51200xf32, #tpu.memory_space<vmem>> -> memref<51200xf32, #tpu.memory_space<vmem>>
        tpu.vector_store_idx %scatter3A_852[%xor3A_790], %gather3A_795 : memref<51200xf32, #tpu.memory_space<vmem>>[vector<16xi32>], vector<16xf32>,
        %scatter3A_853 = arith.constant 1 : i32
        %scatter3A_854 = arith.constant 0 : i32
        %scatter3A_855 = tpu.memref_slice %arg7[%scatter3A_853, %scatter3A_854] : memref<2x51200xf32, #tpu.memory_space<vmem>> -> memref<1x51200xf32, #tpu.memory_space<vmem>>
        %scatter3A_856 = tpu.memref_squeeze %scatter3A_855 : memref<1x51200xf32, #tpu.memory_space<vmem>> -> memref<51200xf32, #tpu.memory_space<vmem>>
        tpu.vector_store_idx %scatter3A_856[%xor3A_801], %gather3A_806 : memref<51200xf32, #tpu.memory_space<vmem>>[vector<16xi32>], vector<16xf32>,
        %scatter3A_857 = arith.constant 1 : i32
        %scatter3A_858 = arith.constant 0 : i32
        %scatter3A_859 = tpu.memref_slice %arg7[%scatter3A_857, %scatter3A_858] : memref<2x51200xf32, #tpu.memory_space<vmem>> -> memref<1x51200xf32, #tpu.memory_space<vmem>>
        %scatter3A_860 = tpu.memref_squeeze %scatter3A_859 : memref<1x51200xf32, #tpu.memory_space<vmem>> -> memref<51200xf32, #tpu.memory_space<vmem>>
        tpu.vector_store_idx %scatter3A_860[%xor3A_812], %gather3A_817 : memref<51200xf32, #tpu.memory_space<vmem>>[vector<16xi32>], vector<16xf32>,
        %scatter3A_861 = arith.constant 1 : i32
        %scatter3A_862 = arith.constant 0 : i32
        %scatter3A_863 = tpu.memref_slice %arg7[%scatter3A_861, %scatter3A_862] : memref<2x51200xf32, #tpu.memory_space<vmem>> -> memref<1x51200xf32, #tpu.memory_space<vmem>>
        %scatter3A_864 = tpu.memref_squeeze %scatter3A_863 : memref<1x51200xf32, #tpu.memory_space<vmem>> -> memref<51200xf32, #tpu.memory_space<vmem>>
        tpu.vector_store_idx %scatter3A_864[%xor3A_823], %gather3A_828 : memref<51200xf32, #tpu.memory_space<vmem>>[vector<16xi32>], vector<16xf32>,
        scf.yield %add3A_158 : vector<16xi32>
      }
      %scan3A_132 = arith.constant 50 : i32
      %mul3A_133 = arith.constant 800 : i32
      %mul3A_134 = arith.muli %add3A_100, %mul3A_133 : i32
      %add3A_135 = arith.addi %mul3A_4, %mul3A_134 : i32
      %mul3A_136 = arith.constant 64 : i32
      %mul3A_137 = arith.muli %add3A_135, %mul3A_136 : i32
      %dma_start3A_138 = arith.constant 1 : i32
      %dma_start3A_139 = arith.constant 0 : i32
      %dma_start3A_140 = tpu.memref_slice %arg7[%dma_start3A_138, %dma_start3A_139] : memref<2x51200xf32, #tpu.memory_space<vmem>> -> memref<1x51200xf32, #tpu.memory_space<vmem>>
      %dma_start3A_141 = tpu.memref_squeeze %dma_start3A_140 : memref<1x51200xf32, #tpu.memory_space<vmem>> -> memref<51200xf32, #tpu.memory_space<vmem>>
      %dma_start3A_142 = tpu.memref_slice %arg4[%mul3A_137] : memref<52428800xf32, #tpu.memory_space<hbm>> -> memref<51200xf32, #tpu.memory_space<hbm>>
      %dma_start3A_143 = tpu.memref_slice %arg4[%mul3A_137] : memref<52428800xf32, #tpu.memory_space<hbm>> -> memref<51200xf32, #tpu.memory_space<hbm>>
      %dma_start3A_144 = arith.constant 0 : i32
      %dma_start3A_145 = tpu.memref_slice %arg7[%dma_start3A_138, %dma_start3A_144] : memref<2x51200xf32, #tpu.memory_space<vmem>> -> memref<1x51200xf32, #tpu.memory_space<vmem>>
      %dma_start3A_146 = tpu.memref_squeeze %dma_start3A_145 : memref<1x51200xf32, #tpu.memory_space<vmem>> -> memref<51200xf32, #tpu.memory_space<vmem>>
      tpu.enqueue_dma source(%dma_start3A_146 : memref<51200xf32, #tpu.memory_space<vmem>>) target(%dma_start3A_143 : memref<51200xf32, #tpu.memory_space<hbm>>) target_semaphore(%arg11 : memref<!tpu.dma_semaphore, #tpu.memory_space<semaphore_mem>>)
    }
    %scan3A_25 = arith.constant 16 : i32
    %add3A_26 = arith.constant 24000 : i32
    %add3A_27 = arith.addi %mul3A_4, %add3A_26 : i32
    %mul3A_28 = arith.constant 64 : i32
    %mul3A_29 = arith.muli %add3A_27, %mul3A_28 : i32
    %dma_wait3A = arith.constant 0 : i32
    %dma_wait3A_30 = arith.constant 0 : i32
    %dma_wait3A_31 = tpu.memref_slice %arg7[%dma_wait3A, %dma_wait3A_30] : memref<2x51200xf32, #tpu.memory_space<vmem>> -> memref<1x51200xf32, #tpu.memory_space<vmem>>
    %dma_wait3A_32 = tpu.memref_squeeze %dma_wait3A_31 : memref<1x51200xf32, #tpu.memory_space<vmem>> -> memref<51200xf32, #tpu.memory_space<vmem>>
    %dma_wait3A_33 = tpu.memref_slice %arg4[%mul3A_29] : memref<52428800xf32, #tpu.memory_space<hbm>> -> memref<51200xf32, #tpu.memory_space<hbm>>
    %dma_wait3A_34 = tpu.memref_slice %arg4[%mul3A_29] : memref<52428800xf32, #tpu.memory_space<hbm>> -> memref<51200xf32, #tpu.memory_space<hbm>>
    %dma_wait3A_35 = arith.constant 0 : i32
    %dma_wait3A_36 = tpu.memref_slice %arg7[%dma_wait3A, %dma_wait3A_35] : memref<2x51200xf32, #tpu.memory_space<vmem>> -> memref<1x51200xf32, #tpu.memory_space<vmem>>
    %dma_wait3A_37 = tpu.memref_squeeze %dma_wait3A_36 : memref<1x51200xf32, #tpu.memory_space<vmem>> -> memref<51200xf32, #tpu.memory_space<vmem>>
    tpu.wait_dma2 semaphore(%arg10 : memref<!tpu.dma_semaphore, #tpu.memory_space<semaphore_mem>>) src(%dma_wait3A_37 : memref<51200xf32, #tpu.memory_space<vmem>>) dst(%dma_wait3A_34 : memref<51200xf32, #tpu.memory_space<hbm>>)
    %add3A_38 = arith.constant 24800 : i32
    %add3A_39 = arith.addi %mul3A_4, %add3A_38 : i32
    %mul3A_40 = arith.constant 64 : i32
    %mul3A_41 = arith.muli %add3A_39, %mul3A_40 : i32
    %dma_wait3A_42 = arith.constant 1 : i32
    %dma_wait3A_43 = arith.constant 0 : i32
    %dma_wait3A_44 = tpu.memref_slice %arg7[%dma_wait3A_42, %dma_wait3A_43] : memref<2x51200xf32, #tpu.memory_space<vmem>> -> memref<1x51200xf32, #tpu.memory_space<vmem>>
    %dma_wait3A_45 = tpu.memref_squeeze %dma_wait3A_44 : memref<1x51200xf32, #tpu.memory_space<vmem>> -> memref<51200xf32, #tpu.memory_space<vmem>>
    %dma_wait3A_46 = tpu.memref_slice %arg4[%mul3A_41] : memref<52428800xf32, #tpu.memory_space<hbm>> -> memref<51200xf32, #tpu.memory_space<hbm>>
    %dma_wait3A_47 = tpu.memref_slice %arg4[%mul3A_41] : memref<52428800xf32, #tpu.memory_space<hbm>> -> memref<51200xf32, #tpu.memory_space<hbm>>
    %dma_wait3A_48 = arith.constant 0 : i32
    %dma_wait3A_49 = tpu.memref_slice %arg7[%dma_wait3A_42, %dma_wait3A_48] : memref<2x51200xf32, #tpu.memory_space<vmem>> -> memref<1x51200xf32, #tpu.memory_space<vmem>>
    %dma_wait3A_50 = tpu.memref_squeeze %dma_wait3A_49 : memref<1x51200xf32, #tpu.memory_space<vmem>> -> memref<51200xf32, #tpu.memory_space<vmem>>
    tpu.wait_dma2 semaphore(%arg11 : memref<!tpu.dma_semaphore, #tpu.memory_space<semaphore_mem>>) src(%dma_wait3A_50 : memref<51200xf32, #tpu.memory_space<vmem>>) dst(%dma_wait3A_47 : memref<51200xf32, #tpu.memory_space<hbm>>)
    return
  }
}

</mosaic_0001>

<sc_bundles>
// kernel: kernel.3.cloned.1.call-start
scs
__scs_entry_jumppad:
0x0: {  	(pc) =	sbr.rel $0x88, $3  }
0x1: {  	(tag) =	ssettag $0x0;
	lr =	simm.s32 $0x1  }
0x2: {  	[smem:$0x3F9F] =	sst lr;
	_ =	strace $0xD0000000  }
0x3: {  	_ = 	snop  }
0x4: {  	_ = 	snop  }
0x5: {  	_ = 	snop  }
0x6: {  	_ = 	snop  }
0x7: {  	_ = 	snop  }
__scs_overlays_trampoline_lowered:
0x8: {  	[smem:$0x3FAE] =	sst s0  }
0x9: {  	[smem:$0x3FAF] =	sst s1  }
0xa: {  	[smem:$0x3FB0] =	sst s2  }
0xb: {  	[smem:$0x3FB1] =	sst s3  }
0xc: {  	[smem:$0x3FB2] =	sst s4  }
0xd: {  	[smem:$0x3FB3] =	sst s5  }
0xe: {  	[smem:$0x3FB4] =	sst s6  }
0xf: {  	[smem:$0x3FB5] =	sst s7  }
0x10: {  	[smem:$0x3FB6] =	sst s8  }
0x11: {  	[smem:$0x3FB7] =	sst s9;
	s0 =	simm.s32 @!p0 $0x0  }
0x12: {  	s1 =	sld [smem:$0x3F9D];
	s0 =	simm.s32 @p0 $0x1  }
0x13: {  	[smem:$0x3FB8] =	sst s0;
	s0 =	simm.s32 @!p1 $0x0  }
0x14: {  	s2 =	sld [smem:$0x3F9C];
	s0 =	simm.s32 @p1 $0x1  }
0x15: {  	[smem:$0x3FB9] =	sst s0;
	s0 =	simm.s32 @!p2 $0x0  }
0x16: {  	s3 =	sld [smem:$0x3FDB];
	s0 =	simm.s32 @p2 $0x1  }
0x17: {  	s4 =	simm.s32 $0x1BF5;
	[smem:$0x3FBB] =	sst s0  }
0x18: {  	s0 =	sld [smem:$0x3F9E];
	_ =	swait.ge [sflag:s4], $0x0  }
0x19: {  	s7 =	sld [smem:$0x3F9F]  }
0x1a: {  	s8 =	sadd.s32 $0xFFFFE003, lr  }
0x1b: {  	s9 =	sadd.s32 $0xFFFFFEF7, lr;
	s5 =	simm.s32 $0xFFFFFFFF;
	p2 =	slt.u32 s8, $0xFFFFF086  }
0x1c: {  	p1 =	slt.u32 s9, $0xF7A;
	s5 =	simm.s32 @!p2 $0x0  }
0x1d: {  	s5 =	simm.s32 @p1 $0x1;
	p0 =	seq.s32 s7, s2  }
0x1e: {  	s7 =	smul.u32 @!p0 $0xF7A, s2;
	p2 =	seq.s32 @!p0 s5, $0x0  }
0x1f: {  	s9 =	smul.u32 $0xF7A, s1;
	s8 =	simm.s32 @!p0 $0x1BF5;
	p2 =	por !p2, p0  }
0x20: {  	[sflag:s8] =	ssyncset.s32 @!p0 $0xFFFFF086;
	s6 =	sadd.s32 @!p0 s3, s7;
	s7 =	simm.s32 @!p0 $0x108  }
0x21: {  	s3 =	sadd.s32 s3, s9;
	s6 =	sadd.s32 @!p0 $0x88, s6;
	s7 =	simm.s32 @p2 $0x1082  }
0x22: {  	[simem:s7], [sflag:s8] =	dma.local @!p0 [hbm:s6], $0xF7A  }
0x23: {  	s9 =	sor.u32 $0xD0000000, s2;
	s6 =	simm.s32 $0x108;
	_ =	swait.ge @!p0 [sflag:s8], $0x0  }
0x24: {  	s3 =	sadd.s32 $0x88, s3;
	s6 =	simm.s32 @!p1 $0x1082;
	[sflag:s4] =	ssyncset.s32 $0xFFFFF086  }
0x25: {  	[simem:s6], [sflag:s4] =	dma.local [hbm:s3], $0xF7A  }
0x26: {  	[smem:$0x3F9F] =	sst s1;
	(tag) =	ssettag s2;
	_ =	strace s9  }
0x27: {  	s1 =	sld [smem:$0x3FAF]  }
0x28: {  	s2 =	sld [smem:$0x3FB0]  }
0x29: {  	s4 =	sld [smem:$0x3FB2]  }
0x2a: {  	p0 =	seq.s32 s5, $0x0;
	s5 =	sld [smem:$0x3FB3]  }
0x2b: {  	s6 =	sld [smem:$0x3FB4]  }
0x2c: {  	s7 =	sld [smem:$0x3FB5]  }
0x2d: {  	s3 =	simm.s32 $0x108;
	s8 =	sld [smem:$0x3FB6]  }
0x2e: {  	s3 =	simm.s32 @!p0 $0x1082;
	s9 =	sld [smem:$0x3FB7]  }
0x2f: {  	lr =	sadd.s32 s0, s3;
	s0 =	sld [smem:$0x3FAE]  }
0x30: {  	s3 =	sld [smem:$0x3FB1]  }
0x31: {  	[smem:$0x3FBA] =	sst s10  }
0x32: {  	s10 =	sld [smem:$0x3FB8];
	_ =	sdelay $0x3  }
0x33: {  	p0 =	seq.s32 s10, $0x1;
	s10 =	sld [smem:$0x3FBA];
	_ =	sdelay $0x3  }
0x34: {  	[smem:$0x3FBA] =	sst s10  }
0x35: {  	s10 =	sld [smem:$0x3FB9];
	_ =	sdelay $0x3  }
0x36: {  	p1 =	seq.s32 s10, $0x1;
	s10 =	sld [smem:$0x3FBA];
	_ =	sdelay $0x3  }
0x37: {  	[smem:$0x3FBA] =	sst s10  }
0x38: {  	s10 =	sld [smem:$0x3FBB]  }
0x39: {  	_ = 	snop;
	(pc) =	sbr.ind lr, $3  }
0x3a: {  	_ = 	snop  }
0x3b: {  	_ = 	snop  }
0x3c: {  	p2 =	seq.s32 s10, $0x1;
	s10 =	sld [smem:$0x3FBA]  }
0x3d: {  	_ =	shalt  }
0x3e: {  	_ =	shalt  }
0x3f: {  	_ =	shalt  }
0x40: {  	_ =	shalt  }
0x41: {  	_ =	shalt  }
0x42: {  	_ =	shalt  }
0x43: {  	_ =	shalt  }
0x44: {  	_ =	shalt  }
0x45: {  	_ =	shalt  }
0x46: {  	_ =	shalt  }
0x47: {  	_ =	shalt  }
0x48: {  	_ =	shalt  }
0x49: {  	_ =	shalt  }
0x4a: {  	_ =	shalt  }
0x4b: {  	_ =	shalt  }
0x4c: {  	_ =	shalt  }
0x4d: {  	_ =	shalt  }
0x4e: {  	_ =	shalt  }
0x4f: {  	_ =	shalt  }
0x50: {  	_ =	shalt  }
0x51: {  	_ =	shalt  }
0x52: {  	_ =	shalt  }
0x53: {  	_ =	shalt  }
0x54: {  	_ =	shalt  }
0x55: {  	_ =	shalt  }
0x56: {  	_ =	shalt  }
0x57: {  	_ =	shalt  }
0x58: {  	_ =	shalt  }
0x59: {  	_ =	shalt  }
0x5a: {  	_ =	shalt  }
0x5b: {  	_ =	shalt  }
0x5c: {  	_ =	shalt  }
0x5d: {  	_ =	shalt  }
0x5e: {  	_ =	shalt  }
0x5f: {  	_ =	shalt  }
0x60: {  	_ =	shalt  }
0x61: {  	_ =	shalt  }
0x62: {  	_ =	shalt  }
0x63: {  	_ =	shalt  }
0x64: {  	_ =	shalt  }
0x65: {  	_ =	shalt  }
0x66: {  	_ =	shalt  }
0x67: {  	_ =	shalt  }
0x68: {  	_ =	shalt  }
0x69: {  	_ =	shalt  }
0x6a: {  	_ =	shalt  }
0x6b: {  	_ =	shalt  }
0x6c: {  	_ =	shalt  }
0x6d: {  	_ =	shalt  }
0x6e: {  	_ =	shalt  }
0x6f: {  	_ =	shalt  }
0x70: {  	_ =	shalt  }
0x71: {  	_ =	shalt  }
0x72: {  	_ =	shalt  }
0x73: {  	_ =	shalt  }
0x74: {  	_ =	shalt  }
0x75: {  	_ =	shalt  }
0x76: {  	_ =	shalt  }
0x77: {  	_ =	shalt  }
0x78: {  	_ =	shalt  }
0x79: {  	_ =	shalt  }
0x7a: {  	_ =	shalt  }
0x7b: {  	_ =	shalt  }
0x7c: {  	_ =	shalt  }
0x7d: {  	_ =	shalt  }
0x7e: {  	_ =	shalt  }
0x7f: {  	_ =	shalt  }
0x80: {  	_ =	shalt  }
0x81: {  	_ =	shalt  }
0x82: {  	_ =	shalt  }
0x83: {  	_ =	shalt  }
0x84: {  	_ =	shalt  }
0x85: {  	_ =	shalt  }
0x86: {  	_ =	shalt  }
0x87: {  	_ =	shalt  }
.Lfunc_end0:
.L_simem_size_0:
called_computation.1_lowered:
.L_overlay_start_0:
0x88: {  	s2 =	sld [smem:$0x3FD9]  }
0x89: {  	s3 =	sld [smem:$0x3FFE];
	_ =	sdelay $0x1  }
0x8a: {  	s1 =	srdreg.scid  }
0x8b: {  	s0 =	sand.u32 $0x1, s1  }
0x8c: {  	s17 =	sshll.u32 s0, $0xA;
	s2 =	sadd.s32 s3, s2  }
0x8d: {  	s2 =	sadd.s32 s2, s17  }
0x8e: {  	[smem:$0x3FC6] =	sst s2  }
0x8f: {  	_ = 	snop  }
0x90: {  	s2 =	sld [smem:$0x3FD0];
	(tm) =	ssettm $0x1  }
0x91: {  	s18 =	sld [smem:$0x3FFB];
	_ =	sdelay $0x3  }
0x92: {  	_ =	strace s18  }
0x93: {  	s3 =	sld [smem:$0x3FFC];
	_ =	sdelay $0x3  }
0x94: {  	_ =	strace s3  }
0x95: {  	s3 =	sld [smem:$0x3FFD];
	_ =	sdelay $0x3  }
0x96: {  	_ =	strace s3  }
0x97: {  	_ =	strace $0x8FFFFFFF  }
0x98: {  	s19 =	sld [smem:$0x3FDB];
	_ =	sdelay $0x1  }
0x99: {  	s4 =	simm.s32 $_scs_section_size  }
0x9a: {  	s5 =	simm.s32 $_size__tile_overlayer_lowered;
	s6 =	simm.s32 $_tile_overlayer_lowered  }
0x9b: {  	s22 =	simm.s32 $0x1BFF;
	s21 =	sshll.u32 s6, $0x1;
	s3 =	sadd.s32 s4, s19  }
0x9c: {  	s7 =	simm.s32 $0x0;
	s20 =	sshll.u32 s5, $0x1;
	s5 =	sadd.s32 s21, s3  }
0x9d: {  	[timem:s7], [sflag:s22] =	dma.local [hbm:s5], s20  }
0x9e: {  	_ =	swait.ge [sflag:s22], s20  }
0x9f: {  	s4 =	ssub.s32 $0x0, s20;
	[sflag:s22] =	ssyncset.done $0x0  }
0xa0: {  	[sflag:s22] =	ssyncadd.s32 s4;
	_ =	sdelay $0x1  }
0xa1: {  	s23 =	simm.s32 $0x1B8B  }
0xa2: {  	_ =	swait.ge [sflag:s23], $0x1  }
0xa3: {  	[sflag:s23] =	ssyncset.done $0x0  }
0xa4: {  	s25 =	simm.s32 $0x1B8E;
	s24 =	sld [smem:$0x3FFE];
	[sflag:s23] =	ssyncadd.s32 $0xFFFFFFFF  }
0xa5: {  	s26 =	simm.s32 $execute0_lowered;
	[smem:$0x3FD2] =	sst s25  }
0xa6: {  	s5 =	sshll.u32 s26, $0x1;
	_ =	strace $0x80000046;
	[dreg:$0x1] =	wrdreg $0xFFFFFFFF  }
0xa7: {  	s28 =	simm.s32 $_size_execute0_lowered;
	s3 =	sadd.s32 s3, s5;
	[dreg:$0x0] =	wrdreg $0x0  }
0xa8: {  	s5 =	sshll.u32 s28, $0x1;
	[dreg:$0x2] =	wrdreg s3  }
0xa9: {  	[dreg:$0x3] =	wrdreg s5  }
0xaa: {  	[dreg:$0x4] =	wrdreg $0xC0  }
0xab: {  	_ =	task [dreg:s7], $0x5FFFF  }
0xac: {  	[dreg:$0x1] =	wrdreg $0xFFFFFFFF  }
0xad: {  	[dreg:$0x0] =	wrdreg $0x60  }
0xae: {  	[dreg:$0x2] =	wrdreg s24  }
0xaf: {  	[dreg:$0x3] =	wrdreg s2  }
0xb0: {  	[dreg:$0x4] =	wrdreg $0x9  }
0xb1: {  	_ =	task.clear_ibuf [dreg:s7], $0x5FFFF;
	_ =	strace $0x90000046  }
0xb2: {  	s29 =	simm.s32 $0x9;
	_ =	strace $0x80000048  }
0xb3: {  	_ =	swait.ge [sflag:s29], $0x1  }
0xb4: {  	[sflag:s29] =	ssyncadd.s32 $0xFFFFFFFF  }
0xb5: {  	_ =	strace $0x90000048  }
0xb6: {  	_ =	sfence  }
0xb7: {  	s30 =	sld [smem:$0x0];
	_ =	sdelay $0x2  }
0xb8: {  	s31 =	sshll.u32 s1, $0xD;
	s1 =	sshrl.u32 s1, $0x2  }
0xb9: {  	s3 =	sand.u32 $0x4000, s31;
	s1 =	sadd.s32 s1, s30  }
0xba: {  	s0 =	sor.u32 s3, s0;
	s1 =	sshll.u32 s1, $0x11  }
0xbb: {  	s0 =	sor.u32 s1, s0  }
0xbc: {  	s0 =	sadd.s32 $0x8F2B, s0  }
0xbd: {  	[sflag:s0] =	ssyncadd.remote.s32 $0x1  }
0xbe: {  	_ =	sfence.sel $0xFFFF  }
0xbf: {  	[dreg:$0x0] =	wrdreg $0xFFFFFFFF;
	(pc) =	sbr.abs _section_cstart, $3  }
0xc0: {  	[dreg:$0x1] =	wrdreg $0xFFFFFFFF  }
0xc1: {  	_ =	task.clear_ibuf [dreg:s7], $0x2FFFF;
	_ =	strace $0x9FFFFFFF  }
0xc2: {  	(tm) =	ssettm $0x7FFFFFFF  }
0xc3: {  	_ =	shalt  }
tec
execute0_lowered:
.L_overlay_start_1:
0x0: {  	(tag) =	ssettag $0x1  }
0x1: {  	s1 =	srdreg.scid;
	s0 =	stileid.u32;
	v1 =	vimm.s32 $0x67452301;
	v0 =	vlaneseq.u32  }
0x2: {  	s6 =	rddreg [dreg:$0x0];
	s2 =	simm.s32 $0x0;
	v6 =	vimm.s32 $0x45670123;
	v7 =	vimm.s32 $0x54761032;
	v8 =	vimm.s32 $0x10325476;
	s11 =	simm.s32 $0x5  }
0x3: {  	v2 =	vimm.s32 $0x0;
	v10 =	vimm.s32 $0x23016745;
	v11 =	vimm.s32 $0x32107654;
	s12 =	simm.s32 $0x1000;
	s13 =	simm.s32 $0x1320;
	s14 =	simm.s32 $0x1  }
0x4: {  	s15 =	simm.s32 $0x1640;
	s16 =	simm.s32 $0x2;
	s17 =	simm.s32 $0x4;
	v5 =	vunpack.c.l.s4.s8 v1;
	v1 =	vmul.u32 $0x32, v0;
	v3 =	vmul.u32 $0xC81, v0  }
0x5: {  	s18 =	simm.s32 $0xDE40;
	s19 =	simm.s32 $0x3;
	s20 =	simm.s32 $0x0;
	v4 =	vand.u32 $0x7, v0;
	v6 =	vunpack.c.l.s4.s8 v6;
	v7 =	vunpack.c.l.s4.s8 v7  }
0x6: {  	s7 =	sand.u32 $0x1, s1;
	s3 =	sshll.u32 s0, $0x1;
	s1 =	rddreg [dreg:$0x1];
	v8 =	vunpack.c.l.s4.s8 v8;
	v10 =	vunpack.c.l.s4.s8 v10;
	v11 =	vunpack.c.l.s4.s8 v11  }
0x7: {  	[smem:$0x7FF] =	sst s2;
	s5 =	sadd.s32 $0x2800, s6;
	s3 =	sor.u32 s7, s3;
	v9 =	vmul.u32 $0xFFFFFFFF, v4;
	v12 =	vor.u32 $0x8, v4;
	v13 =	vor.u32 $0x18, v4  }
0x8: {  	s6 =	sadd.s32 $0x800, s6;
	s7 =	ssub.s32 $0x2, s7;
	v14 =	vor.u32 $0x10, v4;
	v15 =	vor.u32 $0x30, v4;
	v16 =	vor.u32 $0x38, v4;
	s4 =	smul.u32 $0x6400, s3  }
0x9: {  	v17 =	vor.u32 $0x28, v4;
	v18 =	vor.u32 $0x20, v4;
	v5 =	vunpack.c.0.s8.s32 v5;
	s3 =	rddreg [dreg:$0x2];
	_ =	strace $0x80000047;
	s8 =	sshrl.u32 s7, $0x1  }
0xa: {  	v6 =	vunpack.c.0.s8.s32 v6;
	v7 =	vunpack.c.0.s8.s32 v7;
	v8 =	vunpack.c.0.s8.s32 v8;
	s10 =	ssub.s32 s7, s8;
	s9 =	sshrl.u32 s4, $0x3;
	s8 =	sor.u32 $0x320, s4  }
0xb: {  	v10 =	vunpack.c.0.s8.s32 v10;
	v11 =	vunpack.c.0.s8.s32 v11;
	v9 =	vadd.s32 $0x7, v9;
	s10 =	smax.u32 s10, $0x1;
	s7 =	sadd.s32 s5, s9;
	s9 =	sadd.s32 $0x640, s4  }
.LBB2_1:
0xc: {  	[tilespmem:s2], [sflag:$0x5] =	stream.linear.gather [hbm4b:s6+s2], $0x1000, $0x38;
	[tilespmem:$0x1A640] =	vst v63  }
0xd: {  	_ =	swait.ge [sflag:s11], $0x1000  }
0xe: {  	[sflag:s11] =	ssyncset.done $0x0  }
0xf: {  	s21 =	simm.s32 $0x0;
	[sflag:s11] =	ssyncadd.s32 $0xFFFFF000  }
0x10: {  	[tilespmem:s12], [sflag:$0x1] =	stream.linear.gather [hbm4b:s7+s2], $0x320, $0x38;
	[tilespmem:$0x1A640] =	vst v63  }
.LBB2_2:
0x11: {  	s23 =	smul.u32 $0x640, s21;
	_ =	sdelay $0x1  }
0x12: {  	s22 =	sadd.s32 s23, s8  }
0x13: {  	s24 =	sshrl.u32 s22, $0x3  }
0x14: {  	s24 =	sadd.s32 s5, s24  }
0x15: {  	[tilespmem:s13], [sflag:$0x2] =	stream.linear.gather [hbm4b:s24+s2], $0x320, $0x38;
	[tilespmem:$0x1A640] =	vst v63  }
0x16: {  	_ =	swait.ge [sflag:s14], $0x320  }
0x17: {  	p0 =	seq.s32 s21, $0x0;
	[sflag:s14] =	ssyncset.done $0x0  }
0x18: {  	s25 =	simm.s32 @!p0 $0x3;
	[sflag:s14] =	ssyncadd.s32 $0xFFFFFCE0  }
0x19: {  	_ =	swait.ge @!p0 [sflag:s25], $0xC800  }
0x1a: {  	s26 =	simm.s32 $0x0;
	[sflag:s25] =	ssyncset.done @!p0 $0x0  }
0x1b: {  	v19 =	vimm.s32 $0x0;
	s24 =	sadd.s32 s4, s23;
	[sflag:s25] =	ssyncadd.s32 @!p0 $0xFFFF3800;
	s25 =	simm.s32 $0x0  }
.LBB2_3:
0x1c: {  	v20 =	vadd.s32 s26, v1;
	_ =	sdelay $0x4  }
0x1d: {  	v20 =	vld.idx.msk [tilespmem:v20+s12+$0x0], $0xffff;
	_ =	sdelay $0x4  }
0x1e: {  	vm0 =	vne.s32 v20, $0x0  }
0x1f: {  	v20 =	vsel vm0, $0x1, v2  }
0x20: {  	v19 =	vadd.s32 v20, v19  }
0x21: {  	v20 =	vshll.u32 v19, $0x6  }
0x22: {  	v20 =	vor.u32 v0, v20  }
0x23: {  	v22 =	vsel vm0, v20, v0  }
0x24: {  	v20 =	vxor.u32 $0x1, v22  }
0x25: {  	v21 =	vxor.u32 $0x3, v22  }
0x26: {  	v23 =	vxor.u32 $0x2, v22  }
0x27: {  	v24 =	vxor.u32 $0x6, v22  }
0x28: {  	v26 =	vxor.u32 $0x7, v22;
	v25 =	vld.idx.msk [tilespmem:v22+s2+$0x0], $0xffff  }
0x29: {  	v28 =	vxor.u32 $0x5, v22;
	v27 =	vld.idx.msk [tilespmem:v20+s2+$0x0], $0xffff;
	v20 =	vadd.s32 s25, v3  }
0x2a: {  	v30 =	vxor.u32 $0x4, v22;
	v29 =	vld.idx.msk [tilespmem:v21+s2+$0x0], $0xffff;
	v21 =	vand.u32 $0x1FFC8, v20  }
0x2b: {  	v31 =	vxor.u32 $0xC, v22;
	v23 =	vld.idx.msk [tilespmem:v23+s2+$0x0], $0xffff;
	v32 =	vor.u32 v4, v21  }
0x2c: {  	v33 =	vxor.u32 $0xD, v22;
	v24 =	vld.idx.msk [tilespmem:v24+s2+$0x0], $0xffff;
	v34 =	vor.u32 v5, v21  }
0x2d: {  	v35 =	vxor.u32 $0xF, v22;
	v26 =	vld.idx.msk [tilespmem:v26+s2+$0x0], $0xffff;
	v36 =	vor.u32 v6, v21  }
0x2e: {  	v49 =	vxor.u32 $0xE, v22;
	v28 =	vld.idx.msk [tilespmem:v28+s2+$0x0], $0xffff;
	v50 =	vor.u32 v7, v21  }
0x2f: {  	v51 =	vxor.u32 $0xA, v22;
	v30 =	vld.idx.msk [tilespmem:v30+s2+$0x0], $0xffff;
	v52 =	vor.u32 v8, v21  }
0x30: {  	v53 =	vxor.u32 $0xB, v22;
	v31 =	vld.idx.msk [tilespmem:v31+s2+$0x0], $0xffff;
	v54 =	vor.u32 v9, v21;
	[tilespmem:v32+s15+$0x0] =	vst.idx.msk $0xffff, v25  }
0x31: {  	v55 =	vxor.u32 $0x9, v22;
	v56 =	vor.u32 v10, v21;
	v32 =	vld.idx.msk [tilespmem:v33+s2+$0x0], $0xffff;
	[tilespmem:v34+s15+$0x0] =	vst.idx.msk $0xffff, v27  }
0x32: {  	v57 =	vxor.u32 $0x8, v22;
	v58 =	vor.u32 v11, v21;
	v34 =	vld.idx.msk [tilespmem:v35+s2+$0x0], $0xffff;
	[tilespmem:v36+s15+$0x0] =	vst.idx.msk $0xffff, v29  }
0x33: {  	v59 =	vxor.u32 $0x18, v22;
	v60 =	vxor.u32 $0xC, v20;
	v25 =	vld.idx.msk [tilespmem:v49+s2+$0x0], $0xffff;
	[tilespmem:v50+s15+$0x0] =	vst.idx.msk $0xffff, v23  }
0x34: {  	v61 =	vxor.u32 $0x19, v22;
	v62 =	vxor.u32 $0xD, v20;
	v27 =	vld.idx.msk [tilespmem:v51+s2+$0x0], $0xffff;
	[tilespmem:v52+s15+$0x0] =	vst.idx.msk $0xffff, v24  }
0x35: {  	v63 =	vxor.u32 $0x1B, v22;
	v40 =	vxor.u32 $0xF, v20;
	v29 =	vld.idx.msk [tilespmem:v53+s2+$0x0], $0xffff;
	[tilespmem:v54+s15+$0x0] =	vst.idx.msk $0xffff, v26  }
0x36: {  	v41 =	vxor.u32 $0x1A, v22;
	v42 =	vxor.u32 $0xE, v20;
	v23 =	vld.idx.msk [tilespmem:v55+s2+$0x0], $0xffff;
	[tilespmem:v56+s15+$0x0] =	vst.idx.msk $0xffff, v28  }
0x37: {  	v43 =	vxor.u32 $0x1E, v22;
	v44 =	vxor.u32 $0xA, v20;
	v24 =	vld.idx.msk [tilespmem:v57+s2+$0x0], $0xffff;
	[tilespmem:v58+s15+$0x0] =	vst.idx.msk $0xffff, v30  }
0x38: {  	v45 =	vxor.u32 $0x1F, v22;
	v46 =	vxor.u32 $0xB, v20;
	v26 =	vld.idx.msk [tilespmem:v59+s2+$0x0], $0xffff;
	[tilespmem:v60+s15+$0x0] =	vst.idx.msk $0xffff, v31  }
0x39: {  	v47 =	vxor.u32 $0x1D, v22;
	v48 =	vxor.u32 $0x9, v20;
	v28 =	vld.idx.msk [tilespmem:v61+s2+$0x0], $0xffff;
	[tilespmem:v62+s15+$0x0] =	vst.idx.msk $0xffff, v32  }
0x3a: {  	v49 =	vxor.u32 $0x1C, v22;
	v50 =	vxor.u32 v12, v21;
	v30 =	vld.idx.msk [tilespmem:v63+s2+$0x0], $0xffff;
	[tilespmem:v40+s15+$0x0] =	vst.idx.msk $0xffff, v34  }
0x3b: {  	v51 =	vxor.u32 $0x14, v22;
	v52 =	vxor.u32 v13, v21;
	v31 =	vld.idx.msk [tilespmem:v41+s2+$0x0], $0xffff;
	[tilespmem:v42+s15+$0x0] =	vst.idx.msk $0xffff, v25  }
0x3c: {  	v53 =	vxor.u32 $0x15, v22;
	v54 =	vxor.u32 $0x19, v20;
	v32 =	vld.idx.msk [tilespmem:v43+s2+$0x0], $0xffff;
	[tilespmem:v44+s15+$0x0] =	vst.idx.msk $0xffff, v27  }
0x3d: {  	v55 =	vxor.u32 $0x17, v22;
	v56 =	vxor.u32 $0x1B, v20;
	v33 =	vld.idx.msk [tilespmem:v45+s2+$0x0], $0xffff;
	[tilespmem:v46+s15+$0x0] =	vst.idx.msk $0xffff, v29  }
0x3e: {  	v57 =	vxor.u32 $0x16, v22;
	v58 =	vxor.u32 $0x1A, v20;
	v25 =	vld.idx.msk [tilespmem:v47+s2+$0x0], $0xffff;
	[tilespmem:v48+s15+$0x0] =	vst.idx.msk $0xffff, v23  }
0x3f: {  	v59 =	vxor.u32 $0x12, v22;
	v60 =	vxor.u32 $0x1E, v20;
	v27 =	vld.idx.msk [tilespmem:v49+s2+$0x0], $0xffff;
	[tilespmem:v50+s15+$0x0] =	vst.idx.msk $0xffff, v24  }
0x40: {  	v61 =	vxor.u32 $0x13, v22;
	v62 =	vxor.u32 $0x1F, v20;
	v29 =	vld.idx.msk [tilespmem:v51+s2+$0x0], $0xffff;
	[tilespmem:v52+s15+$0x0] =	vst.idx.msk $0xffff, v26  }
0x41: {  	v63 =	vxor.u32 $0x11, v22;
	v40 =	vxor.u32 $0x1D, v20;
	v23 =	vld.idx.msk [tilespmem:v53+s2+$0x0], $0xffff;
	[tilespmem:v54+s15+$0x0] =	vst.idx.msk $0xffff, v28  }
0x42: {  	v41 =	vor.u32 $0x10, v22;
	v42 =	vxor.u32 $0x1C, v20;
	v24 =	vld.idx.msk [tilespmem:v55+s2+$0x0], $0xffff;
	[tilespmem:v56+s15+$0x0] =	vst.idx.msk $0xffff, v30  }
0x43: {  	v43 =	vor.u32 $0x30, v22;
	v44 =	vxor.u32 $0x14, v20;
	v26 =	vld.idx.msk [tilespmem:v57+s2+$0x0], $0xffff;
	[tilespmem:v58+s15+$0x0] =	vst.idx.msk $0xffff, v31  }
0x44: {  	v45 =	vxor.u32 $0x31, v22;
	v46 =	vxor.u32 $0x15, v20;
	v28 =	vld.idx.msk [tilespmem:v59+s2+$0x0], $0xffff;
	[tilespmem:v60+s15+$0x0] =	vst.idx.msk $0xffff, v32  }
0x45: {  	v47 =	vxor.u32 $0x33, v22;
	v48 =	vxor.u32 $0x17, v20;
	v30 =	vld.idx.msk [tilespmem:v61+s2+$0x0], $0xffff;
	[tilespmem:v62+s15+$0x0] =	vst.idx.msk $0xffff, v33  }
0x46: {  	v49 =	vxor.u32 $0x32, v22;
	v50 =	vxor.u32 $0x16, v20;
	v31 =	vld.idx.msk [tilespmem:v63+s2+$0x0], $0xffff;
	[tilespmem:v40+s15+$0x0] =	vst.idx.msk $0xffff, v25  }
0x47: {  	v51 =	vxor.u32 $0x36, v22;
	v52 =	vxor.u32 $0x12, v20;
	v32 =	vld.idx.msk [tilespmem:v41+s2+$0x0], $0xffff;
	[tilespmem:v42+s15+$0x0] =	vst.idx.msk $0xffff, v27  }
0x48: {  	v53 =	vxor.u32 $0x37, v22;
	v54 =	vxor.u32 $0x13, v20;
	v33 =	vld.idx.msk [tilespmem:v43+s2+$0x0], $0xffff;
	[tilespmem:v44+s15+$0x0] =	vst.idx.msk $0xffff, v29  }
0x49: {  	v55 =	vxor.u32 $0x35, v22;
	v56 =	vxor.u32 $0x11, v20;
	v25 =	vld.idx.msk [tilespmem:v45+s2+$0x0], $0xffff;
	[tilespmem:v46+s15+$0x0] =	vst.idx.msk $0xffff, v23  }
0x4a: {  	v57 =	vxor.u32 $0x34, v22;
	v58 =	vor.u32 v14, v21;
	v27 =	vld.idx.msk [tilespmem:v47+s2+$0x0], $0xffff;
	[tilespmem:v48+s15+$0x0] =	vst.idx.msk $0xffff, v24  }
0x4b: {  	v59 =	vxor.u32 $0x3C, v22;
	v60 =	vor.u32 v15, v21;
	v29 =	vld.idx.msk [tilespmem:v49+s2+$0x0], $0xffff;
	[tilespmem:v50+s15+$0x0] =	vst.idx.msk $0xffff, v26  }
0x4c: {  	v61 =	vxor.u32 $0x3D, v22;
	v62 =	vxor.u32 $0x31, v20;
	v23 =	vld.idx.msk [tilespmem:v51+s2+$0x0], $0xffff;
	[tilespmem:v52+s15+$0x0] =	vst.idx.msk $0xffff, v28  }
0x4d: {  	v63 =	vxor.u32 $0x3F, v22;
	v40 =	vxor.u32 $0x33, v20;
	v24 =	vld.idx.msk [tilespmem:v53+s2+$0x0], $0xffff;
	[tilespmem:v54+s15+$0x0] =	vst.idx.msk $0xffff, v30  }
0x4e: {  	v41 =	vxor.u32 $0x3E, v22;
	v42 =	vxor.u32 $0x32, v20;
	v26 =	vld.idx.msk [tilespmem:v55+s2+$0x0], $0xffff;
	[tilespmem:v56+s15+$0x0] =	vst.idx.msk $0xffff, v31  }
0x4f: {  	v43 =	vxor.u32 $0x3A, v22;
	v44 =	vxor.u32 $0x36, v20;
	v28 =	vld.idx.msk [tilespmem:v57+s2+$0x0], $0xffff;
	[tilespmem:v58+s15+$0x0] =	vst.idx.msk $0xffff, v32  }
0x50: {  	v45 =	vxor.u32 $0x3B, v22;
	v46 =	vxor.u32 $0x37, v20;
	v30 =	vld.idx.msk [tilespmem:v59+s2+$0x0], $0xffff;
	[tilespmem:v60+s15+$0x0] =	vst.idx.msk $0xffff, v33  }
0x51: {  	v47 =	vxor.u32 $0x39, v22;
	v48 =	vxor.u32 $0x35, v20;
	v31 =	vld.idx.msk [tilespmem:v61+s2+$0x0], $0xffff;
	[tilespmem:v62+s15+$0x0] =	vst.idx.msk $0xffff, v25  }
0x52: {  	v49 =	vxor.u32 $0x38, v22;
	v50 =	vxor.u32 $0x34, v20;
	v32 =	vld.idx.msk [tilespmem:v63+s2+$0x0], $0xffff;
	[tilespmem:v40+s15+$0x0] =	vst.idx.msk $0xffff, v27  }
0x53: {  	v51 =	vxor.u32 $0x28, v22;
	v52 =	vxor.u32 $0x3C, v20;
	v33 =	vld.idx.msk [tilespmem:v41+s2+$0x0], $0xffff;
	[tilespmem:v42+s15+$0x0] =	vst.idx.msk $0xffff, v29  }
0x54: {  	v53 =	vxor.u32 $0x29, v22;
	v54 =	vxor.u32 $0x3D, v20;
	v25 =	vld.idx.msk [tilespmem:v43+s2+$0x0], $0xffff;
	[tilespmem:v44+s15+$0x0] =	vst.idx.msk $0xffff, v23  }
0x55: {  	v55 =	vxor.u32 $0x2B, v22;
	v56 =	vxor.u32 $0x3F, v20;
	v27 =	vld.idx.msk [tilespmem:v45+s2+$0x0], $0xffff;
	[tilespmem:v46+s15+$0x0] =	vst.idx.msk $0xffff, v24  }
0x56: {  	v57 =	vxor.u32 $0x2A, v22;
	v58 =	vxor.u32 $0x3E, v20;
	v29 =	vld.idx.msk [tilespmem:v47+s2+$0x0], $0xffff;
	[tilespmem:v48+s15+$0x0] =	vst.idx.msk $0xffff, v26  }
0x57: {  	v59 =	vxor.u32 $0x2E, v22;
	v60 =	vxor.u32 $0x3A, v20;
	v23 =	vld.idx.msk [tilespmem:v49+s2+$0x0], $0xffff;
	[tilespmem:v50+s15+$0x0] =	vst.idx.msk $0xffff, v28  }
0x58: {  	v61 =	vxor.u32 $0x2F, v22;
	v62 =	vxor.u32 $0x3B, v20;
	v24 =	vld.idx.msk [tilespmem:v51+s2+$0x0], $0xffff;
	[tilespmem:v52+s15+$0x0] =	vst.idx.msk $0xffff, v30  }
0x59: {  	v63 =	vxor.u32 $0x2D, v22;
	v40 =	vxor.u32 $0x39, v20;
	v26 =	vld.idx.msk [tilespmem:v53+s2+$0x0], $0xffff;
	[tilespmem:v54+s15+$0x0] =	vst.idx.msk $0xffff, v31  }
0x5a: {  	v41 =	vxor.u32 $0x2C, v22;
	v42 =	vxor.u32 v16, v21;
	v28 =	vld.idx.msk [tilespmem:v55+s2+$0x0], $0xffff;
	[tilespmem:v56+s15+$0x0] =	vst.idx.msk $0xffff, v32  }
0x5b: {  	v43 =	vxor.u32 $0x24, v22;
	v44 =	vxor.u32 v17, v21;
	v30 =	vld.idx.msk [tilespmem:v57+s2+$0x0], $0xffff;
	[tilespmem:v58+s15+$0x0] =	vst.idx.msk $0xffff, v33  }
0x5c: {  	v45 =	vxor.u32 $0x25, v22;
	v46 =	vxor.u32 $0x29, v20;
	v31 =	vld.idx.msk [tilespmem:v59+s2+$0x0], $0xffff;
	[tilespmem:v60+s15+$0x0] =	vst.idx.msk $0xffff, v25  }
0x5d: {  	v47 =	vxor.u32 $0x27, v22;
	v48 =	vxor.u32 $0x2B, v20;
	v32 =	vld.idx.msk [tilespmem:v61+s2+$0x0], $0xffff;
	[tilespmem:v62+s15+$0x0] =	vst.idx.msk $0xffff, v27  }
0x5e: {  	v49 =	vxor.u32 $0x26, v22;
	v50 =	vxor.u32 $0x2A, v20;
	v33 =	vld.idx.msk [tilespmem:v63+s2+$0x0], $0xffff;
	[tilespmem:v40+s15+$0x0] =	vst.idx.msk $0xffff, v29  }
0x5f: {  	v51 =	vxor.u32 $0x22, v22;
	v52 =	vxor.u32 $0x2E, v20;
	v25 =	vld.idx.msk [tilespmem:v41+s2+$0x0], $0xffff;
	[tilespmem:v42+s15+$0x0] =	vst.idx.msk $0xffff, v23  }
0x60: {  	v53 =	vxor.u32 $0x23, v22;
	v54 =	vxor.u32 $0x2F, v20;
	v27 =	vld.idx.msk [tilespmem:v43+s2+$0x0], $0xffff;
	[tilespmem:v44+s15+$0x0] =	vst.idx.msk $0xffff, v24  }
0x61: {  	v55 =	vxor.u32 $0x21, v22;
	v56 =	vxor.u32 $0x2D, v20;
	v29 =	vld.idx.msk [tilespmem:v45+s2+$0x0], $0xffff;
	[tilespmem:v46+s15+$0x0] =	vst.idx.msk $0xffff, v26  }
0x62: {  	v22 =	vor.u32 $0x20, v22;
	v57 =	vxor.u32 $0x2C, v20;
	v23 =	vld.idx.msk [tilespmem:v47+s2+$0x0], $0xffff;
	[tilespmem:v48+s15+$0x0] =	vst.idx.msk $0xffff, v28  }
0x63: {  	v58 =	vxor.u32 $0x24, v20;
	v24 =	vld.idx.msk [tilespmem:v49+s2+$0x0], $0xffff;
	[tilespmem:v50+s15+$0x0] =	vst.idx.msk $0xffff, v30  }
0x64: {  	v59 =	vxor.u32 $0x25, v20;
	v26 =	vld.idx.msk [tilespmem:v51+s2+$0x0], $0xffff;
	[tilespmem:v52+s15+$0x0] =	vst.idx.msk $0xffff, v31  }
0x65: {  	v60 =	vxor.u32 $0x27, v20;
	v28 =	vld.idx.msk [tilespmem:v53+s2+$0x0], $0xffff;
	[tilespmem:v54+s15+$0x0] =	vst.idx.msk $0xffff, v32  }
0x66: {  	v61 =	vxor.u32 $0x26, v20;
	v30 =	vld.idx.msk [tilespmem:v55+s2+$0x0], $0xffff;
	[tilespmem:v56+s15+$0x0] =	vst.idx.msk $0xffff, v33  }
0x67: {  	v62 =	vxor.u32 $0x22, v20;
	v22 =	vld.idx.msk [tilespmem:v22+s2+$0x0], $0xffff;
	[tilespmem:v57+s15+$0x0] =	vst.idx.msk $0xffff, v25  }
0x68: {  	v63 =	vxor.u32 $0x23, v20;
	[tilespmem:v58+s15+$0x0] =	vst.idx.msk $0xffff, v27  }
0x69: {  	v20 =	vxor.u32 $0x21, v20;
	[tilespmem:v59+s15+$0x0] =	vst.idx.msk $0xffff, v29  }
0x6a: {  	p1 =	sne.s32 s26, $0x31;
	v21 =	vor.u32 v18, v21;
	[tilespmem:v60+s15+$0x0] =	vst.idx.msk $0xffff, v23  }
.Ltmp0:
0x6b: {  	[tilespmem:v61+s15+$0x0] =	vst.idx.msk $0xffff, v24;
	(pc) =	sbr.rel @p1 .LBB2_3-.Ltmp0, $4  }
0x6c: {  	[tilespmem:v62+s15+$0x0] =	vst.idx.msk $0xffff, v26  }
0x6d: {  	[tilespmem:v63+s15+$0x0] =	vst.idx.msk $0xffff, v28  }
0x6e: {  	[tilespmem:v20+s15+$0x0] =	vst.idx.msk $0xffff, v30  }
0x6f: {  	s26 =	sadd.s32 $0x1, s26;
	s25 =	sadd.s32 $0x40, s25;
	[tilespmem:v21+s15+$0x0] =	vst.idx.msk $0xffff, v22  }
0x70: {  	p1 =	sne.s32 s21, $0xF  }
.Ltmp1:
0x71: {  	_ = 	snop;
	(pc) =	sbr.rel @p1 .LBB2_6-.Ltmp1, $4  }
0x72: {  	_ = 	snop  }
0x73: {  	s24 =	sshll.u32 s24, $0x3  }
0x74: {  	s24 =	sadd.s32 s1, s24  }
0x75: {  	[hbm4b:s24+s2] =	stream.linear.scatter [tilespmem:s15], [sflag:$0x3], $0xC800, $0x38;
	[tilespmem:$0x1A640] =	vst v63  }
.Ltmp2:
0x76: {  	(pc) =	sbr.rel .LBB2_7-.Ltmp2, $4  }
0x77: {  	_ = 	snop  }
0x78: {  	_ =	swait.ge [sflag:s16], $0x320  }
0x79: {  	[sflag:s16] =	ssyncset.done $0x0  }
0x7a: {  	[sflag:s16] =	ssyncadd.s32 $0xFFFFFCE0  }
.LBB2_6:
0x7b: {  	s23 =	sadd.s32 s23, s9  }
0x7c: {  	s23 =	sshrl.u32 s23, $0x3  }
.Ltmp3:
0x7d: {  	s23 =	sadd.s32 s5, s23;
	(pc) =	sbr.rel @p0 .LBB2_8-.Ltmp3, $4  }
0x7e: {  	[tilespmem:s12], [sflag:$0x1] =	stream.linear.gather [hbm4b:s23+s2], $0x320, $0x38;
	[tilespmem:$0x1A640] =	vst v63  }
0x7f: {  	_ =	swait.ge [sflag:s16], $0x320  }
0x80: {  	[sflag:s16] =	ssyncset.done $0x0  }
0x81: {  	[sflag:s16] =	ssyncadd.s32 $0xFFFFFCE0  }
.LBB2_7:
0x82: {  	_ =	swait.ge [sflag:s17], $0xC800  }
0x83: {  	[sflag:s17] =	ssyncset.done $0x0  }
0x84: {  	[sflag:s17] =	ssyncadd.s32 $0xFFFF3800  }
.LBB2_8:
0x85: {  	v19 =	vimm.s32 $0x0;
	s23 =	simm.s32 $0x0;
	s24 =	simm.s32 $0x0  }
.LBB2_9:
0x86: {  	v20 =	vadd.s32 s24, v1;
	_ =	sdelay $0x4  }
0x87: {  	v20 =	vld.idx.msk [tilespmem:v20+s13+$0x0], $0xffff;
	_ =	sdelay $0x4  }
0x88: {  	vm0 =	vne.s32 v20, $0x0  }
0x89: {  	v20 =	vsel vm0, $0x1, v2  }
0x8a: {  	v19 =	vadd.s32 v20, v19  }
0x8b: {  	v20 =	vshll.u32 v19, $0x6  }
0x8c: {  	v20 =	vor.u32 v0, v20  }
0x8d: {  	v22 =	vsel vm0, v20, v0  }
0x8e: {  	v20 =	vxor.u32 $0x1, v22  }
0x8f: {  	v21 =	vxor.u32 $0x3, v22  }
0x90: {  	v23 =	vxor.u32 $0x2, v22  }
0x91: {  	v24 =	vxor.u32 $0x6, v22  }
0x92: {  	v26 =	vxor.u32 $0x7, v22;
	v25 =	vld.idx.msk [tilespmem:v22+s2+$0x0], $0xffff  }
0x93: {  	v28 =	vxor.u32 $0x5, v22;
	v27 =	vld.idx.msk [tilespmem:v20+s2+$0x0], $0xffff;
	v20 =	vadd.s32 s23, v3  }
0x94: {  	v30 =	vxor.u32 $0x4, v22;
	v29 =	vld.idx.msk [tilespmem:v21+s2+$0x0], $0xffff;
	v21 =	vand.u32 $0x1FFC8, v20  }
0x95: {  	v31 =	vxor.u32 $0xC, v22;
	v23 =	vld.idx.msk [tilespmem:v23+s2+$0x0], $0xffff;
	v32 =	vor.u32 v4, v21  }
0x96: {  	v33 =	vxor.u32 $0xD, v22;
	v24 =	vld.idx.msk [tilespmem:v24+s2+$0x0], $0xffff;
	v34 =	vor.u32 v5, v21  }
0x97: {  	v35 =	vxor.u32 $0xF, v22;
	v26 =	vld.idx.msk [tilespmem:v26+s2+$0x0], $0xffff;
	v36 =	vor.u32 v6, v21  }
0x98: {  	v49 =	vxor.u32 $0xE, v22;
	v28 =	vld.idx.msk [tilespmem:v28+s2+$0x0], $0xffff;
	v50 =	vor.u32 v7, v21  }
0x99: {  	v51 =	vxor.u32 $0xA, v22;
	v30 =	vld.idx.msk [tilespmem:v30+s2+$0x0], $0xffff;
	v52 =	vor.u32 v8, v21  }
0x9a: {  	v53 =	vxor.u32 $0xB, v22;
	v31 =	vld.idx.msk [tilespmem:v31+s2+$0x0], $0xffff;
	v54 =	vor.u32 v9, v21;
	[tilespmem:v32+s18+$0x0] =	vst.idx.msk $0xffff, v25  }
0x9b: {  	v55 =	vxor.u32 $0x9, v22;
	v56 =	vor.u32 v10, v21;
	v32 =	vld.idx.msk [tilespmem:v33+s2+$0x0], $0xffff;
	[tilespmem:v34+s18+$0x0] =	vst.idx.msk $0xffff, v27  }
0x9c: {  	v57 =	vxor.u32 $0x8, v22;
	v58 =	vor.u32 v11, v21;
	v34 =	vld.idx.msk [tilespmem:v35+s2+$0x0], $0xffff;
	[tilespmem:v36+s18+$0x0] =	vst.idx.msk $0xffff, v29  }
0x9d: {  	v59 =	vxor.u32 $0x18, v22;
	v60 =	vxor.u32 $0xC, v20;
	v25 =	vld.idx.msk [tilespmem:v49+s2+$0x0], $0xffff;
	[tilespmem:v50+s18+$0x0] =	vst.idx.msk $0xffff, v23  }
0x9e: {  	v61 =	vxor.u32 $0x19, v22;
	v62 =	vxor.u32 $0xD, v20;
	v27 =	vld.idx.msk [tilespmem:v51+s2+$0x0], $0xffff;
	[tilespmem:v52+s18+$0x0] =	vst.idx.msk $0xffff, v24  }
0x9f: {  	v63 =	vxor.u32 $0x1B, v22;
	v40 =	vxor.u32 $0xF, v20;
	v29 =	vld.idx.msk [tilespmem:v53+s2+$0x0], $0xffff;
	[tilespmem:v54+s18+$0x0] =	vst.idx.msk $0xffff, v26  }
0xa0: {  	v41 =	vxor.u32 $0x1A, v22;
	v42 =	vxor.u32 $0xE, v20;
	v23 =	vld.idx.msk [tilespmem:v55+s2+$0x0], $0xffff;
	[tilespmem:v56+s18+$0x0] =	vst.idx.msk $0xffff, v28  }
0xa1: {  	v43 =	vxor.u32 $0x1E, v22;
	v44 =	vxor.u32 $0xA, v20;
	v24 =	vld.idx.msk [tilespmem:v57+s2+$0x0], $0xffff;
	[tilespmem:v58+s18+$0x0] =	vst.idx.msk $0xffff, v30  }
0xa2: {  	v45 =	vxor.u32 $0x1F, v22;
	v46 =	vxor.u32 $0xB, v20;
	v26 =	vld.idx.msk [tilespmem:v59+s2+$0x0], $0xffff;
	[tilespmem:v60+s18+$0x0] =	vst.idx.msk $0xffff, v31  }
0xa3: {  	v47 =	vxor.u32 $0x1D, v22;
	v48 =	vxor.u32 $0x9, v20;
	v28 =	vld.idx.msk [tilespmem:v61+s2+$0x0], $0xffff;
	[tilespmem:v62+s18+$0x0] =	vst.idx.msk $0xffff, v32  }
0xa4: {  	v49 =	vxor.u32 $0x1C, v22;
	v50 =	vxor.u32 v12, v21;
	v30 =	vld.idx.msk [tilespmem:v63+s2+$0x0], $0xffff;
	[tilespmem:v40+s18+$0x0] =	vst.idx.msk $0xffff, v34  }
0xa5: {  	v51 =	vxor.u32 $0x14, v22;
	v52 =	vxor.u32 v13, v21;
	v31 =	vld.idx.msk [tilespmem:v41+s2+$0x0], $0xffff;
	[tilespmem:v42+s18+$0x0] =	vst.idx.msk $0xffff, v25  }
0xa6: {  	v53 =	vxor.u32 $0x15, v22;
	v54 =	vxor.u32 $0x19, v20;
	v32 =	vld.idx.msk [tilespmem:v43+s2+$0x0], $0xffff;
	[tilespmem:v44+s18+$0x0] =	vst.idx.msk $0xffff, v27  }
0xa7: {  	v55 =	vxor.u32 $0x17, v22;
	v56 =	vxor.u32 $0x1B, v20;
	v33 =	vld.idx.msk [tilespmem:v45+s2+$0x0], $0xffff;
	[tilespmem:v46+s18+$0x0] =	vst.idx.msk $0xffff, v29  }
0xa8: {  	v57 =	vxor.u32 $0x16, v22;
	v58 =	vxor.u32 $0x1A, v20;
	v25 =	vld.idx.msk [tilespmem:v47+s2+$0x0], $0xffff;
	[tilespmem:v48+s18+$0x0] =	vst.idx.msk $0xffff, v23  }
0xa9: {  	v59 =	vxor.u32 $0x12, v22;
	v60 =	vxor.u32 $0x1E, v20;
	v27 =	vld.idx.msk [tilespmem:v49+s2+$0x0], $0xffff;
	[tilespmem:v50+s18+$0x0] =	vst.idx.msk $0xffff, v24  }
0xaa: {  	v61 =	vxor.u32 $0x13, v22;
	v62 =	vxor.u32 $0x1F, v20;
	v29 =	vld.idx.msk [tilespmem:v51+s2+$0x0], $0xffff;
	[tilespmem:v52+s18+$0x0] =	vst.idx.msk $0xffff, v26  }
0xab: {  	v63 =	vxor.u32 $0x11, v22;
	v40 =	vxor.u32 $0x1D, v20;
	v23 =	vld.idx.msk [tilespmem:v53+s2+$0x0], $0xffff;
	[tilespmem:v54+s18+$0x0] =	vst.idx.msk $0xffff, v28  }
0xac: {  	v41 =	vor.u32 $0x10, v22;
	v42 =	vxor.u32 $0x1C, v20;
	v24 =	vld.idx.msk [tilespmem:v55+s2+$0x0], $0xffff;
	[tilespmem:v56+s18+$0x0] =	vst.idx.msk $0xffff, v30  }
0xad: {  	v43 =	vor.u32 $0x30, v22;
	v44 =	vxor.u32 $0x14, v20;
	v26 =	vld.idx.msk [tilespmem:v57+s2+$0x0], $0xffff;
	[tilespmem:v58+s18+$0x0] =	vst.idx.msk $0xffff, v31  }
0xae: {  	v45 =	vxor.u32 $0x31, v22;
	v46 =	vxor.u32 $0x15, v20;
	v28 =	vld.idx.msk [tilespmem:v59+s2+$0x0], $0xffff;
	[tilespmem:v60+s18+$0x0] =	vst.idx.msk $0xffff, v32  }
0xaf: {  	v47 =	vxor.u32 $0x33, v22;
	v48 =	vxor.u32 $0x17, v20;
	v30 =	vld.idx.msk [tilespmem:v61+s2+$0x0], $0xffff;
	[tilespmem:v62+s18+$0x0] =	vst.idx.msk $0xffff, v33  }
0xb0: {  	v49 =	vxor.u32 $0x32, v22;
	v50 =	vxor.u32 $0x16, v20;
	v31 =	vld.idx.msk [tilespmem:v63+s2+$0x0], $0xffff;
	[tilespmem:v40+s18+$0x0] =	vst.idx.msk $0xffff, v25  }
0xb1: {  	v51 =	vxor.u32 $0x36, v22;
	v52 =	vxor.u32 $0x12, v20;
	v32 =	vld.idx.msk [tilespmem:v41+s2+$0x0], $0xffff;
	[tilespmem:v42+s18+$0x0] =	vst.idx.msk $0xffff, v27  }
0xb2: {  	v53 =	vxor.u32 $0x37, v22;
	v54 =	vxor.u32 $0x13, v20;
	v33 =	vld.idx.msk [tilespmem:v43+s2+$0x0], $0xffff;
	[tilespmem:v44+s18+$0x0] =	vst.idx.msk $0xffff, v29  }
0xb3: {  	v55 =	vxor.u32 $0x35, v22;
	v56 =	vxor.u32 $0x11, v20;
	v25 =	vld.idx.msk [tilespmem:v45+s2+$0x0], $0xffff;
	[tilespmem:v46+s18+$0x0] =	vst.idx.msk $0xffff, v23  }
0xb4: {  	v57 =	vxor.u32 $0x34, v22;
	v58 =	vor.u32 v14, v21;
	v27 =	vld.idx.msk [tilespmem:v47+s2+$0x0], $0xffff;
	[tilespmem:v48+s18+$0x0] =	vst.idx.msk $0xffff, v24  }
0xb5: {  	v59 =	vxor.u32 $0x3C, v22;
	v60 =	vor.u32 v15, v21;
	v29 =	vld.idx.msk [tilespmem:v49+s2+$0x0], $0xffff;
	[tilespmem:v50+s18+$0x0] =	vst.idx.msk $0xffff, v26  }
0xb6: {  	v61 =	vxor.u32 $0x3D, v22;
	v62 =	vxor.u32 $0x31, v20;
	v23 =	vld.idx.msk [tilespmem:v51+s2+$0x0], $0xffff;
	[tilespmem:v52+s18+$0x0] =	vst.idx.msk $0xffff, v28  }
0xb7: {  	v63 =	vxor.u32 $0x3F, v22;
	v40 =	vxor.u32 $0x33, v20;
	v24 =	vld.idx.msk [tilespmem:v53+s2+$0x0], $0xffff;
	[tilespmem:v54+s18+$0x0] =	vst.idx.msk $0xffff, v30  }
0xb8: {  	v41 =	vxor.u32 $0x3E, v22;
	v42 =	vxor.u32 $0x32, v20;
	v26 =	vld.idx.msk [tilespmem:v55+s2+$0x0], $0xffff;
	[tilespmem:v56+s18+$0x0] =	vst.idx.msk $0xffff, v31  }
0xb9: {  	v43 =	vxor.u32 $0x3A, v22;
	v44 =	vxor.u32 $0x36, v20;
	v28 =	vld.idx.msk [tilespmem:v57+s2+$0x0], $0xffff;
	[tilespmem:v58+s18+$0x0] =	vst.idx.msk $0xffff, v32  }
0xba: {  	v45 =	vxor.u32 $0x3B, v22;
	v46 =	vxor.u32 $0x37, v20;
	v30 =	vld.idx.msk [tilespmem:v59+s2+$0x0], $0xffff;
	[tilespmem:v60+s18+$0x0] =	vst.idx.msk $0xffff, v33  }
0xbb: {  	v47 =	vxor.u32 $0x39, v22;
	v48 =	vxor.u32 $0x35, v20;
	v31 =	vld.idx.msk [tilespmem:v61+s2+$0x0], $0xffff;
	[tilespmem:v62+s18+$0x0] =	vst.idx.msk $0xffff, v25  }
0xbc: {  	v49 =	vxor.u32 $0x38, v22;
	v50 =	vxor.u32 $0x34, v20;
	v32 =	vld.idx.msk [tilespmem:v63+s2+$0x0], $0xffff;
	[tilespmem:v40+s18+$0x0] =	vst.idx.msk $0xffff, v27  }
0xbd: {  	v51 =	vxor.u32 $0x28, v22;
	v52 =	vxor.u32 $0x3C, v20;
	v33 =	vld.idx.msk [tilespmem:v41+s2+$0x0], $0xffff;
	[tilespmem:v42+s18+$0x0] =	vst.idx.msk $0xffff, v29  }
0xbe: {  	v53 =	vxor.u32 $0x29, v22;
	v54 =	vxor.u32 $0x3D, v20;
	v25 =	vld.idx.msk [tilespmem:v43+s2+$0x0], $0xffff;
	[tilespmem:v44+s18+$0x0] =	vst.idx.msk $0xffff, v23  }
0xbf: {  	v55 =	vxor.u32 $0x2B, v22;
	v56 =	vxor.u32 $0x3F, v20;
	v27 =	vld.idx.msk [tilespmem:v45+s2+$0x0], $0xffff;
	[tilespmem:v46+s18+$0x0] =	vst.idx.msk $0xffff, v24  }
0xc0: {  	v57 =	vxor.u32 $0x2A, v22;
	v58 =	vxor.u32 $0x3E, v20;
	v29 =	vld.idx.msk [tilespmem:v47+s2+$0x0], $0xffff;
	[tilespmem:v48+s18+$0x0] =	vst.idx.msk $0xffff, v26  }
0xc1: {  	v59 =	vxor.u32 $0x2E, v22;
	v60 =	vxor.u32 $0x3A, v20;
	v23 =	vld.idx.msk [tilespmem:v49+s2+$0x0], $0xffff;
	[tilespmem:v50+s18+$0x0] =	vst.idx.msk $0xffff, v28  }
0xc2: {  	v61 =	vxor.u32 $0x2F, v22;
	v62 =	vxor.u32 $0x3B, v20;
	v24 =	vld.idx.msk [tilespmem:v51+s2+$0x0], $0xffff;
	[tilespmem:v52+s18+$0x0] =	vst.idx.msk $0xffff, v30  }
0xc3: {  	v63 =	vxor.u32 $0x2D, v22;
	v40 =	vxor.u32 $0x39, v20;
	v26 =	vld.idx.msk [tilespmem:v53+s2+$0x0], $0xffff;
	[tilespmem:v54+s18+$0x0] =	vst.idx.msk $0xffff, v31  }
0xc4: {  	v41 =	vxor.u32 $0x2C, v22;
	v42 =	vxor.u32 v16, v21;
	v28 =	vld.idx.msk [tilespmem:v55+s2+$0x0], $0xffff;
	[tilespmem:v56+s18+$0x0] =	vst.idx.msk $0xffff, v32  }
0xc5: {  	v43 =	vxor.u32 $0x24, v22;
	v44 =	vxor.u32 v17, v21;
	v30 =	vld.idx.msk [tilespmem:v57+s2+$0x0], $0xffff;
	[tilespmem:v58+s18+$0x0] =	vst.idx.msk $0xffff, v33  }
0xc6: {  	v45 =	vxor.u32 $0x25, v22;
	v46 =	vxor.u32 $0x29, v20;
	v31 =	vld.idx.msk [tilespmem:v59+s2+$0x0], $0xffff;
	[tilespmem:v60+s18+$0x0] =	vst.idx.msk $0xffff, v25  }
0xc7: {  	v47 =	vxor.u32 $0x27, v22;
	v48 =	vxor.u32 $0x2B, v20;
	v32 =	vld.idx.msk [tilespmem:v61+s2+$0x0], $0xffff;
	[tilespmem:v62+s18+$0x0] =	vst.idx.msk $0xffff, v27  }
0xc8: {  	v49 =	vxor.u32 $0x26, v22;
	v50 =	vxor.u32 $0x2A, v20;
	v33 =	vld.idx.msk [tilespmem:v63+s2+$0x0], $0xffff;
	[tilespmem:v40+s18+$0x0] =	vst.idx.msk $0xffff, v29  }
0xc9: {  	v51 =	vxor.u32 $0x22, v22;
	v52 =	vxor.u32 $0x2E, v20;
	v25 =	vld.idx.msk [tilespmem:v41+s2+$0x0], $0xffff;
	[tilespmem:v42+s18+$0x0] =	vst.idx.msk $0xffff, v23  }
0xca: {  	v53 =	vxor.u32 $0x23, v22;
	v54 =	vxor.u32 $0x2F, v20;
	v27 =	vld.idx.msk [tilespmem:v43+s2+$0x0], $0xffff;
	[tilespmem:v44+s18+$0x0] =	vst.idx.msk $0xffff, v24  }
0xcb: {  	v55 =	vxor.u32 $0x21, v22;
	v56 =	vxor.u32 $0x2D, v20;
	v29 =	vld.idx.msk [tilespmem:v45+s2+$0x0], $0xffff;
	[tilespmem:v46+s18+$0x0] =	vst.idx.msk $0xffff, v26  }
0xcc: {  	v22 =	vor.u32 $0x20, v22;
	v57 =	vxor.u32 $0x2C, v20;
	v23 =	vld.idx.msk [tilespmem:v47+s2+$0x0], $0xffff;
	[tilespmem:v48+s18+$0x0] =	vst.idx.msk $0xffff, v28  }
0xcd: {  	v58 =	vxor.u32 $0x24, v20;
	v24 =	vld.idx.msk [tilespmem:v49+s2+$0x0], $0xffff;
	[tilespmem:v50+s18+$0x0] =	vst.idx.msk $0xffff, v30  }
0xce: {  	v59 =	vxor.u32 $0x25, v20;
	v26 =	vld.idx.msk [tilespmem:v51+s2+$0x0], $0xffff;
	[tilespmem:v52+s18+$0x0] =	vst.idx.msk $0xffff, v31  }
0xcf: {  	v60 =	vxor.u32 $0x27, v20;
	v28 =	vld.idx.msk [tilespmem:v53+s2+$0x0], $0xffff;
	[tilespmem:v54+s18+$0x0] =	vst.idx.msk $0xffff, v32  }
0xd0: {  	v61 =	vxor.u32 $0x26, v20;
	v30 =	vld.idx.msk [tilespmem:v55+s2+$0x0], $0xffff;
	[tilespmem:v56+s18+$0x0] =	vst.idx.msk $0xffff, v33  }
0xd1: {  	v62 =	vxor.u32 $0x22, v20;
	v22 =	vld.idx.msk [tilespmem:v22+s2+$0x0], $0xffff;
	[tilespmem:v57+s18+$0x0] =	vst.idx.msk $0xffff, v25  }
0xd2: {  	v63 =	vxor.u32 $0x23, v20;
	[tilespmem:v58+s18+$0x0] =	vst.idx.msk $0xffff, v27  }
0xd3: {  	v20 =	vxor.u32 $0x21, v20;
	[tilespmem:v59+s18+$0x0] =	vst.idx.msk $0xffff, v29  }
0xd4: {  	p0 =	sne.s32 s24, $0x31;
	v21 =	vor.u32 v18, v21;
	[tilespmem:v60+s18+$0x0] =	vst.idx.msk $0xffff, v23  }
.Ltmp4:
0xd5: {  	[tilespmem:v61+s18+$0x0] =	vst.idx.msk $0xffff, v24;
	(pc) =	sbr.rel @p0 .LBB2_9-.Ltmp4, $4  }
0xd6: {  	[tilespmem:v62+s18+$0x0] =	vst.idx.msk $0xffff, v26  }
0xd7: {  	[tilespmem:v63+s18+$0x0] =	vst.idx.msk $0xffff, v28  }
0xd8: {  	[tilespmem:v20+s18+$0x0] =	vst.idx.msk $0xffff, v30  }
0xd9: {  	s24 =	sadd.s32 $0x1, s24;
	s23 =	sadd.s32 $0x40, s23;
	[tilespmem:v21+s18+$0x0] =	vst.idx.msk $0xffff, v22  }
0xda: {  	s21 =	sadd.s32 $0x1, s21  }
0xdb: {  	p0 =	sne.s32 s21, $0x10  }
.Ltmp5:
0xdc: {  	_ = 	snop;
	(pc) =	sbr.rel @p0 .LBB2_2-.Ltmp5, $4  }
0xdd: {  	s22 =	sshll.u32 s22, $0x3  }
0xde: {  	s22 =	sand.u32 $0x1FFFFF00, s22  }
0xdf: {  	s22 =	sadd.s32 s1, s22  }
0xe0: {  	[hbm4b:s22+s2] =	stream.linear.scatter [tilespmem:s18], [sflag:$0x4], $0xC800, $0x38;
	[tilespmem:$0x1A640] =	vst v63  }
0xe1: {  	s20 =	sadd.s32 $0x1, s20  }
0xe2: {  	_ =	swait.ge [sflag:s19], $0xC800;
	p0 =	sne.s32 s20, s10  }
.Ltmp6:
0xe3: {  	[sflag:s19] =	ssyncset.done $0x0;
	(pc) =	sbr.rel @p0 .LBB2_1-.Ltmp6, $4  }
0xe4: {  	[sflag:s19] =	ssyncadd.s32 $0xFFFF3800  }
0xe5: {  	_ =	swait.ge [sflag:s17], $0xC800  }
0xe6: {  	[sflag:s17] =	ssyncset.done $0x0  }
0xe7: {  	[sflag:s17] =	ssyncadd.s32 $0xFFFF3800  }
0xe8: {  	_ =	sfence.sel $0x180000  }
0xe9: {  	[bflag:$0x0] =	sbarrier.arrive $0xFFFF  }
0xea: {  	p0 =	sne.s32 s0, $0x0;
	_ =	strace $0x90000047  }
0xeb: {  	s0 =	sadd.s32 @!p0 $0x100000, s3;
	[bflag:$0x2] =	sbarrier.arrive $0xFFFF  }
0xec: {  	[sflag:s0] =	ssyncadd.tile.s32 @!p0 $0x1;
	_ =	shalt  }
.Lfunc_end2:
_tile_overlayer_lowered:
.L_overlay_start_2:
0xed: {  	(tag) =	ssettag $0x2  }
0xee: {  	s0 =	rddreg [dreg:$0x0];
	s2 =	stileid.u32  }
0xef: {  	s1 =	rddreg [dreg:$0x1];
	p0 =	sne.s32 s2, $0x0  }
0xf0: {  	s3 =	rddreg [dreg:$0x2];
	[bflag:$0x3] =	sbarrier.arrive $0xFFFF;
	s2 =	simm.s32 @!p0 $0x1C05  }
0xf1: {  	[timem:s3], [sflag:s2] =	dma.local @!p0 [hbm:s0], s1  }
0xf2: {  	s0 =	simm.s32 @!p0 $0x5  }
0xf3: {  	_ =	swait.ge @!p0 [sflag:s0], s1  }
0xf4: {  	s1 =	ssub.s32 @!p0 $0x0, s1;
	[sflag:s0] =	ssyncset.done @!p0 $0x0  }
0xf5: {  	[sflag:s0] =	ssyncadd.s32 @!p0 s1  }
0xf6: {  	[bflag:$0x3] =	sbarrier.arrive $0xFFFF  }
0xf7: {  	_ =	shalt  }

// kernel: sparse-core-data-format-call.cloned.1.call-start
scs
called_computation_lowered:
.L_overlay_start_0:
0x0: {  	s2 =	sld [smem:$0x3FD9]  }
0x1: {  	s3 =	sld [smem:$0x3FFE];
	_ =	sdelay $0x1  }
0x2: {  	s1 =	srdreg.scid  }
0x3: {  	s0 =	sand.u32 $0x1, s1  }
0x4: {  	s18 =	sshll.u32 s0, $0xA;
	s2 =	sadd.s32 s3, s2  }
0x5: {  	s2 =	sadd.s32 s2, s18  }
0x6: {  	[smem:$0x3FC6] =	sst s2  }
0x7: {  	_ = 	snop  }
0x8: {  	s2 =	sld [smem:$0x3FD0];
	(tm) =	ssettm $0x1  }
0x9: {  	s19 =	sld [smem:$0x3FFB];
	_ =	sdelay $0x3  }
0xa: {  	_ =	strace s19  }
0xb: {  	s3 =	sld [smem:$0x3FFC];
	_ =	sdelay $0x3  }
0xc: {  	_ =	strace s3  }
0xd: {  	s3 =	sld [smem:$0x3FFD];
	_ =	sdelay $0x3  }
0xe: {  	_ =	strace s3  }
0xf: {  	_ =	strace $0x8FFFFFFF  }
0x10: {  	s20 =	sld [smem:$0x3FDB];
	_ =	sdelay $0x1  }
0x11: {  	s4 =	simm.s32 $_scs_section_size  }
0x12: {  	s5 =	simm.s32 $_size__tile_overlayer_lowered;
	s6 =	simm.s32 $_tile_overlayer_lowered  }
0x13: {  	s23 =	simm.s32 $0x1BFF;
	s22 =	sshll.u32 s6, $0x1;
	s3 =	sadd.s32 s4, s20  }
0x14: {  	s7 =	simm.s32 $0x0;
	s21 =	sshll.u32 s5, $0x1;
	s5 =	sadd.s32 s22, s3  }
0x15: {  	[timem:s7], [sflag:s23] =	dma.local [hbm:s5], s21  }
0x16: {  	_ =	swait.ge [sflag:s23], s21  }
0x17: {  	s4 =	ssub.s32 $0x0, s21;
	[sflag:s23] =	ssyncset.done $0x0  }
0x18: {  	[sflag:s23] =	ssyncadd.s32 s4;
	_ =	sdelay $0x1  }
0x19: {  	s24 =	simm.s32 $0x1B8B  }
0x1a: {  	_ =	swait.ge [sflag:s24], $0x1  }
0x1b: {  	[sflag:s24] =	ssyncset.done $0x0  }
0x1c: {  	s26 =	simm.s32 $0x1B8E;
	s25 =	sld [smem:$0x3FFE];
	[sflag:s24] =	ssyncadd.s32 $0xFFFFFFFF  }
0x1d: {  	s27 =	simm.s32 $execute0_lowered;
	[smem:$0x3FD2] =	sst s26  }
0x1e: {  	s5 =	sshll.u32 s27, $0x1;
	_ =	strace $0x80000049;
	[dreg:$0x1] =	wrdreg $0xFFFFFFFF  }
0x1f: {  	s28 =	simm.s32 $_size_execute0_lowered;
	s3 =	sadd.s32 s3, s5;
	[dreg:$0x0] =	wrdreg $0x0  }
0x20: {  	s5 =	sshll.u32 s28, $0x1;
	[dreg:$0x2] =	wrdreg s3  }
0x21: {  	[dreg:$0x3] =	wrdreg s5  }
0x22: {  	[dreg:$0x4] =	wrdreg $0xC0  }
0x23: {  	_ =	task [dreg:s7], $0x5FFFF  }
0x24: {  	[dreg:$0x1] =	wrdreg $0xFFFFFFFF  }
0x25: {  	[dreg:$0x0] =	wrdreg $0x60  }
0x26: {  	[dreg:$0x2] =	wrdreg s25  }
0x27: {  	[dreg:$0x3] =	wrdreg s2  }
0x28: {  	[dreg:$0x4] =	wrdreg $0x9  }
0x29: {  	_ =	task.clear_ibuf [dreg:s7], $0x5FFFF;
	_ =	strace $0x90000049  }
0x2a: {  	s29 =	simm.s32 $0x9;
	_ =	strace $0x8000004B  }
0x2b: {  	_ =	swait.ge [sflag:s29], $0x1  }
0x2c: {  	[sflag:s29] =	ssyncadd.s32 $0xFFFFFFFF  }
0x2d: {  	_ =	strace $0x9000004B  }
0x2e: {  	_ =	sfence  }
0x2f: {  	s30 =	sld [smem:$0x0];
	_ =	sdelay $0x2  }
0x30: {  	s31 =	sshll.u32 s1, $0xD;
	s1 =	sshrl.u32 s1, $0x2  }
0x31: {  	s3 =	sand.u32 $0x4000, s31;
	s1 =	sadd.s32 s1, s30  }
0x32: {  	s0 =	sor.u32 s3, s0;
	s1 =	sshll.u32 s1, $0x11  }
0x33: {  	s0 =	sor.u32 s1, s0  }
0x34: {  	s0 =	sadd.s32 $0x8F2B, s0  }
0x35: {  	[sflag:s0] =	ssyncadd.remote.s32 $0x1  }
0x36: {  	_ =	sfence.sel $0xFFFF  }
0x37: {  	[dreg:$0x0] =	wrdreg $0xFFFFFFFF;
	(pc) =	sbr.abs _section_cstart, $3  }
0x38: {  	[dreg:$0x1] =	wrdreg $0xFFFFFFFF  }
0x39: {  	_ =	task.clear_ibuf [dreg:s7], $0x2FFFF;
	_ =	strace $0x9FFFFFFF  }
0x3a: {  	(tm) =	ssettm $0x7FFFFFFF  }
0x3b: {  	_ =	shalt  }
tec
execute0_lowered:
.L_overlay_start_1:
0x0: {  	(tag) =	ssettag $0x1  }
0x1: {  	s0 =	srdreg.scid  }
0x2: {  	s1 =	sshll.u32 s0, $0x4  }
0x3: {  	s0 =	stileid.u32;
	s1 =	sand.u32 $0x10, s1  }
0x4: {  	s1 =	sor.u32 s0, s1  }
0x5: {  	s6 =	rddreg [dreg:$0x0];
	s4 =	simm.s32 $0x1;
	s2 =	sshll.u32 s1, $0x7  }
0x6: {  	s7 =	simm.s32 $0x2;
	s12 =	simm.s32 $0x0;
	s1 =	ssub.s32 $0x4000, s2  }
0x7: {  	s8 =	simm.s32 $0x20000;
	s13 =	simm.s32 $0x0;
	s3 =	sand.u32 $0xF80, s1  }
0x8: {  	s9 =	simm.s32 $0x0;
	s5 =	sshrl.u32 s1, $0xC;
	p0 =	sne.s32 s3, $0x0  }
.Ltmp0:
0x9: {  	s1 =	rddreg [dreg:$0x2];
	s4 =	simm.s32 @!p0 $0x0;
	(pc) =	sbr.rel .LBB1_1-.Ltmp0, $4  }
0xa: {  	s11 =	simm.s32 $0x0;
	s3 =	rddreg [dreg:$0x1];
	s5 =	sadd.s32 s4, s5  }
0xb: {  	_ =	strace $0x8000004A;
	s4 =	simm.s32 $0x1;
	s5 =	smul.u32 $0x32, s5  }
0xc: {  	s6 =	sadd.s32 $0x800, s6;
	s10 =	smov.u32 s2;
	[sflag:s4] =	ssyncpa.u1 $0x0  }
0xd: {  	p0 =	por $0x0, $0x0;
	[sflag:s7] =	ssyncpa.u1 $0x0;
	s7 =	sor.u32 $0x1, s5  }
.LBB1_4:
0xe: {  	s16 =	sshll.u32 s13, $0x3;
	s17 =	sand.u32 $0x78, s13  }
0xf: {  	s30 =	sand.u32 $0x1F800, s13;
	s12 =	sshll.u32 s12, $0x11;
	s16 =	sand.u32 $0x3C00, s16  }
0x10: {  	[tilespmem:s15+$0x810 ss:$0x81] =	vst.msk $0xffff, v2;
	s31 =	sand.u32 $0x7, s13;
	s16 =	sor.u32 s17, s16;
	s17 =	sadd.s32 s3, s30  }
0x11: {  	[tilespmem:s15+$0x1020 ss:$0x81] =	vst.msk $0xffff, v0;
	s13 =	sshll.u32 s31, $0x12;
	s12 =	sadd.s32 s12, s17;
	s16 =	sshrl.u32 s16, $0x3  }
0x12: {  	[tilespmem:s15+$0x0 ss:$0x81] =	vst.msk $0xffff, v1;
	s13 =	sor.u32 $0x400, s13;
	s12 =	sadd.s32 s16, s12  }
0x13: {  	[hbm4b:s12+s13] =	stream.strided.scatter [tilespmem:s14], [sflag:$0x2], $0x2000, s8, s13, $0x20;
	[tilespmem:$0x8080] =	vst v63  }
.LBB1_5:
0x14: {  	s14 =	sadd.s32 $0x1, s9  }
0x15: {  	s12 =	sadd.s32 $0x1000, s10;
	s16 =	smov.u32 s10;
	p2 =	sgt.s32 s14, $0x31  }
0x16: {  	s16 =	smov.u32 @p2 s12  }
0x17: {  	s14 =	simm.s32 @p2 $0x0;
	p2 =	sgt.s32 s16, $0x3FFF  }
0x18: {  	s16 =	smov.u32 @p2 s2;
	p2 =	sne.s32 s11, s7  }
.Ltmp1:
0x19: {  	p1 =	slt.u32 s11, $0x2;
	(pc) =	sbr.rel @!p2 .LBB1_6-.Ltmp1, $4  }
0x1a: {  	s15 =	simm.s32 @!p1 $0x2  }
0x1b: {  	s13 =	smov.u32 s10;
	p0 =	por !p0, !p0;
	_ =	swait.ge @!p1 [sflag:s15], $0x2000  }
0x1c: {  	s12 =	smov.u32 s9;
	[sflag:s15] =	ssyncset.done @!p1 $0x0;
	s9 =	smov.u32 s14  }
0x1d: {  	s11 =	sadd.s32 $0x1, s11;
	[sflag:s15] =	ssyncadd.s32 @!p1 $0xFFFFE000;
	s10 =	smov.u32 s16  }
.LBB1_1:
0x1e: {  	p1 =	sge.u32 s11, s5  }
0x1f: {  	s14 =	sand.u32 @!p1 $0x1FFFFFF, s9  }
0x20: {  	s15 =	smulhi.u32 @!p1 $0x4924925, s14;
	_ =	sdelay $0x1  }
0x21: {  	s15 =	smul.u32 @!p1 $0x38, s15  }
0x22: {  	s16 =	sxor.u32 @!p1 $0xFFFFFFFF, s11;
	s17 =	smul.u32 @!p1 $0x380, s10  }
0x23: {  	s31 =	sadd.s32 $0xFFFFFFFF, s11;
	s16 =	sshll.u32 @!p1 s16, $0xD;
	s14 =	ssub.s32 @!p1 s14, s15  }
0x24: {  	s15 =	sand.u32 @!p1 $0x2000, s16;
	s16 =	sadd.s32 @!p1 s6, s17;
	s14 =	sshll.u32 @!p1 s14, $0x4  }
0x25: {  	s17 =	simm.s32 @!p1 $0x1C00;
	s14 =	sadd.s32 @!p1 s14, s16;
	s16 =	simm.s32 @!p1 $0x40  }
0x26: {  	[tilespmem:s15], [sflag:$0x1] =	stream.strided.gather @!p1 [hbm4b:s14+s16], $0x2000, s17, s16, $0x38;
	[tilespmem:$0x8080] =	vst v63  }
0x27: {  	p1 =	sge.u32 s31, s5  }
.Ltmp2:
0x28: {  	_ = 	snop;
	(pc) =	sbr.rel @p1 .LBB1_5-.Ltmp2, $1  }
0x29: {  	_ =	sdelay $0x3  }
0x2a: {  	s14 =	simm.s32 $0x1  }
0x2b: {  	_ =	swait.ge [sflag:s4], $0x2000;
	s14 =	simm.s32 @!p0 $0x0  }
0x2c: {  	[sflag:s4] =	ssyncset.done $0x0;
	s15 =	sshll.u32 s14, $0xD  }
0x2d: {  	[sflag:s4] =	ssyncadd.s32 $0xFFFFE000;
	s18 =	sor.u32 $0x20, s15  }
0x2e: {  	s14 =	smul.u32 $0x8100, s14;
	v3 =	vld [tilespmem:s18+$0x10]  }
0x2f: {  	s30 =	sand.u32 $0x1, s11;
	v2 =	vld [tilespmem:s18+$0xFFFFFFF0]  }
0x30: {  	s15 =	smul.u32 $0x8100, s30;
	s14 =	sshrl.u32 s14, $0x2;
	v0 =	vld [tilespmem:s18+$0x0]  }
0x31: {  	v1 =	vld [tilespmem:s18+$0xFFFFFFE0];
	s16 =	sor.u32 $0x4000, s14  }
0x32: {  	s31 =	sshrl.u32 s15, $0x2;
	s15 =	sadd.s32 $0x0, s16  }
0x33: {  	s17 =	simm.s32 $0x4;
	s18 =	sadd.s32 $0x40, s18;
	s14 =	sor.u32 $0x4000, s31;
	[tilespmem:s15+$0x1830 ss:$0x81] =	vst.msk $0xffff, v3  }
.LBB1_3:
0x34: {  	v3 =	vld [tilespmem:s18+$0x10];
	p1 =	sne.s32 s17, $0x1FC;
	[tilespmem:s15+$0x810 ss:$0x81] =	vst.msk $0xffff, v2;
	s19 =	smov.u32 s17;
	s17 =	sadd.s32 $0x4, s17  }
.Ltmp3:
0x35: {  	v2 =	vld [tilespmem:s18+$0xFFFFFFF0];
	[tilespmem:s15+$0x1020 ss:$0x81] =	vst.msk $0xffff, v0;
	(pc) =	sbr.rel @p1 .LBB1_3-.Ltmp3, $4  }
0x36: {  	v0 =	vld [tilespmem:s18+$0x0];
	[tilespmem:s15+$0x0 ss:$0x81] =	vst.msk $0xffff, v1  }
0x37: {  	s15 =	sshra.s32 s19, $0x2;
	v1 =	vld [tilespmem:s18+$0xFFFFFFE0]  }
0x38: {  	s15 =	sadd.s32 s15, s16  }
0x39: {  	s18 =	sadd.s32 $0x40, s18;
	[tilespmem:s15+$0x1830 ss:$0x81] =	vst.msk $0xffff, v3  }
.Ltmp4:
0x3a: {  	_ = 	snop;
	(pc) =	sbr.rel .LBB1_4-.Ltmp4, $1  }
0x3b: {  	_ =	sdelay $0x3  }
.LBB1_6:
0x3c: {  	_ =	sfence.sel $0x180000  }
0x3d: {  	s2 =	simm.s32 $0x1;
	[bflag:$0x0] =	sbarrier.arrive $0xFFFF  }
0x3e: {  	s31 =	simm.s32 $0x2;
	[sflag:s2] =	ssyncpa.u1 $0x1  }
0x3f: {  	[sflag:s31] =	ssyncpa.u1 $0x1  }
0x40: {  	p0 =	sne.s32 s0, $0x0;
	_ =	strace $0x9000004A  }
0x41: {  	s0 =	sadd.s32 @!p0 $0x100000, s1;
	[bflag:$0x2] =	sbarrier.arrive $0xFFFF  }
0x42: {  	[sflag:s0] =	ssyncadd.tile.s32 @!p0 $0x1;
	_ =	shalt  }
.Lfunc_end1:
_tile_overlayer_lowered:
.L_overlay_start_2:
0x43: {  	(tag) =	ssettag $0x2  }
0x44: {  	s0 =	rddreg [dreg:$0x0];
	s2 =	stileid.u32  }
0x45: {  	s1 =	rddreg [dreg:$0x1];
	p0 =	sne.s32 s2, $0x0  }
0x46: {  	s3 =	rddreg [dreg:$0x2];
	[bflag:$0x3] =	sbarrier.arrive $0xFFFF;
	s2 =	simm.s32 @!p0 $0x1C01  }
0x47: {  	[timem:s3], [sflag:s2] =	dma.local @!p0 [hbm:s0], s1  }
0x48: {  	s0 =	simm.s32 @!p0 $0x1  }
0x49: {  	_ =	swait.ge @!p0 [sflag:s0], s1  }
0x4a: {  	s1 =	ssub.s32 @!p0 $0x0, s1;
	[sflag:s0] =	ssyncset.done @!p0 $0x0  }
0x4b: {  	[sflag:s0] =	ssyncadd.s32 @!p0 s1  }
0x4c: {  	[bflag:$0x3] =	sbarrier.arrive $0xFFFF  }
0x4d: {  	_ =	shalt  }

</sc_bundles>
